<compile_context>
chip_gen: v7x
topology: tpu7x:2x2x1
jax: 0.10.2.dev20260603
libtpu: 0.0.44.dev20260713+nightly
codegen_flags: <defaults>
</compile_context>

<pallas_src>
import functools

import jax
import jax.numpy as jnp
from jax import lax
from jax.experimental import pallas as pl
from jax.experimental.pallas import tpu as pltpu
from jax.experimental.pallas import tpu_sc as plsc

N = 100000
E = 1600000
NP = 100352
EPAD = 1638400
ER = EPAD // 128
ER0 = E // 128
K = 5
KD = 10
WT = NP // 16
D = 16
R = 1024
F32 = jnp.float32

_mesh = plsc.VectorSubcoreMesh(core_axis_name="c", subcore_axis_name="s")
_sc_params = pltpu.CompilerParams(use_tc_tiling_on_sc=False)
_sc_params_nl = pltpu.CompilerParams(use_tc_tiling_on_sc=False,
                                     needs_layout_passes=False)


@functools.partial(
    pl.kernel,
    out_type=jax.ShapeDtypeStruct((2, NP, 16), F32),
    mesh=_mesh,
    scratch_types=[
        pltpu.VMEM((3, KD, 2, 128), jnp.int32),
        pltpu.VMEM((128,), F32),
        pltpu.VMEM((KD * 128,), F32),
        pltpu.VMEM((WT,), F32),
        pltpu.VMEM((WT, 16), F32),
        pltpu.VMEM_SHARED((NP,), F32),
        pltpu.SemaphoreType.DMA,
        pltpu.SemaphoreType.DMA,
    ],
    compiler_params=_sc_params_nl,
)
def _deg_kernel(ed_hbm, edp_hbm, zeros_hbm, out_hbm, edv, ones_v, dsc, db, eb,
                acc, isem, ssem):
    cid = lax.axis_index("c")
    sid = lax.axis_index("s")

    def _o16(i, c):
        ones_v[pl.ds(i * 16, 16)] = jnp.ones((16,), F32)
        return c

    lax.fori_loop(0, 8, _o16, 0)

    base = sid * WT
    pltpu.sync_copy(zeros_hbm, acc.at[pl.ds(base, WT)])
    plsc.subcore_barrier()

    rows_per_tile = ER // 32
    nch = rows_per_tile // KD
    row_base = cid * (ER // 2) + sid * rows_per_tile

    def start_stage(c, buf):
        r0 = row_base + c * KD

        @pl.when(r0 < ER0)
        def _():
            pltpu.async_copy(ed_hbm.at[pl.ds(r0, KD)], edv.at[buf], isem)

        @pl.when(r0 >= ER0)
        def _():
            pltpu.async_copy(edp_hbm.at[pl.ds(r0 - ER0, KD)],
                             edv.at[buf], isem)

    def drain_stage():
        pltpu.make_async_copy(ed_hbm.at[pl.ds(0, KD)],
                              edv.at[0], isem).wait()

    def start_scatters(buf):
        for j in range(KD):
            pltpu.async_copy(ones_v, acc.at[edv.at[buf, j, 1]], ssem, add=True)

    def drain_scatters():
        pltpu.make_async_copy(zeros_hbm.at[pl.ds(0, KD * 128)],
                              dsc, ssem).wait()

    start_stage(0, 0)

    def body(ci, carry):
        cb = lax.rem(ci, 3)
        drain_stage()

        @pl.when(ci >= 2)
        def _():
            drain_scatters()

        @pl.when(ci + 1 < nch)
        def _():
            start_stage(ci + 1, lax.rem(ci + 1, 3))

        start_scatters(cb)
        return carry

    lax.fori_loop(0, nch, body, 0)
    drain_scatters()
    drain_scatters()

    plsc.subcore_barrier()
    pltpu.sync_copy(acc.at[pl.ds(base, WT)], db)

    def _expand(n2, c):
        eb[n2, :] = plsc.load_gather(db, [jnp.full((16,), n2, jnp.int32)])
        return c

    lax.fori_loop(0, WT, _expand, 0)
    pltpu.sync_copy(eb, out_hbm.at[cid, pl.ds(base, WT)])


def _make_prop(split_edges):

    @functools.partial(
        pl.kernel,
        out_type=jax.ShapeDtypeStruct((2, NP, D), F32),
        mesh=_mesh,
        scratch_types=[
            pltpu.VMEM((3, K, 2, 128), jnp.int32),
            pltpu.VMEM((2, K * 128, D), F32),
            pltpu.VMEM_SHARED((NP, D), F32),
            pltpu.SemaphoreType.DMA,
            pltpu.SemaphoreType.DMA,
            pltpu.SemaphoreType.DMA,
        ],
        compiler_params=_sc_params,
    )
    def prop(ed_hbm, edp_hbm, table_hbm, zeros_hbm, out_hbm,
             edv, rows, acc, isem, gsem, ssem):
        cid = lax.axis_index("c")
        sid = lax.axis_index("s")

        base = sid * WT
        pltpu.sync_copy(zeros_hbm, acc.at[pl.ds(base, WT)])
        plsc.subcore_barrier()

        if split_edges:
            rows_per_tile = ER // 32
            row_base = cid * (ER // 2) + sid * rows_per_tile
        else:
            rows_per_tile = ER // 16
            row_base = sid * rows_per_tile

        nch = rows_per_tile // K
        src_off = cid * NP

        def start_stage(c, buf):
            r0 = row_base + c * K

            @pl.when(r0 < ER0)
            def _():
                pltpu.async_copy(ed_hbm.at[pl.ds(r0, K)], edv.at[buf], isem)

            @pl.when(r0 >= ER0)
            def _():
                pltpu.async_copy(edp_hbm.at[pl.ds(r0 - ER0, K)],
                                 edv.at[buf], isem)

        def drain_stage():
            pltpu.make_async_copy(ed_hbm.at[pl.ds(0, K)],
                                  edv.at[0], isem).wait()

        def start_gathers(buf3, b2):
            for j in range(K):
                pltpu.async_copy(table_hbm.at[edv.at[buf3, j, 0]],
                                 rows.at[b2, pl.ds(j * 128, 128)], gsem)

        def drain_gathers():
            pltpu.make_async_copy(table_hbm.at[pl.ds(0, K * 128)],
                                  rows.at[0], gsem).wait()

        def start_scatters(buf3, b2):
            for j in range(K):
                pltpu.async_copy(rows.at[b2, pl.ds(j * 128, 128)],
                                 acc.at[edv.at[buf3, j, 1]], ssem, add=True)

        def drain_scatters():
            pltpu.make_async_copy(table_hbm.at[pl.ds(0, K * 128)],
                                  rows.at[0], ssem).wait()

        start_stage(0, 0)

        def body(ci, carry):
            b = lax.rem(ci, 2)
            cb = lax.rem(ci, 3)
            pb = lax.rem(ci + 1, 2)
            pcb = lax.rem(ci + 2, 3)
            drain_stage()
            if not split_edges:
                for j in range(K):
                    for s in range(8):
                        sl = pl.ds(s * 16, 16)
                        edv[cb, j, 0, sl] = edv[cb, j, 0, sl] + src_off

            @pl.when(ci >= 2)
            def _():
                drain_scatters()

            @pl.when(ci + 1 < nch)
            def _():
                start_stage(ci + 1, lax.rem(ci + 1, 3))

            @pl.when(ci >= 1)
            def _():
                drain_gathers()
                start_scatters(pcb, pb)

            start_gathers(cb, b)
            return carry

        lax.fori_loop(0, nch, body, 0)

        drain_scatters()
        drain_gathers()
        start_scatters((nch - 1) % 3, (nch - 1) % 2)
        drain_scatters()

        plsc.subcore_barrier()
        pltpu.sync_copy(acc.at[pl.ds(base, WT)],
                        out_hbm.at[cid, pl.ds(base, WT)])

    return prop


_prop1 = _make_prop(split_edges=False)
_prop2 = _make_prop(split_edges=True)


HB = 896
FH = NP * 16 // 128
NBLK = FH // HB


def _tc_scale(xh, deg16):
    def body(x_ref, d_ref, xs_ref, dinv_ref):
        dinv = lax.rsqrt(d_ref[0] + d_ref[1] + 1.0)
        dinv_ref[...] = dinv
        xs_ref[0] = x_ref[0] * dinv
        xs_ref[1] = x_ref[1] * dinv

    return pl.pallas_call(
        body,
        grid=(NBLK,),
        in_specs=[
            pl.BlockSpec((2, HB, 128), lambda i: (0, i, 0)),
            pl.BlockSpec((2, HB, 128), lambda i: (0, i, 0)),
        ],
        out_specs=[
            pl.BlockSpec((2, HB, 128), lambda i: (0, i, 0)),
            pl.BlockSpec((HB, 128), lambda i: (i, 0)),
        ],
        out_shape=[
            jax.ShapeDtypeStruct((2, FH, 128), F32),
            jax.ShapeDtypeStruct((FH, 128), F32),
        ],
    )(xh, deg16)


def _tc_mid(p2f, xs2f, dinvf, w1bd, b1t, w2bd):
    def body(p_ref, x_ref, d_ref, w1_ref, b1_ref, w2_ref, o_ref):
        dinv = d_ref[...]
        t0 = (p_ref[0] + x_ref[0]) * dinv
        t1 = (p_ref[1] + x_ref[1]) * dinv
        h = (jnp.dot(t0, w1_ref[0], preferred_element_type=F32)
             + jnp.dot(t1, w1_ref[1], preferred_element_type=F32))
        h = jnp.maximum(h + b1_ref[0, :], 0.0)
        z = jnp.dot(h, w2_ref[...], preferred_element_type=F32)
        o_ref[...] = z * dinv

    return pl.pallas_call(
        body,
        grid=(NBLK,),
        in_specs=[
            pl.BlockSpec((2, HB, 128), lambda i: (0, i, 0)),
            pl.BlockSpec((2, HB, 128), lambda i: (0, i, 0)),
            pl.BlockSpec((HB, 128), lambda i: (i, 0)),
            pl.BlockSpec((2, 128, 512), lambda i: (0, 0, 0)),
            pl.BlockSpec((1, 512), lambda i: (0, 0)),
            pl.BlockSpec((512, 128), lambda i: (0, 0)),
        ],
        out_specs=pl.BlockSpec((HB, 128), lambda i: (i, 0)),
        out_shape=jax.ShapeDtypeStruct((FH, 128), F32),
    )(p2f, xs2f, dinvf, w1bd, b1t, w2bd)


def _tc_out(q2f, zsf, dinvf, b2tile):
    def body(q_ref, z_ref, d_ref, b_ref, o_ref):
        s = q_ref[0] + q_ref[1] + z_ref[...]
        o_ref[...] = s * d_ref[...] + b_ref[0, :]

    return pl.pallas_call(
        body,
        grid=(NBLK,),
        in_specs=[
            pl.BlockSpec((2, HB, 128), lambda i: (0, i, 0)),
            pl.BlockSpec((HB, 128), lambda i: (i, 0)),
            pl.BlockSpec((HB, 128), lambda i: (i, 0)),
            pl.BlockSpec((1, 128), lambda i: (0, 0)),
        ],
        out_specs=pl.BlockSpec((HB, 128), lambda i: (i, 0)),
        out_shape=jax.ShapeDtypeStruct((FH, 128), F32),
    )(q2f, zsf, dinvf, b2tile)


@jax.jit
def _run(x, edge_index, W1, b1, W2, b2):
    edr = jnp.transpose(edge_index.astype(jnp.int32).reshape(2, ER0, 128),
                        (1, 0, 2))
    pad_idx = N + jnp.arange(EPAD - E, dtype=jnp.int32) % (NP - N)
    padr = pad_idx.reshape(ER - ER0, 128)
    edpad = jnp.stack([padr, padr], axis=1)

    xpad = jnp.pad(x, ((0, NP - N), (0, 3)))
    xh = jnp.stack([xpad[:, :16], xpad[:, 16:]]).reshape(2, FH, 128)
    w1p = jnp.zeros((32, 64), F32).at[:29, :].set(W1)
    w2p = jnp.zeros((64, 16), F32).at[:, :2].set(W2)
    eye8 = jnp.eye(8, dtype=F32)
    w1bd = jnp.stack([jnp.kron(eye8, w1p[:16]), jnp.kron(eye8, w1p[16:])])
    w2bd = jnp.kron(eye8, w2p)
    b1t = jnp.tile(b1, 8).reshape(1, 512)
    b2tile = jnp.tile(jnp.zeros((16,), F32).at[:2].set(b2), 8).reshape(1, 128)
    zrow = jnp.zeros((WT, D), F32)
    zdeg = jnp.zeros((WT,), F32)

    deg16 = _deg_kernel(edr, edpad, zdeg).reshape(2, FH, 128)
    xs2f, dinvf = _tc_scale(xh, deg16)
    xs_tab = xs2f.reshape(2 * NP, 16)
    p2 = _prop1(edr, edpad, xs_tab, zrow)
    p2f = p2.reshape(2, FH, 128)
    zsf = _tc_mid(p2f, xs2f, dinvf, w1bd, b1t, w2bd)
    zs16 = zsf.reshape(NP, 16)
    q2 = _prop2(edr, edpad, zs16, zrow)
    q2f = q2.reshape(2, FH, 128)
    outp = _tc_out(q2f, zsf, dinvf, b2tile)
    o0 = outp[:, 0::16].reshape(NP)
    o1 = outp[:, 1::16].reshape(NP)
    return jnp.stack([o0, o1], axis=1)[:N]


def kernel(x, edge_index, W1, b1, W2, b2):
    return _run(x, edge_index, W1, b1, W2, b2)

# --- scband reference (transcript-rebuilt; emitter-appended) ---
"""Pipeline reference for scband-gnnmodel-68934225101487 (READ-ONLY COPY).

The authoritative reference and input builder live on the scoring server;
editing this copy changes nothing except your own understanding.
"""

import jax, jax.numpy as jnp
import numpy as np

N = 100000
E = 1600000
IN_DIM = 29
HID = 64
OUT = 2


def _glorot(key, shape):
    fan_in, fan_out = shape[0], shape[1]
    limit = np.sqrt(6.0 / (fan_in + fan_out))
    return jax.random.uniform(key, shape, jnp.float32, -limit, limit)


def gcn_conv(x, src, dst, W, b, n):
    # PyG GCNConv with add_self_loops already applied to (src, dst):
    # deg from dst (in-degree incl. self-loops), sym-norm, linear, scatter-add, bias
    deg = jnp.zeros((n,), x.dtype).at[dst].add(1.0)
    dinv = jnp.where(deg > 0, jax.lax.rsqrt(deg), 0.0)
    norm = dinv[src] * dinv[dst]
    xw = x @ W
    msg = xw[src] * norm[:, None]
    out = jnp.zeros((n, W.shape[1]), x.dtype).at[dst].add(msg)
    return out + b


def setup_inputs(seed: int = 0) -> dict:
    key = jax.random.key(seed)
    k1, k2, k3, k4 = jax.random.split(key, 4)
    x = jax.random.normal(k1, (N, IN_DIM), jnp.float32)
    edge_index = jax.random.randint(k2, (2, E), 0, N)
    W1 = _glorot(k3, (IN_DIM, HID))
    b1 = jnp.zeros((HID,), jnp.float32)
    W2 = _glorot(k4, (HID, OUT))
    b2 = jnp.zeros((OUT,), jnp.float32)
    return {"x": x, "edge_index": edge_index, "W1": W1, "b1": b1, "W2": W2, "b2": b2}


def reference(x, edge_index, W1, b1, W2, b2):
    src = edge_index[0]
    dst = edge_index[1]
    loop = jnp.arange(N, dtype=src.dtype)
    src = jnp.concatenate([src, loop])
    dst = jnp.concatenate([dst, loop])
    h = jax.nn.relu(gcn_conv(x, src, dst, W1, b1, N))
    out = gcn_conv(h, src, dst, W2, b2, N)
    return out

if __name__ == "__main__":
    import jax
    _d = setup_inputs()
    print(jax.jit(kernel)(*tuple(_d.values())))

</pallas_src>

<mosaic_0001>
#map = affine_map<(d0, d1) -> (0, 0, 0)>
#map1 = affine_map<(d0, d1) -> (0)>
module attributes {stable_mosaic.version = 14 : i64} {
  func.func @_deg_kernel(%arg0: i32, %arg1: i32, %arg2: memref<12500x2x128xi32, #tpu.memory_space<hbm>>, %arg3: memref<300x2x128xi32, #tpu.memory_space<hbm>>, %arg4: memref<6272xf32, #tpu.memory_space<hbm>>, %arg5: memref<2x100352x16xf32, #tpu.memory_space<hbm>>, %arg6: memref<3x10x2x128xi32, #tpu.memory_space<vmem>>, %arg7: memref<128xf32, #tpu.memory_space<vmem>>, %arg8: memref<1280xf32, #tpu.memory_space<vmem>>, %arg9: memref<6272xf32, #tpu.memory_space<vmem>>, %arg10: memref<6272x16xf32, #tpu.memory_space<vmem>>, %arg11: memref<100352xf32, #tpu.memory_space<vmem_shared>>, %arg12: memref<!tpu.dma_semaphore, #tpu.memory_space<semaphore_mem>>, %arg13: memref<!tpu.dma_semaphore, #tpu.memory_space<semaphore_mem>>) attributes {dimension_semantics = [#tpu.dimension_semantics<core_parallel>, #tpu.dimension_semantics<subcore_parallel>], iteration_bounds = array<i64: 2, 16>, scalar_prefetch = 0 : i64, scratch_operands = 8 : i64, tpu.core_type = #tpu.core_type<sc_vector_subcore>, window_params = [{transform_indices = #map}, {transform_indices = #map}, {transform_indices = #map1}, {transform_indices = #map}]} {
    %scan3A = arith.constant 0 : i32
    %scan3A_0 = arith.constant 0 : i32
    %scan3A_1 = arith.constant 8 : i32
    %scan3A_2 = arith.addi %scan3A_0, %scan3A_1 : i32
    %scan3A_3 = arith.constant 1 : i32
    scf.for %scan3A_38 = %scan3A_0 to %scan3A_2 step %scan3A_3  : i32 {
      %broadcast_in_dim3A = arith.constant 1.000000e+00 : f32
      %broadcast_in_dim3A_39 = vector.broadcast %broadcast_in_dim3A : f32 to vector<16xf32>
      %mul3A_40 = arith.constant 16 : i32
      %mul3A_41 = arith.muli %scan3A_38, %mul3A_40 : i32
      %swap3A = arith.index_cast %mul3A_41 : i32 to index
      %swap3A_42 = tpu.vector_load %arg7[%swap3A] {strides = array<i32>} : memref<128xf32, #tpu.memory_space<vmem>>, vector<16xf32>,
      tpu.vector_store %arg7[%swap3A], %broadcast_in_dim3A_39 {strides = array<i32>} : memref<128xf32, #tpu.memory_space<vmem>>, vector<16xf32>,
    }
    %scan3A_4 = arith.constant 8 : i32
    %mul3A = arith.constant 6272 : i32
    %mul3A_5 = arith.muli %arg1, %mul3A : i32
    "tpu.region"() ({
      %run_scoped3A = tpu.sem_alloc : memref<!tpu.dma_semaphore, #tpu.memory_space<semaphore_mem>>
      %dma_start3A = tpu.memref_slice %arg11[%mul3A_5] : memref<100352xf32, #tpu.memory_space<vmem_shared>> -> memref<6272xf32, #tpu.memory_space<vmem_shared>>
      tpu.enqueue_dma source(%arg4 : memref<6272xf32, #tpu.memory_space<hbm>>) target(%dma_start3A : memref<6272xf32, #tpu.memory_space<vmem_shared>>) target_semaphore(%run_scoped3A : memref<!tpu.dma_semaphore, #tpu.memory_space<semaphore_mem>>)
      %dma_wait3A_38 = tpu.memref_slice %arg11[%mul3A_5] : memref<100352xf32, #tpu.memory_space<vmem_shared>> -> memref<6272xf32, #tpu.memory_space<vmem_shared>>
      tpu.wait_dma2 semaphore(%run_scoped3A : memref<!tpu.dma_semaphore, #tpu.memory_space<semaphore_mem>>) src(%arg4 : memref<6272xf32, #tpu.memory_space<hbm>>) dst(%dma_wait3A_38 : memref<6272xf32, #tpu.memory_space<vmem_shared>>)
      tpu.yield
    }) : () -> ()
    %barrier3A = arith.constant 0 : index
    tpu.barrier barrier_id(%barrier3A)
    %mul3A_6 = arith.constant 6400 : i32
    %mul3A_7 = arith.muli %arg0, %mul3A_6 : i32
    %mul3A_8 = arith.constant 400 : i32
    %mul3A_9 = arith.muli %arg1, %mul3A_8 : i32
    %add3A = arith.addi %mul3A_7, %mul3A_9 : i32
    %add3A_10 = arith.constant 0 : i32
    %add3A_11 = arith.addi %add3A, %add3A_10 : i32
    %lt3A = arith.constant 12500 : i32
    %lt3A_12 = arith.cmpi slt, %add3A_11, %lt3A : i32
    %convert_element_type3A = arith.extui %lt3A_12 : i1 to i32
    %cond3A = arith.constant 0 : i32
    %cond3A_13 = arith.cmpi ne, %convert_element_type3A, %cond3A : i32
    scf.if %cond3A_13 {
      %dma_start3A = arith.constant 0 : i32
      %dma_start3A_38 = arith.constant 0 : i32
      %dma_start3A_39 = arith.constant 0 : i32
      %dma_start3A_40 = arith.constant 0 : i32
      %dma_start3A_41 = tpu.memref_slice %arg6[%dma_start3A, %dma_start3A_38, %dma_start3A_39, %dma_start3A_40] : memref<3x10x2x128xi32, #tpu.memory_space<vmem>> -> memref<1x10x2x128xi32, #tpu.memory_space<vmem>>
      %dma_start3A_42 = tpu.memref_squeeze %dma_start3A_41 : memref<1x10x2x128xi32, #tpu.memory_space<vmem>> -> memref<10x2x128xi32, #tpu.memory_space<vmem>>
      %dma_start3A_43 = arith.constant 0 : i32
      %dma_start3A_44 = arith.constant 0 : i32
      %dma_start3A_45 = tpu.memref_slice %arg2[%add3A_11, %dma_start3A_43, %dma_start3A_44] : memref<12500x2x128xi32, #tpu.memory_space<hbm>> -> memref<10x2x128xi32, #tpu.memory_space<hbm>>
      %dma_start3A_46 = arith.constant 0 : i32
      %dma_start3A_47 = arith.constant 0 : i32
      %dma_start3A_48 = arith.constant 0 : i32
      %dma_start3A_49 = tpu.memref_slice %arg6[%dma_start3A, %dma_start3A_46, %dma_start3A_47, %dma_start3A_48] : memref<3x10x2x128xi32, #tpu.memory_space<vmem>> -> memref<1x10x2x128xi32, #tpu.memory_space<vmem>>
      %dma_start3A_50 = tpu.memref_squeeze %dma_start3A_49 : memref<1x10x2x128xi32, #tpu.memory_space<vmem>> -> memref<10x2x128xi32, #tpu.memory_space<vmem>>
      %dma_start3A_51 = arith.constant 0 : i32
      %dma_start3A_52 = arith.constant 0 : i32
      %dma_start3A_53 = tpu.memref_slice %arg2[%add3A_11, %dma_start3A_51, %dma_start3A_52] : memref<12500x2x128xi32, #tpu.memory_space<hbm>> -> memref<10x2x128xi32, #tpu.memory_space<hbm>>
      tpu.enqueue_dma source(%dma_start3A_53 : memref<10x2x128xi32, #tpu.memory_space<hbm>>) target(%dma_start3A_50 : memref<10x2x128xi32, #tpu.memory_space<vmem>>) target_semaphore(%arg12 : memref<!tpu.dma_semaphore, #tpu.memory_space<semaphore_mem>>)
    } else {
    }
    %ge3A = arith.constant 12500 : i32
    %ge3A_14 = arith.cmpi sge, %add3A_11, %ge3A : i32
    %convert_element_type3A_15 = arith.extui %ge3A_14 : i1 to i32
    %cond3A_16 = arith.constant 0 : i32
    %cond3A_17 = arith.cmpi ne, %convert_element_type3A_15, %cond3A_16 : i32
    scf.if %cond3A_17 {
      %sub3A = arith.constant 12500 : i32
      %sub3A_38 = arith.subi %add3A_11, %sub3A : i32
      %dma_start3A = arith.constant 0 : i32
      %dma_start3A_39 = arith.constant 0 : i32
      %dma_start3A_40 = arith.constant 0 : i32
      %dma_start3A_41 = arith.constant 0 : i32
      %dma_start3A_42 = tpu.memref_slice %arg6[%dma_start3A, %dma_start3A_39, %dma_start3A_40, %dma_start3A_41] : memref<3x10x2x128xi32, #tpu.memory_space<vmem>> -> memref<1x10x2x128xi32, #tpu.memory_space<vmem>>
      %dma_start3A_43 = tpu.memref_squeeze %dma_start3A_42 : memref<1x10x2x128xi32, #tpu.memory_space<vmem>> -> memref<10x2x128xi32, #tpu.memory_space<vmem>>
      %dma_start3A_44 = arith.constant 0 : i32
      %dma_start3A_45 = arith.constant 0 : i32
      %dma_start3A_46 = tpu.memref_slice %arg3[%sub3A_38, %dma_start3A_44, %dma_start3A_45] : memref<300x2x128xi32, #tpu.memory_space<hbm>> -> memref<10x2x128xi32, #tpu.memory_space<hbm>>
      %dma_start3A_47 = arith.constant 0 : i32
      %dma_start3A_48 = arith.constant 0 : i32
      %dma_start3A_49 = arith.constant 0 : i32
      %dma_start3A_50 = tpu.memref_slice %arg6[%dma_start3A, %dma_start3A_47, %dma_start3A_48, %dma_start3A_49] : memref<3x10x2x128xi32, #tpu.memory_space<vmem>> -> memref<1x10x2x128xi32, #tpu.memory_space<vmem>>
      %dma_start3A_51 = tpu.memref_squeeze %dma_start3A_50 : memref<1x10x2x128xi32, #tpu.memory_space<vmem>> -> memref<10x2x128xi32, #tpu.memory_space<vmem>>
      %dma_start3A_52 = arith.constant 0 : i32
      %dma_start3A_53 = arith.constant 0 : i32
      %dma_start3A_54 = tpu.memref_slice %arg3[%sub3A_38, %dma_start3A_52, %dma_start3A_53] : memref<300x2x128xi32, #tpu.memory_space<hbm>> -> memref<10x2x128xi32, #tpu.memory_space<hbm>>
      tpu.enqueue_dma source(%dma_start3A_54 : memref<10x2x128xi32, #tpu.memory_space<hbm>>) target(%dma_start3A_51 : memref<10x2x128xi32, #tpu.memory_space<vmem>>) target_semaphore(%arg12 : memref<!tpu.dma_semaphore, #tpu.memory_space<semaphore_mem>>)
    } else {
    }
    %scan3A_18 = arith.constant 0 : i32
    %scan3A_19 = arith.constant 0 : i32
    %scan3A_20 = arith.constant 40 : i32
    %scan3A_21 = arith.addi %scan3A_19, %scan3A_20 : i32
    %scan3A_22 = arith.constant 1 : i32
    scf.for %scan3A_38 = %scan3A_19 to %scan3A_21 step %scan3A_22  : i32 {
      %rem3A = arith.constant 3 : i32
      %rem3A_39 = arith.remsi %scan3A_38, %rem3A : i32
      %dma_wait3A_40 = arith.constant 0 : i32
      %dma_wait3A_41 = arith.constant 0 : i32
      %dma_wait3A_42 = arith.constant 0 : i32
      %dma_wait3A_43 = arith.constant 0 : i32
      %dma_wait3A_44 = tpu.memref_slice %arg6[%dma_wait3A_40, %dma_wait3A_41, %dma_wait3A_42, %dma_wait3A_43] : memref<3x10x2x128xi32, #tpu.memory_space<vmem>> -> memref<1x10x2x128xi32, #tpu.memory_space<vmem>>
      %dma_wait3A_45 = tpu.memref_squeeze %dma_wait3A_44 : memref<1x10x2x128xi32, #tpu.memory_space<vmem>> -> memref<10x2x128xi32, #tpu.memory_space<vmem>>
      %dma_wait3A_46 = arith.constant 0 : i32
      %dma_wait3A_47 = arith.constant 0 : i32
      %dma_wait3A_48 = arith.constant 0 : i32
      %dma_wait3A_49 = tpu.memref_slice %arg2[%dma_wait3A_46, %dma_wait3A_47, %dma_wait3A_48] : memref<12500x2x128xi32, #tpu.memory_space<hbm>> -> memref<10x2x128xi32, #tpu.memory_space<hbm>>
      %dma_wait3A_50 = arith.constant 0 : i32
      %dma_wait3A_51 = arith.constant 0 : i32
      %dma_wait3A_52 = arith.constant 0 : i32
      %dma_wait3A_53 = tpu.memref_slice %arg6[%dma_wait3A_40, %dma_wait3A_50, %dma_wait3A_51, %dma_wait3A_52] : memref<3x10x2x128xi32, #tpu.memory_space<vmem>> -> memref<1x10x2x128xi32, #tpu.memory_space<vmem>>
      %dma_wait3A_54 = tpu.memref_squeeze %dma_wait3A_53 : memref<1x10x2x128xi32, #tpu.memory_space<vmem>> -> memref<10x2x128xi32, #tpu.memory_space<vmem>>
      %dma_wait3A_55 = arith.constant 0 : i32
      %dma_wait3A_56 = arith.constant 0 : i32
      %dma_wait3A_57 = arith.constant 0 : i32
      %dma_wait3A_58 = tpu.memref_slice %arg2[%dma_wait3A_55, %dma_wait3A_56, %dma_wait3A_57] : memref<12500x2x128xi32, #tpu.memory_space<hbm>> -> memref<10x2x128xi32, #tpu.memory_space<hbm>>
      tpu.wait_dma2 semaphore(%arg12 : memref<!tpu.dma_semaphore, #tpu.memory_space<semaphore_mem>>) src(%dma_wait3A_58 : memref<10x2x128xi32, #tpu.memory_space<hbm>>) dst(%dma_wait3A_54 : memref<10x2x128xi32, #tpu.memory_space<vmem>>)
      %ge3A_59 = arith.constant 2 : i32
      %ge3A_60 = arith.cmpi sge, %scan3A_38, %ge3A_59 : i32
      %convert_element_type3A_61 = arith.extui %ge3A_60 : i1 to i32
      %cond3A_62 = arith.constant 0 : i32
      %cond3A_63 = arith.cmpi ne, %convert_element_type3A_61, %cond3A_62 : i32
      scf.if %cond3A_63 {
        %dma_wait3A_140 = arith.constant 0 : i32
        %dma_wait3A_141 = tpu.memref_slice %arg4[%dma_wait3A_140] : memref<6272xf32, #tpu.memory_space<hbm>> -> memref<1280xf32, #tpu.memory_space<hbm>>
        %dma_wait3A_142 = arith.constant 0 : i32
        %dma_wait3A_143 = tpu.memref_slice %arg4[%dma_wait3A_142] : memref<6272xf32, #tpu.memory_space<hbm>> -> memref<1280xf32, #tpu.memory_space<hbm>>
        tpu.wait_dma2 semaphore(%arg13 : memref<!tpu.dma_semaphore, #tpu.memory_space<semaphore_mem>>) src(%dma_wait3A_143 : memref<1280xf32, #tpu.memory_space<hbm>>) dst(%arg8 : memref<1280xf32, #tpu.memory_space<vmem>>)
      } else {
      }
      %add3A_64 = arith.constant 1 : i32
      %add3A_65 = arith.addi %scan3A_38, %add3A_64 : i32
      %lt3A_66 = arith.constant 40 : i32
      %lt3A_67 = arith.cmpi slt, %add3A_65, %lt3A_66 : i32
      %convert_element_type3A_68 = arith.extui %lt3A_67 : i1 to i32
      %cond3A_69 = arith.constant 0 : i32
      %cond3A_70 = arith.cmpi ne, %convert_element_type3A_68, %cond3A_69 : i32
      scf.if %cond3A_70 {
        %add3A_140 = arith.constant 1 : i32
        %add3A_141 = arith.addi %scan3A_38, %add3A_140 : i32
        %add3A_142 = arith.constant 1 : i32
        %add3A_143 = arith.addi %scan3A_38, %add3A_142 : i32
        %rem3A_144 = arith.constant 3 : i32
        %rem3A_145 = arith.remsi %add3A_143, %rem3A_144 : i32
        %mul3A_146 = arith.constant 10 : i32
        %mul3A_147 = arith.muli %add3A_141, %mul3A_146 : i32
        %add3A_148 = arith.addi %add3A, %mul3A_147 : i32
        %lt3A_149 = arith.constant 12500 : i32
        %lt3A_150 = arith.cmpi slt, %add3A_148, %lt3A_149 : i32
        %convert_element_type3A_151 = arith.extui %lt3A_150 : i1 to i32
        %cond3A_152 = arith.constant 0 : i32
        %cond3A_153 = arith.cmpi ne, %convert_element_type3A_151, %cond3A_152 : i32
        scf.if %cond3A_153 {
          %dma_start3A_159 = arith.constant 0 : i32
          %dma_start3A_160 = arith.constant 0 : i32
          %dma_start3A_161 = arith.constant 0 : i32
          %dma_start3A_162 = tpu.memref_slice %arg6[%rem3A_145, %dma_start3A_159, %dma_start3A_160, %dma_start3A_161] : memref<3x10x2x128xi32, #tpu.memory_space<vmem>> -> memref<1x10x2x128xi32, #tpu.memory_space<vmem>>
          %dma_start3A_163 = tpu.memref_squeeze %dma_start3A_162 : memref<1x10x2x128xi32, #tpu.memory_space<vmem>> -> memref<10x2x128xi32, #tpu.memory_space<vmem>>
          %dma_start3A_164 = arith.constant 0 : i32
          %dma_start3A_165 = arith.constant 0 : i32
          %dma_start3A_166 = tpu.memref_slice %arg2[%add3A_148, %dma_start3A_164, %dma_start3A_165] : memref<12500x2x128xi32, #tpu.memory_space<hbm>> -> memref<10x2x128xi32, #tpu.memory_space<hbm>>
          %dma_start3A_167 = arith.constant 0 : i32
          %dma_start3A_168 = arith.constant 0 : i32
          %dma_start3A_169 = arith.constant 0 : i32
          %dma_start3A_170 = tpu.memref_slice %arg6[%rem3A_145, %dma_start3A_167, %dma_start3A_168, %dma_start3A_169] : memref<3x10x2x128xi32, #tpu.memory_space<vmem>> -> memref<1x10x2x128xi32, #tpu.memory_space<vmem>>
          %dma_start3A_171 = tpu.memref_squeeze %dma_start3A_170 : memref<1x10x2x128xi32, #tpu.memory_space<vmem>> -> memref<10x2x128xi32, #tpu.memory_space<vmem>>
          %dma_start3A_172 = arith.constant 0 : i32
          %dma_start3A_173 = arith.constant 0 : i32
          %dma_start3A_174 = tpu.memref_slice %arg2[%add3A_148, %dma_start3A_172, %dma_start3A_173] : memref<12500x2x128xi32, #tpu.memory_space<hbm>> -> memref<10x2x128xi32, #tpu.memory_space<hbm>>
          tpu.enqueue_dma source(%dma_start3A_174 : memref<10x2x128xi32, #tpu.memory_space<hbm>>) target(%dma_start3A_171 : memref<10x2x128xi32, #tpu.memory_space<vmem>>) target_semaphore(%arg12 : memref<!tpu.dma_semaphore, #tpu.memory_space<semaphore_mem>>)
        } else {
        }
        %ge3A_154 = arith.constant 12500 : i32
        %ge3A_155 = arith.cmpi sge, %add3A_148, %ge3A_154 : i32
        %convert_element_type3A_156 = arith.extui %ge3A_155 : i1 to i32
        %cond3A_157 = arith.constant 0 : i32
        %cond3A_158 = arith.cmpi ne, %convert_element_type3A_156, %cond3A_157 : i32
        scf.if %cond3A_158 {
          %sub3A = arith.constant 12500 : i32
          %sub3A_159 = arith.subi %add3A_148, %sub3A : i32
          %dma_start3A_160 = arith.constant 0 : i32
          %dma_start3A_161 = arith.constant 0 : i32
          %dma_start3A_162 = arith.constant 0 : i32
          %dma_start3A_163 = tpu.memref_slice %arg6[%rem3A_145, %dma_start3A_160, %dma_start3A_161, %dma_start3A_162] : memref<3x10x2x128xi32, #tpu.memory_space<vmem>> -> memref<1x10x2x128xi32, #tpu.memory_space<vmem>>
          %dma_start3A_164 = tpu.memref_squeeze %dma_start3A_163 : memref<1x10x2x128xi32, #tpu.memory_space<vmem>> -> memref<10x2x128xi32, #tpu.memory_space<vmem>>
          %dma_start3A_165 = arith.constant 0 : i32
          %dma_start3A_166 = arith.constant 0 : i32
          %dma_start3A_167 = tpu.memref_slice %arg3[%sub3A_159, %dma_start3A_165, %dma_start3A_166] : memref<300x2x128xi32, #tpu.memory_space<hbm>> -> memref<10x2x128xi32, #tpu.memory_space<hbm>>
          %dma_start3A_168 = arith.constant 0 : i32
          %dma_start3A_169 = arith.constant 0 : i32
          %dma_start3A_170 = arith.constant 0 : i32
          %dma_start3A_171 = tpu.memref_slice %arg6[%rem3A_145, %dma_start3A_168, %dma_start3A_169, %dma_start3A_170] : memref<3x10x2x128xi32, #tpu.memory_space<vmem>> -> memref<1x10x2x128xi32, #tpu.memory_space<vmem>>
          %dma_start3A_172 = tpu.memref_squeeze %dma_start3A_171 : memref<1x10x2x128xi32, #tpu.memory_space<vmem>> -> memref<10x2x128xi32, #tpu.memory_space<vmem>>
          %dma_start3A_173 = arith.constant 0 : i32
          %dma_start3A_174 = arith.constant 0 : i32
          %dma_start3A_175 = tpu.memref_slice %arg3[%sub3A_159, %dma_start3A_173, %dma_start3A_174] : memref<300x2x128xi32, #tpu.memory_space<hbm>> -> memref<10x2x128xi32, #tpu.memory_space<hbm>>
          tpu.enqueue_dma source(%dma_start3A_175 : memref<10x2x128xi32, #tpu.memory_space<hbm>>) target(%dma_start3A_172 : memref<10x2x128xi32, #tpu.memory_space<vmem>>) target_semaphore(%arg12 : memref<!tpu.dma_semaphore, #tpu.memory_space<semaphore_mem>>)
        } else {
        }
      } else {
      }
      %dma_start3A = arith.constant 0 : i32
      %dma_start3A_71 = arith.constant 1 : i32
      %dma_start3A_72 = arith.constant 0 : i32
      %dma_start3A_73 = tpu.memref_slice %arg6[%rem3A_39, %dma_start3A, %dma_start3A_71, %dma_start3A_72] : memref<3x10x2x128xi32, #tpu.memory_space<vmem>> -> memref<1x1x1x128xi32, #tpu.memory_space<vmem>>
      %dma_start3A_74 = tpu.memref_squeeze %dma_start3A_73 : memref<1x1x1x128xi32, #tpu.memory_space<vmem>> -> memref<128xi32, #tpu.memory_space<vmem>>
      %dma_start3A_75 = arith.constant 0 : i32
      %dma_start3A_76 = tpu.memref_slice %arg11[%dma_start3A_75] : memref<100352xf32, #tpu.memory_space<vmem_shared>> -> memref<100352xf32, #tpu.memory_space<vmem_shared>>
      tpu.enqueue_indirect_dma source(%arg7 : memref<128xf32, #tpu.memory_space<vmem>>) target(%dma_start3A_76 : memref<100352xf32, #tpu.memory_space<vmem_shared>>) offsets(%dma_start3A_74 : memref<128xi32, #tpu.memory_space<vmem>>) semaphore(%arg13 : memref<!tpu.dma_semaphore, #tpu.memory_space<semaphore_mem>>) {add = true}
      %dma_start3A_77 = arith.constant 1 : i32
      %dma_start3A_78 = arith.constant 1 : i32
      %dma_start3A_79 = arith.constant 0 : i32
      %dma_start3A_80 = tpu.memref_slice %arg6[%rem3A_39, %dma_start3A_77, %dma_start3A_78, %dma_start3A_79] : memref<3x10x2x128xi32, #tpu.memory_space<vmem>> -> memref<1x1x1x128xi32, #tpu.memory_space<vmem>>
      %dma_start3A_81 = tpu.memref_squeeze %dma_start3A_80 : memref<1x1x1x128xi32, #tpu.memory_space<vmem>> -> memref<128xi32, #tpu.memory_space<vmem>>
      %dma_start3A_82 = arith.constant 0 : i32
      %dma_start3A_83 = tpu.memref_slice %arg11[%dma_start3A_82] : memref<100352xf32, #tpu.memory_space<vmem_shared>> -> memref<100352xf32, #tpu.memory_space<vmem_shared>>
      tpu.enqueue_indirect_dma source(%arg7 : memref<128xf32, #tpu.memory_space<vmem>>) target(%dma_start3A_83 : memref<100352xf32, #tpu.memory_space<vmem_shared>>) offsets(%dma_start3A_81 : memref<128xi32, #tpu.memory_space<vmem>>) semaphore(%arg13 : memref<!tpu.dma_semaphore, #tpu.memory_space<semaphore_mem>>) {add = true}
      %dma_start3A_84 = arith.constant 2 : i32
      %dma_start3A_85 = arith.constant 1 : i32
      %dma_start3A_86 = arith.constant 0 : i32
      %dma_start3A_87 = tpu.memref_slice %arg6[%rem3A_39, %dma_start3A_84, %dma_start3A_85, %dma_start3A_86] : memref<3x10x2x128xi32, #tpu.memory_space<vmem>> -> memref<1x1x1x128xi32, #tpu.memory_space<vmem>>
      %dma_start3A_88 = tpu.memref_squeeze %dma_start3A_87 : memref<1x1x1x128xi32, #tpu.memory_space<vmem>> -> memref<128xi32, #tpu.memory_space<vmem>>
      %dma_start3A_89 = arith.constant 0 : i32
      %dma_start3A_90 = tpu.memref_slice %arg11[%dma_start3A_89] : memref<100352xf32, #tpu.memory_space<vmem_shared>> -> memref<100352xf32, #tpu.memory_space<vmem_shared>>
      tpu.enqueue_indirect_dma source(%arg7 : memref<128xf32, #tpu.memory_space<vmem>>) target(%dma_start3A_90 : memref<100352xf32, #tpu.memory_space<vmem_shared>>) offsets(%dma_start3A_88 : memref<128xi32, #tpu.memory_space<vmem>>) semaphore(%arg13 : memref<!tpu.dma_semaphore, #tpu.memory_space<semaphore_mem>>) {add = true}
      %dma_start3A_91 = arith.constant 3 : i32
      %dma_start3A_92 = arith.constant 1 : i32
      %dma_start3A_93 = arith.constant 0 : i32
      %dma_start3A_94 = tpu.memref_slice %arg6[%rem3A_39, %dma_start3A_91, %dma_start3A_92, %dma_start3A_93] : memref<3x10x2x128xi32, #tpu.memory_space<vmem>> -> memref<1x1x1x128xi32, #tpu.memory_space<vmem>>
      %dma_start3A_95 = tpu.memref_squeeze %dma_start3A_94 : memref<1x1x1x128xi32, #tpu.memory_space<vmem>> -> memref<128xi32, #tpu.memory_space<vmem>>
      %dma_start3A_96 = arith.constant 0 : i32
      %dma_start3A_97 = tpu.memref_slice %arg11[%dma_start3A_96] : memref<100352xf32, #tpu.memory_space<vmem_shared>> -> memref<100352xf32, #tpu.memory_space<vmem_shared>>
      tpu.enqueue_indirect_dma source(%arg7 : memref<128xf32, #tpu.memory_space<vmem>>) target(%dma_start3A_97 : memref<100352xf32, #tpu.memory_space<vmem_shared>>) offsets(%dma_start3A_95 : memref<128xi32, #tpu.memory_space<vmem>>) semaphore(%arg13 : memref<!tpu.dma_semaphore, #tpu.memory_space<semaphore_mem>>) {add = true}
      %dma_start3A_98 = arith.constant 4 : i32
      %dma_start3A_99 = arith.constant 1 : i32
      %dma_start3A_100 = arith.constant 0 : i32
      %dma_start3A_101 = tpu.memref_slice %arg6[%rem3A_39, %dma_start3A_98, %dma_start3A_99, %dma_start3A_100] : memref<3x10x2x128xi32, #tpu.memory_space<vmem>> -> memref<1x1x1x128xi32, #tpu.memory_space<vmem>>
      %dma_start3A_102 = tpu.memref_squeeze %dma_start3A_101 : memref<1x1x1x128xi32, #tpu.memory_space<vmem>> -> memref<128xi32, #tpu.memory_space<vmem>>
      %dma_start3A_103 = arith.constant 0 : i32
      %dma_start3A_104 = tpu.memref_slice %arg11[%dma_start3A_103] : memref<100352xf32, #tpu.memory_space<vmem_shared>> -> memref<100352xf32, #tpu.memory_space<vmem_shared>>
      tpu.enqueue_indirect_dma source(%arg7 : memref<128xf32, #tpu.memory_space<vmem>>) target(%dma_start3A_104 : memref<100352xf32, #tpu.memory_space<vmem_shared>>) offsets(%dma_start3A_102 : memref<128xi32, #tpu.memory_space<vmem>>) semaphore(%arg13 : memref<!tpu.dma_semaphore, #tpu.memory_space<semaphore_mem>>) {add = true}
      %dma_start3A_105 = arith.constant 5 : i32
      %dma_start3A_106 = arith.constant 1 : i32
      %dma_start3A_107 = arith.constant 0 : i32
      %dma_start3A_108 = tpu.memref_slice %arg6[%rem3A_39, %dma_start3A_105, %dma_start3A_106, %dma_start3A_107] : memref<3x10x2x128xi32, #tpu.memory_space<vmem>> -> memref<1x1x1x128xi32, #tpu.memory_space<vmem>>
      %dma_start3A_109 = tpu.memref_squeeze %dma_start3A_108 : memref<1x1x1x128xi32, #tpu.memory_space<vmem>> -> memref<128xi32, #tpu.memory_space<vmem>>
      %dma_start3A_110 = arith.constant 0 : i32
      %dma_start3A_111 = tpu.memref_slice %arg11[%dma_start3A_110] : memref<100352xf32, #tpu.memory_space<vmem_shared>> -> memref<100352xf32, #tpu.memory_space<vmem_shared>>
      tpu.enqueue_indirect_dma source(%arg7 : memref<128xf32, #tpu.memory_space<vmem>>) target(%dma_start3A_111 : memref<100352xf32, #tpu.memory_space<vmem_shared>>) offsets(%dma_start3A_109 : memref<128xi32, #tpu.memory_space<vmem>>) semaphore(%arg13 : memref<!tpu.dma_semaphore, #tpu.memory_space<semaphore_mem>>) {add = true}
      %dma_start3A_112 = arith.constant 6 : i32
      %dma_start3A_113 = arith.constant 1 : i32
      %dma_start3A_114 = arith.constant 0 : i32
      %dma_start3A_115 = tpu.memref_slice %arg6[%rem3A_39, %dma_start3A_112, %dma_start3A_113, %dma_start3A_114] : memref<3x10x2x128xi32, #tpu.memory_space<vmem>> -> memref<1x1x1x128xi32, #tpu.memory_space<vmem>>
      %dma_start3A_116 = tpu.memref_squeeze %dma_start3A_115 : memref<1x1x1x128xi32, #tpu.memory_space<vmem>> -> memref<128xi32, #tpu.memory_space<vmem>>
      %dma_start3A_117 = arith.constant 0 : i32
      %dma_start3A_118 = tpu.memref_slice %arg11[%dma_start3A_117] : memref<100352xf32, #tpu.memory_space<vmem_shared>> -> memref<100352xf32, #tpu.memory_space<vmem_shared>>
      tpu.enqueue_indirect_dma source(%arg7 : memref<128xf32, #tpu.memory_space<vmem>>) target(%dma_start3A_118 : memref<100352xf32, #tpu.memory_space<vmem_shared>>) offsets(%dma_start3A_116 : memref<128xi32, #tpu.memory_space<vmem>>) semaphore(%arg13 : memref<!tpu.dma_semaphore, #tpu.memory_space<semaphore_mem>>) {add = true}
      %dma_start3A_119 = arith.constant 7 : i32
      %dma_start3A_120 = arith.constant 1 : i32
      %dma_start3A_121 = arith.constant 0 : i32
      %dma_start3A_122 = tpu.memref_slice %arg6[%rem3A_39, %dma_start3A_119, %dma_start3A_120, %dma_start3A_121] : memref<3x10x2x128xi32, #tpu.memory_space<vmem>> -> memref<1x1x1x128xi32, #tpu.memory_space<vmem>>
      %dma_start3A_123 = tpu.memref_squeeze %dma_start3A_122 : memref<1x1x1x128xi32, #tpu.memory_space<vmem>> -> memref<128xi32, #tpu.memory_space<vmem>>
      %dma_start3A_124 = arith.constant 0 : i32
      %dma_start3A_125 = tpu.memref_slice %arg11[%dma_start3A_124] : memref<100352xf32, #tpu.memory_space<vmem_shared>> -> memref<100352xf32, #tpu.memory_space<vmem_shared>>
      tpu.enqueue_indirect_dma source(%arg7 : memref<128xf32, #tpu.memory_space<vmem>>) target(%dma_start3A_125 : memref<100352xf32, #tpu.memory_space<vmem_shared>>) offsets(%dma_start3A_123 : memref<128xi32, #tpu.memory_space<vmem>>) semaphore(%arg13 : memref<!tpu.dma_semaphore, #tpu.memory_space<semaphore_mem>>) {add = true}
      %dma_start3A_126 = arith.constant 8 : i32
      %dma_start3A_127 = arith.constant 1 : i32
      %dma_start3A_128 = arith.constant 0 : i32
      %dma_start3A_129 = tpu.memref_slice %arg6[%rem3A_39, %dma_start3A_126, %dma_start3A_127, %dma_start3A_128] : memref<3x10x2x128xi32, #tpu.memory_space<vmem>> -> memref<1x1x1x128xi32, #tpu.memory_space<vmem>>
      %dma_start3A_130 = tpu.memref_squeeze %dma_start3A_129 : memref<1x1x1x128xi32, #tpu.memory_space<vmem>> -> memref<128xi32, #tpu.memory_space<vmem>>
      %dma_start3A_131 = arith.constant 0 : i32
      %dma_start3A_132 = tpu.memref_slice %arg11[%dma_start3A_131] : memref<100352xf32, #tpu.memory_space<vmem_shared>> -> memref<100352xf32, #tpu.memory_space<vmem_shared>>
      tpu.enqueue_indirect_dma source(%arg7 : memref<128xf32, #tpu.memory_space<vmem>>) target(%dma_start3A_132 : memref<100352xf32, #tpu.memory_space<vmem_shared>>) offsets(%dma_start3A_130 : memref<128xi32, #tpu.memory_space<vmem>>) semaphore(%arg13 : memref<!tpu.dma_semaphore, #tpu.memory_space<semaphore_mem>>) {add = true}
      %dma_start3A_133 = arith.constant 9 : i32
      %dma_start3A_134 = arith.constant 1 : i32
      %dma_start3A_135 = arith.constant 0 : i32
      %dma_start3A_136 = tpu.memref_slice %arg6[%rem3A_39, %dma_start3A_133, %dma_start3A_134, %dma_start3A_135] : memref<3x10x2x128xi32, #tpu.memory_space<vmem>> -> memref<1x1x1x128xi32, #tpu.memory_space<vmem>>
      %dma_start3A_137 = tpu.memref_squeeze %dma_start3A_136 : memref<1x1x1x128xi32, #tpu.memory_space<vmem>> -> memref<128xi32, #tpu.memory_space<vmem>>
      %dma_start3A_138 = arith.constant 0 : i32
      %dma_start3A_139 = tpu.memref_slice %arg11[%dma_start3A_138] : memref<100352xf32, #tpu.memory_space<vmem_shared>> -> memref<100352xf32, #tpu.memory_space<vmem_shared>>
      tpu.enqueue_indirect_dma source(%arg7 : memref<128xf32, #tpu.memory_space<vmem>>) target(%dma_start3A_139 : memref<100352xf32, #tpu.memory_space<vmem_shared>>) offsets(%dma_start3A_137 : memref<128xi32, #tpu.memory_space<vmem>>) semaphore(%arg13 : memref<!tpu.dma_semaphore, #tpu.memory_space<semaphore_mem>>) {add = true}
    }
    %scan3A_23 = arith.constant 40 : i32
    %dma_wait3A = arith.constant 0 : i32
    %dma_wait3A_24 = tpu.memref_slice %arg4[%dma_wait3A] : memref<6272xf32, #tpu.memory_space<hbm>> -> memref<1280xf32, #tpu.memory_space<hbm>>
    %dma_wait3A_25 = arith.constant 0 : i32
    %dma_wait3A_26 = tpu.memref_slice %arg4[%dma_wait3A_25] : memref<6272xf32, #tpu.memory_space<hbm>> -> memref<1280xf32, #tpu.memory_space<hbm>>
    tpu.wait_dma2 semaphore(%arg13 : memref<!tpu.dma_semaphore, #tpu.memory_space<semaphore_mem>>) src(%dma_wait3A_26 : memref<1280xf32, #tpu.memory_space<hbm>>) dst(%arg8 : memref<1280xf32, #tpu.memory_space<vmem>>)
    %dma_wait3A_27 = arith.constant 0 : i32
    %dma_wait3A_28 = tpu.memref_slice %arg4[%dma_wait3A_27] : memref<6272xf32, #tpu.memory_space<hbm>> -> memref<1280xf32, #tpu.memory_space<hbm>>
    %dma_wait3A_29 = arith.constant 0 : i32
    %dma_wait3A_30 = tpu.memref_slice %arg4[%dma_wait3A_29] : memref<6272xf32, #tpu.memory_space<hbm>> -> memref<1280xf32, #tpu.memory_space<hbm>>
    tpu.wait_dma2 semaphore(%arg13 : memref<!tpu.dma_semaphore, #tpu.memory_space<semaphore_mem>>) src(%dma_wait3A_30 : memref<1280xf32, #tpu.memory_space<hbm>>) dst(%arg8 : memref<1280xf32, #tpu.memory_space<vmem>>)
    %barrier3A_31 = arith.constant 0 : index
    tpu.barrier barrier_id(%barrier3A_31)
    "tpu.region"() ({
      %run_scoped3A = tpu.sem_alloc : memref<!tpu.dma_semaphore, #tpu.memory_space<semaphore_mem>>
      %dma_start3A = tpu.memref_slice %arg11[%mul3A_5] : memref<100352xf32, #tpu.memory_space<vmem_shared>> -> memref<6272xf32, #tpu.memory_space<vmem_shared>>
      %dma_start3A_38 = tpu.memref_slice %arg11[%mul3A_5] : memref<100352xf32, #tpu.memory_space<vmem_shared>> -> memref<6272xf32, #tpu.memory_space<vmem_shared>>
      tpu.enqueue_dma source(%dma_start3A_38 : memref<6272xf32, #tpu.memory_space<vmem_shared>>) target(%arg9 : memref<6272xf32, #tpu.memory_space<vmem>>) target_semaphore(%run_scoped3A : memref<!tpu.dma_semaphore, #tpu.memory_space<semaphore_mem>>)
      %dma_wait3A_39 = tpu.memref_slice %arg11[%mul3A_5] : memref<100352xf32, #tpu.memory_space<vmem_shared>> -> memref<6272xf32, #tpu.memory_space<vmem_shared>>
      %dma_wait3A_40 = tpu.memref_slice %arg11[%mul3A_5] : memref<100352xf32, #tpu.memory_space<vmem_shared>> -> memref<6272xf32, #tpu.memory_space<vmem_shared>>
      tpu.wait_dma2 semaphore(%run_scoped3A : memref<!tpu.dma_semaphore, #tpu.memory_space<semaphore_mem>>) src(%dma_wait3A_40 : memref<6272xf32, #tpu.memory_space<vmem_shared>>) dst(%arg9 : memref<6272xf32, #tpu.memory_space<vmem>>)
      tpu.yield
    }) : () -> ()
    %scan3A_32 = arith.constant 0 : i32
    %scan3A_33 = arith.constant 0 : i32
    %scan3A_34 = arith.constant 6272 : i32
    %scan3A_35 = arith.addi %scan3A_33, %scan3A_34 : i32
    %scan3A_36 = arith.constant 1 : i32
    scf.for %scan3A_38 = %scan3A_33 to %scan3A_35 step %scan3A_36  : i32 {
      %broadcast_in_dim3A = vector.broadcast %scan3A_38 : i32 to vector<16xi32>
      %gather3A = tpu.vector_load_idx %arg9[%broadcast_in_dim3A] : memref<6272xf32, #tpu.memory_space<vmem>>[vector<16xi32>], vector<16xf32>,
      %swap3A = arith.index_cast %scan3A_38 : i32 to index
      %swap3A_39 = arith.constant 0 : index
      %swap3A_40 = tpu.vector_load %arg10[%swap3A, %swap3A_39] {strides = array<i32>} : memref<6272x16xf32, #tpu.memory_space<vmem>>, vector<16xf32>,
      tpu.vector_store %arg10[%swap3A, %swap3A_39], %gather3A {strides = array<i32>} : memref<6272x16xf32, #tpu.memory_space<vmem>>, vector<16xf32>,
    }
    %scan3A_37 = arith.constant 6272 : i32
    "tpu.region"() ({
      %run_scoped3A = tpu.sem_alloc : memref<!tpu.dma_semaphore, #tpu.memory_space<semaphore_mem>>
      %dma_start3A = arith.constant 0 : i32
      %dma_start3A_38 = tpu.memref_slice %arg5[%arg0, %mul3A_5, %dma_start3A] : memref<2x100352x16xf32, #tpu.memory_space<hbm>> -> memref<1x6272x16xf32, #tpu.memory_space<hbm>>
      %dma_start3A_39 = tpu.memref_squeeze %dma_start3A_38 : memref<1x6272x16xf32, #tpu.memory_space<hbm>> -> memref<6272x16xf32, #tpu.memory_space<hbm>>
      %dma_start3A_40 = arith.constant 0 : i32
      %dma_start3A_41 = tpu.memref_slice %arg5[%arg0, %mul3A_5, %dma_start3A_40] : memref<2x100352x16xf32, #tpu.memory_space<hbm>> -> memref<1x6272x16xf32, #tpu.memory_space<hbm>>
      %dma_start3A_42 = tpu.memref_squeeze %dma_start3A_41 : memref<1x6272x16xf32, #tpu.memory_space<hbm>> -> memref<6272x16xf32, #tpu.memory_space<hbm>>
      tpu.enqueue_dma source(%arg10 : memref<6272x16xf32, #tpu.memory_space<vmem>>) target(%dma_start3A_42 : memref<6272x16xf32, #tpu.memory_space<hbm>>) target_semaphore(%run_scoped3A : memref<!tpu.dma_semaphore, #tpu.memory_space<semaphore_mem>>)
      %dma_wait3A_43 = arith.constant 0 : i32
      %dma_wait3A_44 = tpu.memref_slice %arg5[%arg0, %mul3A_5, %dma_wait3A_43] : memref<2x100352x16xf32, #tpu.memory_space<hbm>> -> memref<1x6272x16xf32, #tpu.memory_space<hbm>>
      %dma_wait3A_45 = tpu.memref_squeeze %dma_wait3A_44 : memref<1x6272x16xf32, #tpu.memory_space<hbm>> -> memref<6272x16xf32, #tpu.memory_space<hbm>>
      %dma_wait3A_46 = arith.constant 0 : i32
      %dma_wait3A_47 = tpu.memref_slice %arg5[%arg0, %mul3A_5, %dma_wait3A_46] : memref<2x100352x16xf32, #tpu.memory_space<hbm>> -> memref<1x6272x16xf32, #tpu.memory_space<hbm>>
      %dma_wait3A_48 = tpu.memref_squeeze %dma_wait3A_47 : memref<1x6272x16xf32, #tpu.memory_space<hbm>> -> memref<6272x16xf32, #tpu.memory_space<hbm>>
      tpu.wait_dma2 semaphore(%run_scoped3A : memref<!tpu.dma_semaphore, #tpu.memory_space<semaphore_mem>>) src(%arg10 : memref<6272x16xf32, #tpu.memory_space<vmem>>) dst(%dma_wait3A_48 : memref<6272x16xf32, #tpu.memory_space<hbm>>)
      tpu.yield
    }) : () -> ()
    return
  }
}

#map = affine_map<(d0, d1) -> (0, 0, 0)>
#map1 = affine_map<(d0, d1) -> (0, 0)>
module attributes {stable_mosaic.version = 14 : i64} {
  func.func @prop(%arg0: i32, %arg1: i32, %arg2: memref<12500x2x128xi32, #tpu.memory_space<hbm>>, %arg3: memref<300x2x128xi32, #tpu.memory_space<hbm>>, %arg4: memref<200704x16xf32, #tpu.memory_space<hbm>>, %arg5: memref<6272x16xf32, #tpu.memory_space<hbm>>, %arg6: memref<2x100352x16xf32, #tpu.memory_space<hbm>>, %arg7: memref<3x5x2x128xi32, #tpu.memory_space<vmem>>, %arg8: memref<2x640x16xf32, #tpu.memory_space<vmem>>, %arg9: memref<100352x16xf32, #tpu.memory_space<vmem_shared>>, %arg10: memref<!tpu.dma_semaphore, #tpu.memory_space<semaphore_mem>>, %arg11: memref<!tpu.dma_semaphore, #tpu.memory_space<semaphore_mem>>, %arg12: memref<!tpu.dma_semaphore, #tpu.memory_space<semaphore_mem>>) attributes {dimension_semantics = [#tpu.dimension_semantics<core_parallel>, #tpu.dimension_semantics<subcore_parallel>], iteration_bounds = array<i64: 2, 16>, scalar_prefetch = 0 : i64, scratch_operands = 6 : i64, tpu.core_type = #tpu.core_type<sc_vector_subcore>, window_params = [{transform_indices = #map}, {transform_indices = #map}, {transform_indices = #map1}, {transform_indices = #map1}, {transform_indices = #map}]} {
    %mul3A = arith.constant 6272 : i32
    %mul3A_0 = arith.muli %arg1, %mul3A : i32
    "tpu.region"() ({
      %run_scoped3A = tpu.sem_alloc : memref<!tpu.dma_semaphore, #tpu.memory_space<semaphore_mem>>
      %dma_start3A_131 = arith.constant 0 : i32
      %dma_start3A_132 = tpu.memref_slice %arg9[%mul3A_0, %dma_start3A_131] : memref<100352x16xf32, #tpu.memory_space<vmem_shared>> -> memref<6272x16xf32, #tpu.memory_space<vmem_shared>>
      tpu.enqueue_dma source(%arg5 : memref<6272x16xf32, #tpu.memory_space<hbm>>) target(%dma_start3A_132 : memref<6272x16xf32, #tpu.memory_space<vmem_shared>>) target_semaphore(%run_scoped3A : memref<!tpu.dma_semaphore, #tpu.memory_space<semaphore_mem>>)
      %dma_wait3A_133 = arith.constant 0 : i32
      %dma_wait3A_134 = tpu.memref_slice %arg9[%mul3A_0, %dma_wait3A_133] : memref<100352x16xf32, #tpu.memory_space<vmem_shared>> -> memref<6272x16xf32, #tpu.memory_space<vmem_shared>>
      tpu.wait_dma2 semaphore(%run_scoped3A : memref<!tpu.dma_semaphore, #tpu.memory_space<semaphore_mem>>) src(%arg5 : memref<6272x16xf32, #tpu.memory_space<hbm>>) dst(%dma_wait3A_134 : memref<6272x16xf32, #tpu.memory_space<vmem_shared>>)
      tpu.yield
    }) : () -> ()
    %barrier3A = arith.constant 0 : index
    tpu.barrier barrier_id(%barrier3A)
    %mul3A_1 = arith.constant 800 : i32
    %mul3A_2 = arith.muli %arg1, %mul3A_1 : i32
    %mul3A_3 = arith.constant 100352 : i32
    %mul3A_4 = arith.muli %arg0, %mul3A_3 : i32
    %add3A = arith.constant 0 : i32
    %add3A_5 = arith.addi %mul3A_2, %add3A : i32
    %lt3A = arith.constant 12500 : i32
    %lt3A_6 = arith.cmpi slt, %add3A_5, %lt3A : i32
    %convert_element_type3A = arith.extui %lt3A_6 : i1 to i32
    %cond3A = arith.constant 0 : i32
    %cond3A_7 = arith.cmpi ne, %convert_element_type3A, %cond3A : i32
    scf.if %cond3A_7 {
      %dma_start3A_131 = arith.constant 0 : i32
      %dma_start3A_132 = arith.constant 0 : i32
      %dma_start3A_133 = arith.constant 0 : i32
      %dma_start3A_134 = arith.constant 0 : i32
      %dma_start3A_135 = tpu.memref_slice %arg7[%dma_start3A_131, %dma_start3A_132, %dma_start3A_133, %dma_start3A_134] : memref<3x5x2x128xi32, #tpu.memory_space<vmem>> -> memref<1x5x2x128xi32, #tpu.memory_space<vmem>>
      %dma_start3A_136 = tpu.memref_squeeze %dma_start3A_135 : memref<1x5x2x128xi32, #tpu.memory_space<vmem>> -> memref<5x2x128xi32, #tpu.memory_space<vmem>>
      %dma_start3A_137 = arith.constant 0 : i32
      %dma_start3A_138 = arith.constant 0 : i32
      %dma_start3A_139 = tpu.memref_slice %arg2[%add3A_5, %dma_start3A_137, %dma_start3A_138] : memref<12500x2x128xi32, #tpu.memory_space<hbm>> -> memref<5x2x128xi32, #tpu.memory_space<hbm>>
      %dma_start3A_140 = arith.constant 0 : i32
      %dma_start3A_141 = arith.constant 0 : i32
      %dma_start3A_142 = arith.constant 0 : i32
      %dma_start3A_143 = tpu.memref_slice %arg7[%dma_start3A_131, %dma_start3A_140, %dma_start3A_141, %dma_start3A_142] : memref<3x5x2x128xi32, #tpu.memory_space<vmem>> -> memref<1x5x2x128xi32, #tpu.memory_space<vmem>>
      %dma_start3A_144 = tpu.memref_squeeze %dma_start3A_143 : memref<1x5x2x128xi32, #tpu.memory_space<vmem>> -> memref<5x2x128xi32, #tpu.memory_space<vmem>>
      %dma_start3A_145 = arith.constant 0 : i32
      %dma_start3A_146 = arith.constant 0 : i32
      %dma_start3A_147 = tpu.memref_slice %arg2[%add3A_5, %dma_start3A_145, %dma_start3A_146] : memref<12500x2x128xi32, #tpu.memory_space<hbm>> -> memref<5x2x128xi32, #tpu.memory_space<hbm>>
      tpu.enqueue_dma source(%dma_start3A_147 : memref<5x2x128xi32, #tpu.memory_space<hbm>>) target(%dma_start3A_144 : memref<5x2x128xi32, #tpu.memory_space<vmem>>) target_semaphore(%arg10 : memref<!tpu.dma_semaphore, #tpu.memory_space<semaphore_mem>>)
    } else {
    }
    %ge3A = arith.constant 12500 : i32
    %ge3A_8 = arith.cmpi sge, %add3A_5, %ge3A : i32
    %convert_element_type3A_9 = arith.extui %ge3A_8 : i1 to i32
    %cond3A_10 = arith.constant 0 : i32
    %cond3A_11 = arith.cmpi ne, %convert_element_type3A_9, %cond3A_10 : i32
    scf.if %cond3A_11 {
      %sub3A = arith.constant 12500 : i32
      %sub3A_131 = arith.subi %add3A_5, %sub3A : i32
      %dma_start3A_132 = arith.constant 0 : i32
      %dma_start3A_133 = arith.constant 0 : i32
      %dma_start3A_134 = arith.constant 0 : i32
      %dma_start3A_135 = arith.constant 0 : i32
      %dma_start3A_136 = tpu.memref_slice %arg7[%dma_start3A_132, %dma_start3A_133, %dma_start3A_134, %dma_start3A_135] : memref<3x5x2x128xi32, #tpu.memory_space<vmem>> -> memref<1x5x2x128xi32, #tpu.memory_space<vmem>>
      %dma_start3A_137 = tpu.memref_squeeze %dma_start3A_136 : memref<1x5x2x128xi32, #tpu.memory_space<vmem>> -> memref<5x2x128xi32, #tpu.memory_space<vmem>>
      %dma_start3A_138 = arith.constant 0 : i32
      %dma_start3A_139 = arith.constant 0 : i32
      %dma_start3A_140 = tpu.memref_slice %arg3[%sub3A_131, %dma_start3A_138, %dma_start3A_139] : memref<300x2x128xi32, #tpu.memory_space<hbm>> -> memref<5x2x128xi32, #tpu.memory_space<hbm>>
      %dma_start3A_141 = arith.constant 0 : i32
      %dma_start3A_142 = arith.constant 0 : i32
      %dma_start3A_143 = arith.constant 0 : i32
      %dma_start3A_144 = tpu.memref_slice %arg7[%dma_start3A_132, %dma_start3A_141, %dma_start3A_142, %dma_start3A_143] : memref<3x5x2x128xi32, #tpu.memory_space<vmem>> -> memref<1x5x2x128xi32, #tpu.memory_space<vmem>>
      %dma_start3A_145 = tpu.memref_squeeze %dma_start3A_144 : memref<1x5x2x128xi32, #tpu.memory_space<vmem>> -> memref<5x2x128xi32, #tpu.memory_space<vmem>>
      %dma_start3A_146 = arith.constant 0 : i32
      %dma_start3A_147 = arith.constant 0 : i32
      %dma_start3A_148 = tpu.memref_slice %arg3[%sub3A_131, %dma_start3A_146, %dma_start3A_147] : memref<300x2x128xi32, #tpu.memory_space<hbm>> -> memref<5x2x128xi32, #tpu.memory_space<hbm>>
      tpu.enqueue_dma source(%dma_start3A_148 : memref<5x2x128xi32, #tpu.memory_space<hbm>>) target(%dma_start3A_145 : memref<5x2x128xi32, #tpu.memory_space<vmem>>) target_semaphore(%arg10 : memref<!tpu.dma_semaphore, #tpu.memory_space<semaphore_mem>>)
    } else {
    }
    %scan3A = arith.constant 0 : i32
    %scan3A_12 = arith.constant 0 : i32
    %scan3A_13 = arith.constant 160 : i32
    %scan3A_14 = arith.addi %scan3A_12, %scan3A_13 : i32
    %scan3A_15 = arith.constant 1 : i32
    scf.for %scan3A_131 = %scan3A_12 to %scan3A_14 step %scan3A_15  : i32 {
      %rem3A = arith.constant 2 : i32
      %rem3A_132 = arith.remsi %scan3A_131, %rem3A : i32
      %rem3A_133 = arith.constant 3 : i32
      %rem3A_134 = arith.remsi %scan3A_131, %rem3A_133 : i32
      %add3A_135 = arith.constant 1 : i32
      %add3A_136 = arith.addi %scan3A_131, %add3A_135 : i32
      %rem3A_137 = arith.constant 2 : i32
      %rem3A_138 = arith.remsi %add3A_136, %rem3A_137 : i32
      %add3A_139 = arith.constant 2 : i32
      %add3A_140 = arith.addi %scan3A_131, %add3A_139 : i32
      %rem3A_141 = arith.constant 3 : i32
      %rem3A_142 = arith.remsi %add3A_140, %rem3A_141 : i32
      %dma_wait3A_143 = arith.constant 0 : i32
      %dma_wait3A_144 = arith.constant 0 : i32
      %dma_wait3A_145 = arith.constant 0 : i32
      %dma_wait3A_146 = arith.constant 0 : i32
      %dma_wait3A_147 = tpu.memref_slice %arg7[%dma_wait3A_143, %dma_wait3A_144, %dma_wait3A_145, %dma_wait3A_146] : memref<3x5x2x128xi32, #tpu.memory_space<vmem>> -> memref<1x5x2x128xi32, #tpu.memory_space<vmem>>
      %dma_wait3A_148 = tpu.memref_squeeze %dma_wait3A_147 : memref<1x5x2x128xi32, #tpu.memory_space<vmem>> -> memref<5x2x128xi32, #tpu.memory_space<vmem>>
      %dma_wait3A_149 = arith.constant 0 : i32
      %dma_wait3A_150 = arith.constant 0 : i32
      %dma_wait3A_151 = arith.constant 0 : i32
      %dma_wait3A_152 = tpu.memref_slice %arg2[%dma_wait3A_149, %dma_wait3A_150, %dma_wait3A_151] : memref<12500x2x128xi32, #tpu.memory_space<hbm>> -> memref<5x2x128xi32, #tpu.memory_space<hbm>>
      %dma_wait3A_153 = arith.constant 0 : i32
      %dma_wait3A_154 = arith.constant 0 : i32
      %dma_wait3A_155 = arith.constant 0 : i32
      %dma_wait3A_156 = tpu.memref_slice %arg7[%dma_wait3A_143, %dma_wait3A_153, %dma_wait3A_154, %dma_wait3A_155] : memref<3x5x2x128xi32, #tpu.memory_space<vmem>> -> memref<1x5x2x128xi32, #tpu.memory_space<vmem>>
      %dma_wait3A_157 = tpu.memref_squeeze %dma_wait3A_156 : memref<1x5x2x128xi32, #tpu.memory_space<vmem>> -> memref<5x2x128xi32, #tpu.memory_space<vmem>>
      %dma_wait3A_158 = arith.constant 0 : i32
      %dma_wait3A_159 = arith.constant 0 : i32
      %dma_wait3A_160 = arith.constant 0 : i32
      %dma_wait3A_161 = tpu.memref_slice %arg2[%dma_wait3A_158, %dma_wait3A_159, %dma_wait3A_160] : memref<12500x2x128xi32, #tpu.memory_space<hbm>> -> memref<5x2x128xi32, #tpu.memory_space<hbm>>
      tpu.wait_dma2 semaphore(%arg10 : memref<!tpu.dma_semaphore, #tpu.memory_space<semaphore_mem>>) src(%dma_wait3A_161 : memref<5x2x128xi32, #tpu.memory_space<hbm>>) dst(%dma_wait3A_157 : memref<5x2x128xi32, #tpu.memory_space<vmem>>)
      %get3A = arith.constant 0 : i32
      %get3A_162 = arith.constant 0 : i32
      %get3A_163 = arith.index_cast %rem3A_134 : i32 to index
      %get3A_164 = arith.index_cast %get3A : i32 to index
      %get3A_165 = arith.index_cast %get3A_162 : i32 to index
      %get3A_166 = arith.constant 0 : index
      %get3A_167 = tpu.vector_load %arg7[%get3A_163, %get3A_164, %get3A_165, %get3A_166] {strides = array<i32>} : memref<3x5x2x128xi32, #tpu.memory_space<vmem>>, vector<1x1x1x16xi32>,
      %get3A_168 = vector.shape_cast %get3A_167 : vector<1x1x1x16xi32> to vector<16xi32>
      %add3A_169 = vector.broadcast %mul3A_4 : i32 to vector<16xi32>
      %add3A_170 = arith.addi %get3A_168, %add3A_169 : vector<16xi32>
      %swap3A = arith.constant 0 : i32
      %swap3A_171 = arith.constant 0 : i32
      %swap3A_172 = arith.index_cast %rem3A_134 : i32 to index
      %swap3A_173 = arith.index_cast %swap3A : i32 to index
      %swap3A_174 = arith.index_cast %swap3A_171 : i32 to index
      %swap3A_175 = arith.constant 0 : index
      %swap3A_176 = tpu.vector_load %arg7[%swap3A_172, %swap3A_173, %swap3A_174, %swap3A_175] {strides = array<i32>} : memref<3x5x2x128xi32, #tpu.memory_space<vmem>>, vector<1x1x1x16xi32>,
      %swap3A_177 = vector.shape_cast %swap3A_176 : vector<1x1x1x16xi32> to vector<16xi32>
      %swap3A_178 = vector.shape_cast %add3A_170 : vector<16xi32> to vector<1x1x1x16xi32>
      tpu.vector_store %arg7[%swap3A_172, %swap3A_173, %swap3A_174, %swap3A_175], %swap3A_178 {strides = array<i32>} : memref<3x5x2x128xi32, #tpu.memory_space<vmem>>, vector<1x1x1x16xi32>,
      %get3A_179 = arith.constant 0 : i32
      %get3A_180 = arith.constant 0 : i32
      %get3A_181 = arith.index_cast %rem3A_134 : i32 to index
      %get3A_182 = arith.index_cast %get3A_179 : i32 to index
      %get3A_183 = arith.index_cast %get3A_180 : i32 to index
      %get3A_184 = arith.constant 16 : index
      %get3A_185 = tpu.vector_load %arg7[%get3A_181, %get3A_182, %get3A_183, %get3A_184] {strides = array<i32>} : memref<3x5x2x128xi32, #tpu.memory_space<vmem>>, vector<1x1x1x16xi32>,
      %get3A_186 = vector.shape_cast %get3A_185 : vector<1x1x1x16xi32> to vector<16xi32>
      %add3A_187 = vector.broadcast %mul3A_4 : i32 to vector<16xi32>
      %add3A_188 = arith.addi %get3A_186, %add3A_187 : vector<16xi32>
      %swap3A_189 = arith.constant 0 : i32
      %swap3A_190 = arith.constant 0 : i32
      %swap3A_191 = arith.index_cast %rem3A_134 : i32 to index
      %swap3A_192 = arith.index_cast %swap3A_189 : i32 to index
      %swap3A_193 = arith.index_cast %swap3A_190 : i32 to index
      %swap3A_194 = arith.constant 16 : index
      %swap3A_195 = tpu.vector_load %arg7[%swap3A_191, %swap3A_192, %swap3A_193, %swap3A_194] {strides = array<i32>} : memref<3x5x2x128xi32, #tpu.memory_space<vmem>>, vector<1x1x1x16xi32>,
      %swap3A_196 = vector.shape_cast %swap3A_195 : vector<1x1x1x16xi32> to vector<16xi32>
      %swap3A_197 = vector.shape_cast %add3A_188 : vector<16xi32> to vector<1x1x1x16xi32>
      tpu.vector_store %arg7[%swap3A_191, %swap3A_192, %swap3A_193, %swap3A_194], %swap3A_197 {strides = array<i32>} : memref<3x5x2x128xi32, #tpu.memory_space<vmem>>, vector<1x1x1x16xi32>,
      %get3A_198 = arith.constant 0 : i32
      %get3A_199 = arith.constant 0 : i32
      %get3A_200 = arith.index_cast %rem3A_134 : i32 to index
      %get3A_201 = arith.index_cast %get3A_198 : i32 to index
      %get3A_202 = arith.index_cast %get3A_199 : i32 to index
      %get3A_203 = arith.constant 32 : index
      %get3A_204 = tpu.vector_load %arg7[%get3A_200, %get3A_201, %get3A_202, %get3A_203] {strides = array<i32>} : memref<3x5x2x128xi32, #tpu.memory_space<vmem>>, vector<1x1x1x16xi32>,
      %get3A_205 = vector.shape_cast %get3A_204 : vector<1x1x1x16xi32> to vector<16xi32>
      %add3A_206 = vector.broadcast %mul3A_4 : i32 to vector<16xi32>
      %add3A_207 = arith.addi %get3A_205, %add3A_206 : vector<16xi32>
      %swap3A_208 = arith.constant 0 : i32
      %swap3A_209 = arith.constant 0 : i32
      %swap3A_210 = arith.index_cast %rem3A_134 : i32 to index
      %swap3A_211 = arith.index_cast %swap3A_208 : i32 to index
      %swap3A_212 = arith.index_cast %swap3A_209 : i32 to index
      %swap3A_213 = arith.constant 32 : index
      %swap3A_214 = tpu.vector_load %arg7[%swap3A_210, %swap3A_211, %swap3A_212, %swap3A_213] {strides = array<i32>} : memref<3x5x2x128xi32, #tpu.memory_space<vmem>>, vector<1x1x1x16xi32>,
      %swap3A_215 = vector.shape_cast %swap3A_214 : vector<1x1x1x16xi32> to vector<16xi32>
      %swap3A_216 = vector.shape_cast %add3A_207 : vector<16xi32> to vector<1x1x1x16xi32>
      tpu.vector_store %arg7[%swap3A_210, %swap3A_211, %swap3A_212, %swap3A_213], %swap3A_216 {strides = array<i32>} : memref<3x5x2x128xi32, #tpu.memory_space<vmem>>, vector<1x1x1x16xi32>,
      %get3A_217 = arith.constant 0 : i32
      %get3A_218 = arith.constant 0 : i32
      %get3A_219 = arith.index_cast %rem3A_134 : i32 to index
      %get3A_220 = arith.index_cast %get3A_217 : i32 to index
      %get3A_221 = arith.index_cast %get3A_218 : i32 to index
      %get3A_222 = arith.constant 48 : index
      %get3A_223 = tpu.vector_load %arg7[%get3A_219, %get3A_220, %get3A_221, %get3A_222] {strides = array<i32>} : memref<3x5x2x128xi32, #tpu.memory_space<vmem>>, vector<1x1x1x16xi32>,
      %get3A_224 = vector.shape_cast %get3A_223 : vector<1x1x1x16xi32> to vector<16xi32>
      %add3A_225 = vector.broadcast %mul3A_4 : i32 to vector<16xi32>
      %add3A_226 = arith.addi %get3A_224, %add3A_225 : vector<16xi32>
      %swap3A_227 = arith.constant 0 : i32
      %swap3A_228 = arith.constant 0 : i32
      %swap3A_229 = arith.index_cast %rem3A_134 : i32 to index
      %swap3A_230 = arith.index_cast %swap3A_227 : i32 to index
      %swap3A_231 = arith.index_cast %swap3A_228 : i32 to index
      %swap3A_232 = arith.constant 48 : index
      %swap3A_233 = tpu.vector_load %arg7[%swap3A_229, %swap3A_230, %swap3A_231, %swap3A_232] {strides = array<i32>} : memref<3x5x2x128xi32, #tpu.memory_space<vmem>>, vector<1x1x1x16xi32>,
      %swap3A_234 = vector.shape_cast %swap3A_233 : vector<1x1x1x16xi32> to vector<16xi32>
      %swap3A_235 = vector.shape_cast %add3A_226 : vector<16xi32> to vector<1x1x1x16xi32>
      tpu.vector_store %arg7[%swap3A_229, %swap3A_230, %swap3A_231, %swap3A_232], %swap3A_235 {strides = array<i32>} : memref<3x5x2x128xi32, #tpu.memory_space<vmem>>, vector<1x1x1x16xi32>,
      %get3A_236 = arith.constant 0 : i32
      %get3A_237 = arith.constant 0 : i32
      %get3A_238 = arith.index_cast %rem3A_134 : i32 to index
      %get3A_239 = arith.index_cast %get3A_236 : i32 to index
      %get3A_240 = arith.index_cast %get3A_237 : i32 to index
      %get3A_241 = arith.constant 64 : index
      %get3A_242 = tpu.vector_load %arg7[%get3A_238, %get3A_239, %get3A_240, %get3A_241] {strides = array<i32>} : memref<3x5x2x128xi32, #tpu.memory_space<vmem>>, vector<1x1x1x16xi32>,
      %get3A_243 = vector.shape_cast %get3A_242 : vector<1x1x1x16xi32> to vector<16xi32>
      %add3A_244 = vector.broadcast %mul3A_4 : i32 to vector<16xi32>
      %add3A_245 = arith.addi %get3A_243, %add3A_244 : vector<16xi32>
      %swap3A_246 = arith.constant 0 : i32
      %swap3A_247 = arith.constant 0 : i32
      %swap3A_248 = arith.index_cast %rem3A_134 : i32 to index
      %swap3A_249 = arith.index_cast %swap3A_246 : i32 to index
      %swap3A_250 = arith.index_cast %swap3A_247 : i32 to index
      %swap3A_251 = arith.constant 64 : index
      %swap3A_252 = tpu.vector_load %arg7[%swap3A_248, %swap3A_249, %swap3A_250, %swap3A_251] {strides = array<i32>} : memref<3x5x2x128xi32, #tpu.memory_space<vmem>>, vector<1x1x1x16xi32>,
      %swap3A_253 = vector.shape_cast %swap3A_252 : vector<1x1x1x16xi32> to vector<16xi32>
      %swap3A_254 = vector.shape_cast %add3A_245 : vector<16xi32> to vector<1x1x1x16xi32>
      tpu.vector_store %arg7[%swap3A_248, %swap3A_249, %swap3A_250, %swap3A_251], %swap3A_254 {strides = array<i32>} : memref<3x5x2x128xi32, #tpu.memory_space<vmem>>, vector<1x1x1x16xi32>,
      %get3A_255 = arith.constant 0 : i32
      %get3A_256 = arith.constant 0 : i32
      %get3A_257 = arith.index_cast %rem3A_134 : i32 to index
      %get3A_258 = arith.index_cast %get3A_255 : i32 to index
      %get3A_259 = arith.index_cast %get3A_256 : i32 to index
      %get3A_260 = arith.constant 80 : index
      %get3A_261 = tpu.vector_load %arg7[%get3A_257, %get3A_258, %get3A_259, %get3A_260] {strides = array<i32>} : memref<3x5x2x128xi32, #tpu.memory_space<vmem>>, vector<1x1x1x16xi32>,
      %get3A_262 = vector.shape_cast %get3A_261 : vector<1x1x1x16xi32> to vector<16xi32>
      %add3A_263 = vector.broadcast %mul3A_4 : i32 to vector<16xi32>
      %add3A_264 = arith.addi %get3A_262, %add3A_263 : vector<16xi32>
      %swap3A_265 = arith.constant 0 : i32
      %swap3A_266 = arith.constant 0 : i32
      %swap3A_267 = arith.index_cast %rem3A_134 : i32 to index
      %swap3A_268 = arith.index_cast %swap3A_265 : i32 to index
      %swap3A_269 = arith.index_cast %swap3A_266 : i32 to index
      %swap3A_270 = arith.constant 80 : index
      %swap3A_271 = tpu.vector_load %arg7[%swap3A_267, %swap3A_268, %swap3A_269, %swap3A_270] {strides = array<i32>} : memref<3x5x2x128xi32, #tpu.memory_space<vmem>>, vector<1x1x1x16xi32>,
      %swap3A_272 = vector.shape_cast %swap3A_271 : vector<1x1x1x16xi32> to vector<16xi32>
      %swap3A_273 = vector.shape_cast %add3A_264 : vector<16xi32> to vector<1x1x1x16xi32>
      tpu.vector_store %arg7[%swap3A_267, %swap3A_268, %swap3A_269, %swap3A_270], %swap3A_273 {strides = array<i32>} : memref<3x5x2x128xi32, #tpu.memory_space<vmem>>, vector<1x1x1x16xi32>,
      %get3A_274 = arith.constant 0 : i32
      %get3A_275 = arith.constant 0 : i32
      %get3A_276 = arith.index_cast %rem3A_134 : i32 to index
      %get3A_277 = arith.index_cast %get3A_274 : i32 to index
      %get3A_278 = arith.index_cast %get3A_275 : i32 to index
      %get3A_279 = arith.constant 96 : index
      %get3A_280 = tpu.vector_load %arg7[%get3A_276, %get3A_277, %get3A_278, %get3A_279] {strides = array<i32>} : memref<3x5x2x128xi32, #tpu.memory_space<vmem>>, vector<1x1x1x16xi32>,
      %get3A_281 = vector.shape_cast %get3A_280 : vector<1x1x1x16xi32> to vector<16xi32>
      %add3A_282 = vector.broadcast %mul3A_4 : i32 to vector<16xi32>
      %add3A_283 = arith.addi %get3A_281, %add3A_282 : vector<16xi32>
      %swap3A_284 = arith.constant 0 : i32
      %swap3A_285 = arith.constant 0 : i32
      %swap3A_286 = arith.index_cast %rem3A_134 : i32 to index
      %swap3A_287 = arith.index_cast %swap3A_284 : i32 to index
      %swap3A_288 = arith.index_cast %swap3A_285 : i32 to index
      %swap3A_289 = arith.constant 96 : index
      %swap3A_290 = tpu.vector_load %arg7[%swap3A_286, %swap3A_287, %swap3A_288, %swap3A_289] {strides = array<i32>} : memref<3x5x2x128xi32, #tpu.memory_space<vmem>>, vector<1x1x1x16xi32>,
      %swap3A_291 = vector.shape_cast %swap3A_290 : vector<1x1x1x16xi32> to vector<16xi32>
      %swap3A_292 = vector.shape_cast %add3A_283 : vector<16xi32> to vector<1x1x1x16xi32>
      tpu.vector_store %arg7[%swap3A_286, %swap3A_287, %swap3A_288, %swap3A_289], %swap3A_292 {strides = array<i32>} : memref<3x5x2x128xi32, #tpu.memory_space<vmem>>, vector<1x1x1x16xi32>,
      %get3A_293 = arith.constant 0 : i32
      %get3A_294 = arith.constant 0 : i32
      %get3A_295 = arith.index_cast %rem3A_134 : i32 to index
      %get3A_296 = arith.index_cast %get3A_293 : i32 to index
      %get3A_297 = arith.index_cast %get3A_294 : i32 to index
      %get3A_298 = arith.constant 112 : index
      %get3A_299 = tpu.vector_load %arg7[%get3A_295, %get3A_296, %get3A_297, %get3A_298] {strides = array<i32>} : memref<3x5x2x128xi32, #tpu.memory_space<vmem>>, vector<1x1x1x16xi32>,
      %get3A_300 = vector.shape_cast %get3A_299 : vector<1x1x1x16xi32> to vector<16xi32>
      %add3A_301 = vector.broadcast %mul3A_4 : i32 to vector<16xi32>
      %add3A_302 = arith.addi %get3A_300, %add3A_301 : vector<16xi32>
      %swap3A_303 = arith.constant 0 : i32
      %swap3A_304 = arith.constant 0 : i32
      %swap3A_305 = arith.index_cast %rem3A_134 : i32 to index
      %swap3A_306 = arith.index_cast %swap3A_303 : i32 to index
      %swap3A_307 = arith.index_cast %swap3A_304 : i32 to index
      %swap3A_308 = arith.constant 112 : index
      %swap3A_309 = tpu.vector_load %arg7[%swap3A_305, %swap3A_306, %swap3A_307, %swap3A_308] {strides = array<i32>} : memref<3x5x2x128xi32, #tpu.memory_space<vmem>>, vector<1x1x1x16xi32>,
      %swap3A_310 = vector.shape_cast %swap3A_309 : vector<1x1x1x16xi32> to vector<16xi32>
      %swap3A_311 = vector.shape_cast %add3A_302 : vector<16xi32> to vector<1x1x1x16xi32>
      tpu.vector_store %arg7[%swap3A_305, %swap3A_306, %swap3A_307, %swap3A_308], %swap3A_311 {strides = array<i32>} : memref<3x5x2x128xi32, #tpu.memory_space<vmem>>, vector<1x1x1x16xi32>,
      %get3A_312 = arith.constant 1 : i32
      %get3A_313 = arith.constant 0 : i32
      %get3A_314 = arith.index_cast %rem3A_134 : i32 to index
      %get3A_315 = arith.index_cast %get3A_312 : i32 to index
      %get3A_316 = arith.index_cast %get3A_313 : i32 to index
      %get3A_317 = arith.constant 0 : index
      %get3A_318 = tpu.vector_load %arg7[%get3A_314, %get3A_315, %get3A_316, %get3A_317] {strides = array<i32>} : memref<3x5x2x128xi32, #tpu.memory_space<vmem>>, vector<1x1x1x16xi32>,
      %get3A_319 = vector.shape_cast %get3A_318 : vector<1x1x1x16xi32> to vector<16xi32>
      %add3A_320 = vector.broadcast %mul3A_4 : i32 to vector<16xi32>
      %add3A_321 = arith.addi %get3A_319, %add3A_320 : vector<16xi32>
      %swap3A_322 = arith.constant 1 : i32
      %swap3A_323 = arith.constant 0 : i32
      %swap3A_324 = arith.index_cast %rem3A_134 : i32 to index
      %swap3A_325 = arith.index_cast %swap3A_322 : i32 to index
      %swap3A_326 = arith.index_cast %swap3A_323 : i32 to index
      %swap3A_327 = arith.constant 0 : index
      %swap3A_328 = tpu.vector_load %arg7[%swap3A_324, %swap3A_325, %swap3A_326, %swap3A_327] {strides = array<i32>} : memref<3x5x2x128xi32, #tpu.memory_space<vmem>>, vector<1x1x1x16xi32>,
      %swap3A_329 = vector.shape_cast %swap3A_328 : vector<1x1x1x16xi32> to vector<16xi32>
      %swap3A_330 = vector.shape_cast %add3A_321 : vector<16xi32> to vector<1x1x1x16xi32>
      tpu.vector_store %arg7[%swap3A_324, %swap3A_325, %swap3A_326, %swap3A_327], %swap3A_330 {strides = array<i32>} : memref<3x5x2x128xi32, #tpu.memory_space<vmem>>, vector<1x1x1x16xi32>,
      %get3A_331 = arith.constant 1 : i32
      %get3A_332 = arith.constant 0 : i32
      %get3A_333 = arith.index_cast %rem3A_134 : i32 to index
      %get3A_334 = arith.index_cast %get3A_331 : i32 to index
      %get3A_335 = arith.index_cast %get3A_332 : i32 to index
      %get3A_336 = arith.constant 16 : index
      %get3A_337 = tpu.vector_load %arg7[%get3A_333, %get3A_334, %get3A_335, %get3A_336] {strides = array<i32>} : memref<3x5x2x128xi32, #tpu.memory_space<vmem>>, vector<1x1x1x16xi32>,
      %get3A_338 = vector.shape_cast %get3A_337 : vector<1x1x1x16xi32> to vector<16xi32>
      %add3A_339 = vector.broadcast %mul3A_4 : i32 to vector<16xi32>
      %add3A_340 = arith.addi %get3A_338, %add3A_339 : vector<16xi32>
      %swap3A_341 = arith.constant 1 : i32
      %swap3A_342 = arith.constant 0 : i32
      %swap3A_343 = arith.index_cast %rem3A_134 : i32 to index
      %swap3A_344 = arith.index_cast %swap3A_341 : i32 to index
      %swap3A_345 = arith.index_cast %swap3A_342 : i32 to index
      %swap3A_346 = arith.constant 16 : index
      %swap3A_347 = tpu.vector_load %arg7[%swap3A_343, %swap3A_344, %swap3A_345, %swap3A_346] {strides = array<i32>} : memref<3x5x2x128xi32, #tpu.memory_space<vmem>>, vector<1x1x1x16xi32>,
      %swap3A_348 = vector.shape_cast %swap3A_347 : vector<1x1x1x16xi32> to vector<16xi32>
      %swap3A_349 = vector.shape_cast %add3A_340 : vector<16xi32> to vector<1x1x1x16xi32>
      tpu.vector_store %arg7[%swap3A_343, %swap3A_344, %swap3A_345, %swap3A_346], %swap3A_349 {strides = array<i32>} : memref<3x5x2x128xi32, #tpu.memory_space<vmem>>, vector<1x1x1x16xi32>,
      %get3A_350 = arith.constant 1 : i32
      %get3A_351 = arith.constant 0 : i32
      %get3A_352 = arith.index_cast %rem3A_134 : i32 to index
      %get3A_353 = arith.index_cast %get3A_350 : i32 to index
      %get3A_354 = arith.index_cast %get3A_351 : i32 to index
      %get3A_355 = arith.constant 32 : index
      %get3A_356 = tpu.vector_load %arg7[%get3A_352, %get3A_353, %get3A_354, %get3A_355] {strides = array<i32>} : memref<3x5x2x128xi32, #tpu.memory_space<vmem>>, vector<1x1x1x16xi32>,
      %get3A_357 = vector.shape_cast %get3A_356 : vector<1x1x1x16xi32> to vector<16xi32>
      %add3A_358 = vector.broadcast %mul3A_4 : i32 to vector<16xi32>
      %add3A_359 = arith.addi %get3A_357, %add3A_358 : vector<16xi32>
      %swap3A_360 = arith.constant 1 : i32
      %swap3A_361 = arith.constant 0 : i32
      %swap3A_362 = arith.index_cast %rem3A_134 : i32 to index
      %swap3A_363 = arith.index_cast %swap3A_360 : i32 to index
      %swap3A_364 = arith.index_cast %swap3A_361 : i32 to index
      %swap3A_365 = arith.constant 32 : index
      %swap3A_366 = tpu.vector_load %arg7[%swap3A_362, %swap3A_363, %swap3A_364, %swap3A_365] {strides = array<i32>} : memref<3x5x2x128xi32, #tpu.memory_space<vmem>>, vector<1x1x1x16xi32>,
      %swap3A_367 = vector.shape_cast %swap3A_366 : vector<1x1x1x16xi32> to vector<16xi32>
      %swap3A_368 = vector.shape_cast %add3A_359 : vector<16xi32> to vector<1x1x1x16xi32>
      tpu.vector_store %arg7[%swap3A_362, %swap3A_363, %swap3A_364, %swap3A_365], %swap3A_368 {strides = array<i32>} : memref<3x5x2x128xi32, #tpu.memory_space<vmem>>, vector<1x1x1x16xi32>,
      %get3A_369 = arith.constant 1 : i32
      %get3A_370 = arith.constant 0 : i32
      %get3A_371 = arith.index_cast %rem3A_134 : i32 to index
      %get3A_372 = arith.index_cast %get3A_369 : i32 to index
      %get3A_373 = arith.index_cast %get3A_370 : i32 to index
      %get3A_374 = arith.constant 48 : index
      %get3A_375 = tpu.vector_load %arg7[%get3A_371, %get3A_372, %get3A_373, %get3A_374] {strides = array<i32>} : memref<3x5x2x128xi32, #tpu.memory_space<vmem>>, vector<1x1x1x16xi32>,
      %get3A_376 = vector.shape_cast %get3A_375 : vector<1x1x1x16xi32> to vector<16xi32>
      %add3A_377 = vector.broadcast %mul3A_4 : i32 to vector<16xi32>
      %add3A_378 = arith.addi %get3A_376, %add3A_377 : vector<16xi32>
      %swap3A_379 = arith.constant 1 : i32
      %swap3A_380 = arith.constant 0 : i32
      %swap3A_381 = arith.index_cast %rem3A_134 : i32 to index
      %swap3A_382 = arith.index_cast %swap3A_379 : i32 to index
      %swap3A_383 = arith.index_cast %swap3A_380 : i32 to index
      %swap3A_384 = arith.constant 48 : index
      %swap3A_385 = tpu.vector_load %arg7[%swap3A_381, %swap3A_382, %swap3A_383, %swap3A_384] {strides = array<i32>} : memref<3x5x2x128xi32, #tpu.memory_space<vmem>>, vector<1x1x1x16xi32>,
      %swap3A_386 = vector.shape_cast %swap3A_385 : vector<1x1x1x16xi32> to vector<16xi32>
      %swap3A_387 = vector.shape_cast %add3A_378 : vector<16xi32> to vector<1x1x1x16xi32>
      tpu.vector_store %arg7[%swap3A_381, %swap3A_382, %swap3A_383, %swap3A_384], %swap3A_387 {strides = array<i32>} : memref<3x5x2x128xi32, #tpu.memory_space<vmem>>, vector<1x1x1x16xi32>,
      %get3A_388 = arith.constant 1 : i32
      %get3A_389 = arith.constant 0 : i32
      %get3A_390 = arith.index_cast %rem3A_134 : i32 to index
      %get3A_391 = arith.index_cast %get3A_388 : i32 to index
      %get3A_392 = arith.index_cast %get3A_389 : i32 to index
      %get3A_393 = arith.constant 64 : index
      %get3A_394 = tpu.vector_load %arg7[%get3A_390, %get3A_391, %get3A_392, %get3A_393] {strides = array<i32>} : memref<3x5x2x128xi32, #tpu.memory_space<vmem>>, vector<1x1x1x16xi32>,
      %get3A_395 = vector.shape_cast %get3A_394 : vector<1x1x1x16xi32> to vector<16xi32>
      %add3A_396 = vector.broadcast %mul3A_4 : i32 to vector<16xi32>
      %add3A_397 = arith.addi %get3A_395, %add3A_396 : vector<16xi32>
      %swap3A_398 = arith.constant 1 : i32
      %swap3A_399 = arith.constant 0 : i32
      %swap3A_400 = arith.index_cast %rem3A_134 : i32 to index
      %swap3A_401 = arith.index_cast %swap3A_398 : i32 to index
      %swap3A_402 = arith.index_cast %swap3A_399 : i32 to index
      %swap3A_403 = arith.constant 64 : index
      %swap3A_404 = tpu.vector_load %arg7[%swap3A_400, %swap3A_401, %swap3A_402, %swap3A_403] {strides = array<i32>} : memref<3x5x2x128xi32, #tpu.memory_space<vmem>>, vector<1x1x1x16xi32>,
      %swap3A_405 = vector.shape_cast %swap3A_404 : vector<1x1x1x16xi32> to vector<16xi32>
      %swap3A_406 = vector.shape_cast %add3A_397 : vector<16xi32> to vector<1x1x1x16xi32>
      tpu.vector_store %arg7[%swap3A_400, %swap3A_401, %swap3A_402, %swap3A_403], %swap3A_406 {strides = array<i32>} : memref<3x5x2x128xi32, #tpu.memory_space<vmem>>, vector<1x1x1x16xi32>,
      %get3A_407 = arith.constant 1 : i32
      %get3A_408 = arith.constant 0 : i32
      %get3A_409 = arith.index_cast %rem3A_134 : i32 to index
      %get3A_410 = arith.index_cast %get3A_407 : i32 to index
      %get3A_411 = arith.index_cast %get3A_408 : i32 to index
      %get3A_412 = arith.constant 80 : index
      %get3A_413 = tpu.vector_load %arg7[%get3A_409, %get3A_410, %get3A_411, %get3A_412] {strides = array<i32>} : memref<3x5x2x128xi32, #tpu.memory_space<vmem>>, vector<1x1x1x16xi32>,
      %get3A_414 = vector.shape_cast %get3A_413 : vector<1x1x1x16xi32> to vector<16xi32>
      %add3A_415 = vector.broadcast %mul3A_4 : i32 to vector<16xi32>
      %add3A_416 = arith.addi %get3A_414, %add3A_415 : vector<16xi32>
      %swap3A_417 = arith.constant 1 : i32
      %swap3A_418 = arith.constant 0 : i32
      %swap3A_419 = arith.index_cast %rem3A_134 : i32 to index
      %swap3A_420 = arith.index_cast %swap3A_417 : i32 to index
      %swap3A_421 = arith.index_cast %swap3A_418 : i32 to index
      %swap3A_422 = arith.constant 80 : index
      %swap3A_423 = tpu.vector_load %arg7[%swap3A_419, %swap3A_420, %swap3A_421, %swap3A_422] {strides = array<i32>} : memref<3x5x2x128xi32, #tpu.memory_space<vmem>>, vector<1x1x1x16xi32>,
      %swap3A_424 = vector.shape_cast %swap3A_423 : vector<1x1x1x16xi32> to vector<16xi32>
      %swap3A_425 = vector.shape_cast %add3A_416 : vector<16xi32> to vector<1x1x1x16xi32>
      tpu.vector_store %arg7[%swap3A_419, %swap3A_420, %swap3A_421, %swap3A_422], %swap3A_425 {strides = array<i32>} : memref<3x5x2x128xi32, #tpu.memory_space<vmem>>, vector<1x1x1x16xi32>,
      %get3A_426 = arith.constant 1 : i32
      %get3A_427 = arith.constant 0 : i32
      %get3A_428 = arith.index_cast %rem3A_134 : i32 to index
      %get3A_429 = arith.index_cast %get3A_426 : i32 to index
      %get3A_430 = arith.index_cast %get3A_427 : i32 to index
      %get3A_431 = arith.constant 96 : index
      %get3A_432 = tpu.vector_load %arg7[%get3A_428, %get3A_429, %get3A_430, %get3A_431] {strides = array<i32>} : memref<3x5x2x128xi32, #tpu.memory_space<vmem>>, vector<1x1x1x16xi32>,
      %get3A_433 = vector.shape_cast %get3A_432 : vector<1x1x1x16xi32> to vector<16xi32>
      %add3A_434 = vector.broadcast %mul3A_4 : i32 to vector<16xi32>
      %add3A_435 = arith.addi %get3A_433, %add3A_434 : vector<16xi32>
      %swap3A_436 = arith.constant 1 : i32
      %swap3A_437 = arith.constant 0 : i32
      %swap3A_438 = arith.index_cast %rem3A_134 : i32 to index
      %swap3A_439 = arith.index_cast %swap3A_436 : i32 to index
      %swap3A_440 = arith.index_cast %swap3A_437 : i32 to index
      %swap3A_441 = arith.constant 96 : index
      %swap3A_442 = tpu.vector_load %arg7[%swap3A_438, %swap3A_439, %swap3A_440, %swap3A_441] {strides = array<i32>} : memref<3x5x2x128xi32, #tpu.memory_space<vmem>>, vector<1x1x1x16xi32>,
      %swap3A_443 = vector.shape_cast %swap3A_442 : vector<1x1x1x16xi32> to vector<16xi32>
      %swap3A_444 = vector.shape_cast %add3A_435 : vector<16xi32> to vector<1x1x1x16xi32>
      tpu.vector_store %arg7[%swap3A_438, %swap3A_439, %swap3A_440, %swap3A_441], %swap3A_444 {strides = array<i32>} : memref<3x5x2x128xi32, #tpu.memory_space<vmem>>, vector<1x1x1x16xi32>,
      %get3A_445 = arith.constant 1 : i32
      %get3A_446 = arith.constant 0 : i32
      %get3A_447 = arith.index_cast %rem3A_134 : i32 to index
      %get3A_448 = arith.index_cast %get3A_445 : i32 to index
      %get3A_449 = arith.index_cast %get3A_446 : i32 to index
      %get3A_450 = arith.constant 112 : index
      %get3A_451 = tpu.vector_load %arg7[%get3A_447, %get3A_448, %get3A_449, %get3A_450] {strides = array<i32>} : memref<3x5x2x128xi32, #tpu.memory_space<vmem>>, vector<1x1x1x16xi32>,
      %get3A_452 = vector.shape_cast %get3A_451 : vector<1x1x1x16xi32> to vector<16xi32>
      %add3A_453 = vector.broadcast %mul3A_4 : i32 to vector<16xi32>
      %add3A_454 = arith.addi %get3A_452, %add3A_453 : vector<16xi32>
      %swap3A_455 = arith.constant 1 : i32
      %swap3A_456 = arith.constant 0 : i32
      %swap3A_457 = arith.index_cast %rem3A_134 : i32 to index
      %swap3A_458 = arith.index_cast %swap3A_455 : i32 to index
      %swap3A_459 = arith.index_cast %swap3A_456 : i32 to index
      %swap3A_460 = arith.constant 112 : index
      %swap3A_461 = tpu.vector_load %arg7[%swap3A_457, %swap3A_458, %swap3A_459, %swap3A_460] {strides = array<i32>} : memref<3x5x2x128xi32, #tpu.memory_space<vmem>>, vector<1x1x1x16xi32>,
      %swap3A_462 = vector.shape_cast %swap3A_461 : vector<1x1x1x16xi32> to vector<16xi32>
      %swap3A_463 = vector.shape_cast %add3A_454 : vector<16xi32> to vector<1x1x1x16xi32>
      tpu.vector_store %arg7[%swap3A_457, %swap3A_458, %swap3A_459, %swap3A_460], %swap3A_463 {strides = array<i32>} : memref<3x5x2x128xi32, #tpu.memory_space<vmem>>, vector<1x1x1x16xi32>,
      %get3A_464 = arith.constant 2 : i32
      %get3A_465 = arith.constant 0 : i32
      %get3A_466 = arith.index_cast %rem3A_134 : i32 to index
      %get3A_467 = arith.index_cast %get3A_464 : i32 to index
      %get3A_468 = arith.index_cast %get3A_465 : i32 to index
      %get3A_469 = arith.constant 0 : index
      %get3A_470 = tpu.vector_load %arg7[%get3A_466, %get3A_467, %get3A_468, %get3A_469] {strides = array<i32>} : memref<3x5x2x128xi32, #tpu.memory_space<vmem>>, vector<1x1x1x16xi32>,
      %get3A_471 = vector.shape_cast %get3A_470 : vector<1x1x1x16xi32> to vector<16xi32>
      %add3A_472 = vector.broadcast %mul3A_4 : i32 to vector<16xi32>
      %add3A_473 = arith.addi %get3A_471, %add3A_472 : vector<16xi32>
      %swap3A_474 = arith.constant 2 : i32
      %swap3A_475 = arith.constant 0 : i32
      %swap3A_476 = arith.index_cast %rem3A_134 : i32 to index
      %swap3A_477 = arith.index_cast %swap3A_474 : i32 to index
      %swap3A_478 = arith.index_cast %swap3A_475 : i32 to index
      %swap3A_479 = arith.constant 0 : index
      %swap3A_480 = tpu.vector_load %arg7[%swap3A_476, %swap3A_477, %swap3A_478, %swap3A_479] {strides = array<i32>} : memref<3x5x2x128xi32, #tpu.memory_space<vmem>>, vector<1x1x1x16xi32>,
      %swap3A_481 = vector.shape_cast %swap3A_480 : vector<1x1x1x16xi32> to vector<16xi32>
      %swap3A_482 = vector.shape_cast %add3A_473 : vector<16xi32> to vector<1x1x1x16xi32>
      tpu.vector_store %arg7[%swap3A_476, %swap3A_477, %swap3A_478, %swap3A_479], %swap3A_482 {strides = array<i32>} : memref<3x5x2x128xi32, #tpu.memory_space<vmem>>, vector<1x1x1x16xi32>,
      %get3A_483 = arith.constant 2 : i32
      %get3A_484 = arith.constant 0 : i32
      %get3A_485 = arith.index_cast %rem3A_134 : i32 to index
      %get3A_486 = arith.index_cast %get3A_483 : i32 to index
      %get3A_487 = arith.index_cast %get3A_484 : i32 to index
      %get3A_488 = arith.constant 16 : index
      %get3A_489 = tpu.vector_load %arg7[%get3A_485, %get3A_486, %get3A_487, %get3A_488] {strides = array<i32>} : memref<3x5x2x128xi32, #tpu.memory_space<vmem>>, vector<1x1x1x16xi32>,
      %get3A_490 = vector.shape_cast %get3A_489 : vector<1x1x1x16xi32> to vector<16xi32>
      %add3A_491 = vector.broadcast %mul3A_4 : i32 to vector<16xi32>
      %add3A_492 = arith.addi %get3A_490, %add3A_491 : vector<16xi32>
      %swap3A_493 = arith.constant 2 : i32
      %swap3A_494 = arith.constant 0 : i32
      %swap3A_495 = arith.index_cast %rem3A_134 : i32 to index
      %swap3A_496 = arith.index_cast %swap3A_493 : i32 to index
      %swap3A_497 = arith.index_cast %swap3A_494 : i32 to index
      %swap3A_498 = arith.constant 16 : index
      %swap3A_499 = tpu.vector_load %arg7[%swap3A_495, %swap3A_496, %swap3A_497, %swap3A_498] {strides = array<i32>} : memref<3x5x2x128xi32, #tpu.memory_space<vmem>>, vector<1x1x1x16xi32>,
      %swap3A_500 = vector.shape_cast %swap3A_499 : vector<1x1x1x16xi32> to vector<16xi32>
      %swap3A_501 = vector.shape_cast %add3A_492 : vector<16xi32> to vector<1x1x1x16xi32>
      tpu.vector_store %arg7[%swap3A_495, %swap3A_496, %swap3A_497, %swap3A_498], %swap3A_501 {strides = array<i32>} : memref<3x5x2x128xi32, #tpu.memory_space<vmem>>, vector<1x1x1x16xi32>,
      %get3A_502 = arith.constant 2 : i32
      %get3A_503 = arith.constant 0 : i32
      %get3A_504 = arith.index_cast %rem3A_134 : i32 to index
      %get3A_505 = arith.index_cast %get3A_502 : i32 to index
      %get3A_506 = arith.index_cast %get3A_503 : i32 to index
      %get3A_507 = arith.constant 32 : index
      %get3A_508 = tpu.vector_load %arg7[%get3A_504, %get3A_505, %get3A_506, %get3A_507] {strides = array<i32>} : memref<3x5x2x128xi32, #tpu.memory_space<vmem>>, vector<1x1x1x16xi32>,
      %get3A_509 = vector.shape_cast %get3A_508 : vector<1x1x1x16xi32> to vector<16xi32>
      %add3A_510 = vector.broadcast %mul3A_4 : i32 to vector<16xi32>
      %add3A_511 = arith.addi %get3A_509, %add3A_510 : vector<16xi32>
      %swap3A_512 = arith.constant 2 : i32
      %swap3A_513 = arith.constant 0 : i32
      %swap3A_514 = arith.index_cast %rem3A_134 : i32 to index
      %swap3A_515 = arith.index_cast %swap3A_512 : i32 to index
      %swap3A_516 = arith.index_cast %swap3A_513 : i32 to index
      %swap3A_517 = arith.constant 32 : index
      %swap3A_518 = tpu.vector_load %arg7[%swap3A_514, %swap3A_515, %swap3A_516, %swap3A_517] {strides = array<i32>} : memref<3x5x2x128xi32, #tpu.memory_space<vmem>>, vector<1x1x1x16xi32>,
      %swap3A_519 = vector.shape_cast %swap3A_518 : vector<1x1x1x16xi32> to vector<16xi32>
      %swap3A_520 = vector.shape_cast %add3A_511 : vector<16xi32> to vector<1x1x1x16xi32>
      tpu.vector_store %arg7[%swap3A_514, %swap3A_515, %swap3A_516, %swap3A_517], %swap3A_520 {strides = array<i32>} : memref<3x5x2x128xi32, #tpu.memory_space<vmem>>, vector<1x1x1x16xi32>,
      %get3A_521 = arith.constant 2 : i32
      %get3A_522 = arith.constant 0 : i32
      %get3A_523 = arith.index_cast %rem3A_134 : i32 to index
      %get3A_524 = arith.index_cast %get3A_521 : i32 to index
      %get3A_525 = arith.index_cast %get3A_522 : i32 to index
      %get3A_526 = arith.constant 48 : index
      %get3A_527 = tpu.vector_load %arg7[%get3A_523, %get3A_524, %get3A_525, %get3A_526] {strides = array<i32>} : memref<3x5x2x128xi32, #tpu.memory_space<vmem>>, vector<1x1x1x16xi32>,
      %get3A_528 = vector.shape_cast %get3A_527 : vector<1x1x1x16xi32> to vector<16xi32>
      %add3A_529 = vector.broadcast %mul3A_4 : i32 to vector<16xi32>
      %add3A_530 = arith.addi %get3A_528, %add3A_529 : vector<16xi32>
      %swap3A_531 = arith.constant 2 : i32
      %swap3A_532 = arith.constant 0 : i32
      %swap3A_533 = arith.index_cast %rem3A_134 : i32 to index
      %swap3A_534 = arith.index_cast %swap3A_531 : i32 to index
      %swap3A_535 = arith.index_cast %swap3A_532 : i32 to index
      %swap3A_536 = arith.constant 48 : index
      %swap3A_537 = tpu.vector_load %arg7[%swap3A_533, %swap3A_534, %swap3A_535, %swap3A_536] {strides = array<i32>} : memref<3x5x2x128xi32, #tpu.memory_space<vmem>>, vector<1x1x1x16xi32>,
      %swap3A_538 = vector.shape_cast %swap3A_537 : vector<1x1x1x16xi32> to vector<16xi32>
      %swap3A_539 = vector.shape_cast %add3A_530 : vector<16xi32> to vector<1x1x1x16xi32>
      tpu.vector_store %arg7[%swap3A_533, %swap3A_534, %swap3A_535, %swap3A_536], %swap3A_539 {strides = array<i32>} : memref<3x5x2x128xi32, #tpu.memory_space<vmem>>, vector<1x1x1x16xi32>,
      %get3A_540 = arith.constant 2 : i32
      %get3A_541 = arith.constant 0 : i32
      %get3A_542 = arith.index_cast %rem3A_134 : i32 to index
      %get3A_543 = arith.index_cast %get3A_540 : i32 to index
      %get3A_544 = arith.index_cast %get3A_541 : i32 to index
      %get3A_545 = arith.constant 64 : index
      %get3A_546 = tpu.vector_load %arg7[%get3A_542, %get3A_543, %get3A_544, %get3A_545] {strides = array<i32>} : memref<3x5x2x128xi32, #tpu.memory_space<vmem>>, vector<1x1x1x16xi32>,
      %get3A_547 = vector.shape_cast %get3A_546 : vector<1x1x1x16xi32> to vector<16xi32>
      %add3A_548 = vector.broadcast %mul3A_4 : i32 to vector<16xi32>
      %add3A_549 = arith.addi %get3A_547, %add3A_548 : vector<16xi32>
      %swap3A_550 = arith.constant 2 : i32
      %swap3A_551 = arith.constant 0 : i32
      %swap3A_552 = arith.index_cast %rem3A_134 : i32 to index
      %swap3A_553 = arith.index_cast %swap3A_550 : i32 to index
      %swap3A_554 = arith.index_cast %swap3A_551 : i32 to index
      %swap3A_555 = arith.constant 64 : index
      %swap3A_556 = tpu.vector_load %arg7[%swap3A_552, %swap3A_553, %swap3A_554, %swap3A_555] {strides = array<i32>} : memref<3x5x2x128xi32, #tpu.memory_space<vmem>>, vector<1x1x1x16xi32>,
      %swap3A_557 = vector.shape_cast %swap3A_556 : vector<1x1x1x16xi32> to vector<16xi32>
      %swap3A_558 = vector.shape_cast %add3A_549 : vector<16xi32> to vector<1x1x1x16xi32>
      tpu.vector_store %arg7[%swap3A_552, %swap3A_553, %swap3A_554, %swap3A_555], %swap3A_558 {strides = array<i32>} : memref<3x5x2x128xi32, #tpu.memory_space<vmem>>, vector<1x1x1x16xi32>,
      %get3A_559 = arith.constant 2 : i32
      %get3A_560 = arith.constant 0 : i32
      %get3A_561 = arith.index_cast %rem3A_134 : i32 to index
      %get3A_562 = arith.index_cast %get3A_559 : i32 to index
      %get3A_563 = arith.index_cast %get3A_560 : i32 to index
      %get3A_564 = arith.constant 80 : index
      %get3A_565 = tpu.vector_load %arg7[%get3A_561, %get3A_562, %get3A_563, %get3A_564] {strides = array<i32>} : memref<3x5x2x128xi32, #tpu.memory_space<vmem>>, vector<1x1x1x16xi32>,
      %get3A_566 = vector.shape_cast %get3A_565 : vector<1x1x1x16xi32> to vector<16xi32>
      %add3A_567 = vector.broadcast %mul3A_4 : i32 to vector<16xi32>
      %add3A_568 = arith.addi %get3A_566, %add3A_567 : vector<16xi32>
      %swap3A_569 = arith.constant 2 : i32
      %swap3A_570 = arith.constant 0 : i32
      %swap3A_571 = arith.index_cast %rem3A_134 : i32 to index
      %swap3A_572 = arith.index_cast %swap3A_569 : i32 to index
      %swap3A_573 = arith.index_cast %swap3A_570 : i32 to index
      %swap3A_574 = arith.constant 80 : index
      %swap3A_575 = tpu.vector_load %arg7[%swap3A_571, %swap3A_572, %swap3A_573, %swap3A_574] {strides = array<i32>} : memref<3x5x2x128xi32, #tpu.memory_space<vmem>>, vector<1x1x1x16xi32>,
      %swap3A_576 = vector.shape_cast %swap3A_575 : vector<1x1x1x16xi32> to vector<16xi32>
      %swap3A_577 = vector.shape_cast %add3A_568 : vector<16xi32> to vector<1x1x1x16xi32>
      tpu.vector_store %arg7[%swap3A_571, %swap3A_572, %swap3A_573, %swap3A_574], %swap3A_577 {strides = array<i32>} : memref<3x5x2x128xi32, #tpu.memory_space<vmem>>, vector<1x1x1x16xi32>,
      %get3A_578 = arith.constant 2 : i32
      %get3A_579 = arith.constant 0 : i32
      %get3A_580 = arith.index_cast %rem3A_134 : i32 to index
      %get3A_581 = arith.index_cast %get3A_578 : i32 to index
      %get3A_582 = arith.index_cast %get3A_579 : i32 to index
      %get3A_583 = arith.constant 96 : index
      %get3A_584 = tpu.vector_load %arg7[%get3A_580, %get3A_581, %get3A_582, %get3A_583] {strides = array<i32>} : memref<3x5x2x128xi32, #tpu.memory_space<vmem>>, vector<1x1x1x16xi32>,
      %get3A_585 = vector.shape_cast %get3A_584 : vector<1x1x1x16xi32> to vector<16xi32>
      %add3A_586 = vector.broadcast %mul3A_4 : i32 to vector<16xi32>
      %add3A_587 = arith.addi %get3A_585, %add3A_586 : vector<16xi32>
      %swap3A_588 = arith.constant 2 : i32
      %swap3A_589 = arith.constant 0 : i32
      %swap3A_590 = arith.index_cast %rem3A_134 : i32 to index
      %swap3A_591 = arith.index_cast %swap3A_588 : i32 to index
      %swap3A_592 = arith.index_cast %swap3A_589 : i32 to index
      %swap3A_593 = arith.constant 96 : index
      %swap3A_594 = tpu.vector_load %arg7[%swap3A_590, %swap3A_591, %swap3A_592, %swap3A_593] {strides = array<i32>} : memref<3x5x2x128xi32, #tpu.memory_space<vmem>>, vector<1x1x1x16xi32>,
      %swap3A_595 = vector.shape_cast %swap3A_594 : vector<1x1x1x16xi32> to vector<16xi32>
      %swap3A_596 = vector.shape_cast %add3A_587 : vector<16xi32> to vector<1x1x1x16xi32>
      tpu.vector_store %arg7[%swap3A_590, %swap3A_591, %swap3A_592, %swap3A_593], %swap3A_596 {strides = array<i32>} : memref<3x5x2x128xi32, #tpu.memory_space<vmem>>, vector<1x1x1x16xi32>,
      %get3A_597 = arith.constant 2 : i32
      %get3A_598 = arith.constant 0 : i32
      %get3A_599 = arith.index_cast %rem3A_134 : i32 to index
      %get3A_600 = arith.index_cast %get3A_597 : i32 to index
      %get3A_601 = arith.index_cast %get3A_598 : i32 to index
      %get3A_602 = arith.constant 112 : index
      %get3A_603 = tpu.vector_load %arg7[%get3A_599, %get3A_600, %get3A_601, %get3A_602] {strides = array<i32>} : memref<3x5x2x128xi32, #tpu.memory_space<vmem>>, vector<1x1x1x16xi32>,
      %get3A_604 = vector.shape_cast %get3A_603 : vector<1x1x1x16xi32> to vector<16xi32>
      %add3A_605 = vector.broadcast %mul3A_4 : i32 to vector<16xi32>
      %add3A_606 = arith.addi %get3A_604, %add3A_605 : vector<16xi32>
      %swap3A_607 = arith.constant 2 : i32
      %swap3A_608 = arith.constant 0 : i32
      %swap3A_609 = arith.index_cast %rem3A_134 : i32 to index
      %swap3A_610 = arith.index_cast %swap3A_607 : i32 to index
      %swap3A_611 = arith.index_cast %swap3A_608 : i32 to index
      %swap3A_612 = arith.constant 112 : index
      %swap3A_613 = tpu.vector_load %arg7[%swap3A_609, %swap3A_610, %swap3A_611, %swap3A_612] {strides = array<i32>} : memref<3x5x2x128xi32, #tpu.memory_space<vmem>>, vector<1x1x1x16xi32>,
      %swap3A_614 = vector.shape_cast %swap3A_613 : vector<1x1x1x16xi32> to vector<16xi32>
      %swap3A_615 = vector.shape_cast %add3A_606 : vector<16xi32> to vector<1x1x1x16xi32>
      tpu.vector_store %arg7[%swap3A_609, %swap3A_610, %swap3A_611, %swap3A_612], %swap3A_615 {strides = array<i32>} : memref<3x5x2x128xi32, #tpu.memory_space<vmem>>, vector<1x1x1x16xi32>,
      %get3A_616 = arith.constant 3 : i32
      %get3A_617 = arith.constant 0 : i32
      %get3A_618 = arith.index_cast %rem3A_134 : i32 to index
      %get3A_619 = arith.index_cast %get3A_616 : i32 to index
      %get3A_620 = arith.index_cast %get3A_617 : i32 to index
      %get3A_621 = arith.constant 0 : index
      %get3A_622 = tpu.vector_load %arg7[%get3A_618, %get3A_619, %get3A_620, %get3A_621] {strides = array<i32>} : memref<3x5x2x128xi32, #tpu.memory_space<vmem>>, vector<1x1x1x16xi32>,
      %get3A_623 = vector.shape_cast %get3A_622 : vector<1x1x1x16xi32> to vector<16xi32>
      %add3A_624 = vector.broadcast %mul3A_4 : i32 to vector<16xi32>
      %add3A_625 = arith.addi %get3A_623, %add3A_624 : vector<16xi32>
      %swap3A_626 = arith.constant 3 : i32
      %swap3A_627 = arith.constant 0 : i32
      %swap3A_628 = arith.index_cast %rem3A_134 : i32 to index
      %swap3A_629 = arith.index_cast %swap3A_626 : i32 to index
      %swap3A_630 = arith.index_cast %swap3A_627 : i32 to index
      %swap3A_631 = arith.constant 0 : index
      %swap3A_632 = tpu.vector_load %arg7[%swap3A_628, %swap3A_629, %swap3A_630, %swap3A_631] {strides = array<i32>} : memref<3x5x2x128xi32, #tpu.memory_space<vmem>>, vector<1x1x1x16xi32>,
      %swap3A_633 = vector.shape_cast %swap3A_632 : vector<1x1x1x16xi32> to vector<16xi32>
      %swap3A_634 = vector.shape_cast %add3A_625 : vector<16xi32> to vector<1x1x1x16xi32>
      tpu.vector_store %arg7[%swap3A_628, %swap3A_629, %swap3A_630, %swap3A_631], %swap3A_634 {strides = array<i32>} : memref<3x5x2x128xi32, #tpu.memory_space<vmem>>, vector<1x1x1x16xi32>,
      %get3A_635 = arith.constant 3 : i32
      %get3A_636 = arith.constant 0 : i32
      %get3A_637 = arith.index_cast %rem3A_134 : i32 to index
      %get3A_638 = arith.index_cast %get3A_635 : i32 to index
      %get3A_639 = arith.index_cast %get3A_636 : i32 to index
      %get3A_640 = arith.constant 16 : index
      %get3A_641 = tpu.vector_load %arg7[%get3A_637, %get3A_638, %get3A_639, %get3A_640] {strides = array<i32>} : memref<3x5x2x128xi32, #tpu.memory_space<vmem>>, vector<1x1x1x16xi32>,
      %get3A_642 = vector.shape_cast %get3A_641 : vector<1x1x1x16xi32> to vector<16xi32>
      %add3A_643 = vector.broadcast %mul3A_4 : i32 to vector<16xi32>
      %add3A_644 = arith.addi %get3A_642, %add3A_643 : vector<16xi32>
      %swap3A_645 = arith.constant 3 : i32
      %swap3A_646 = arith.constant 0 : i32
      %swap3A_647 = arith.index_cast %rem3A_134 : i32 to index
      %swap3A_648 = arith.index_cast %swap3A_645 : i32 to index
      %swap3A_649 = arith.index_cast %swap3A_646 : i32 to index
      %swap3A_650 = arith.constant 16 : index
      %swap3A_651 = tpu.vector_load %arg7[%swap3A_647, %swap3A_648, %swap3A_649, %swap3A_650] {strides = array<i32>} : memref<3x5x2x128xi32, #tpu.memory_space<vmem>>, vector<1x1x1x16xi32>,
      %swap3A_652 = vector.shape_cast %swap3A_651 : vector<1x1x1x16xi32> to vector<16xi32>
      %swap3A_653 = vector.shape_cast %add3A_644 : vector<16xi32> to vector<1x1x1x16xi32>
      tpu.vector_store %arg7[%swap3A_647, %swap3A_648, %swap3A_649, %swap3A_650], %swap3A_653 {strides = array<i32>} : memref<3x5x2x128xi32, #tpu.memory_space<vmem>>, vector<1x1x1x16xi32>,
      %get3A_654 = arith.constant 3 : i32
      %get3A_655 = arith.constant 0 : i32
      %get3A_656 = arith.index_cast %rem3A_134 : i32 to index
      %get3A_657 = arith.index_cast %get3A_654 : i32 to index
      %get3A_658 = arith.index_cast %get3A_655 : i32 to index
      %get3A_659 = arith.constant 32 : index
      %get3A_660 = tpu.vector_load %arg7[%get3A_656, %get3A_657, %get3A_658, %get3A_659] {strides = array<i32>} : memref<3x5x2x128xi32, #tpu.memory_space<vmem>>, vector<1x1x1x16xi32>,
      %get3A_661 = vector.shape_cast %get3A_660 : vector<1x1x1x16xi32> to vector<16xi32>
      %add3A_662 = vector.broadcast %mul3A_4 : i32 to vector<16xi32>
      %add3A_663 = arith.addi %get3A_661, %add3A_662 : vector<16xi32>
      %swap3A_664 = arith.constant 3 : i32
      %swap3A_665 = arith.constant 0 : i32
      %swap3A_666 = arith.index_cast %rem3A_134 : i32 to index
      %swap3A_667 = arith.index_cast %swap3A_664 : i32 to index
      %swap3A_668 = arith.index_cast %swap3A_665 : i32 to index
      %swap3A_669 = arith.constant 32 : index
      %swap3A_670 = tpu.vector_load %arg7[%swap3A_666, %swap3A_667, %swap3A_668, %swap3A_669] {strides = array<i32>} : memref<3x5x2x128xi32, #tpu.memory_space<vmem>>, vector<1x1x1x16xi32>,
      %swap3A_671 = vector.shape_cast %swap3A_670 : vector<1x1x1x16xi32> to vector<16xi32>
      %swap3A_672 = vector.shape_cast %add3A_663 : vector<16xi32> to vector<1x1x1x16xi32>
      tpu.vector_store %arg7[%swap3A_666, %swap3A_667, %swap3A_668, %swap3A_669], %swap3A_672 {strides = array<i32>} : memref<3x5x2x128xi32, #tpu.memory_space<vmem>>, vector<1x1x1x16xi32>,
      %get3A_673 = arith.constant 3 : i32
      %get3A_674 = arith.constant 0 : i32
      %get3A_675 = arith.index_cast %rem3A_134 : i32 to index
      %get3A_676 = arith.index_cast %get3A_673 : i32 to index
      %get3A_677 = arith.index_cast %get3A_674 : i32 to index
      %get3A_678 = arith.constant 48 : index
      %get3A_679 = tpu.vector_load %arg7[%get3A_675, %get3A_676, %get3A_677, %get3A_678] {strides = array<i32>} : memref<3x5x2x128xi32, #tpu.memory_space<vmem>>, vector<1x1x1x16xi32>,
      %get3A_680 = vector.shape_cast %get3A_679 : vector<1x1x1x16xi32> to vector<16xi32>
      %add3A_681 = vector.broadcast %mul3A_4 : i32 to vector<16xi32>
      %add3A_682 = arith.addi %get3A_680, %add3A_681 : vector<16xi32>
      %swap3A_683 = arith.constant 3 : i32
      %swap3A_684 = arith.constant 0 : i32
      %swap3A_685 = arith.index_cast %rem3A_134 : i32 to index
      %swap3A_686 = arith.index_cast %swap3A_683 : i32 to index
      %swap3A_687 = arith.index_cast %swap3A_684 : i32 to index
      %swap3A_688 = arith.constant 48 : index
      %swap3A_689 = tpu.vector_load %arg7[%swap3A_685, %swap3A_686, %swap3A_687, %swap3A_688] {strides = array<i32>} : memref<3x5x2x128xi32, #tpu.memory_space<vmem>>, vector<1x1x1x16xi32>,
      %swap3A_690 = vector.shape_cast %swap3A_689 : vector<1x1x1x16xi32> to vector<16xi32>
      %swap3A_691 = vector.shape_cast %add3A_682 : vector<16xi32> to vector<1x1x1x16xi32>
      tpu.vector_store %arg7[%swap3A_685, %swap3A_686, %swap3A_687, %swap3A_688], %swap3A_691 {strides = array<i32>} : memref<3x5x2x128xi32, #tpu.memory_space<vmem>>, vector<1x1x1x16xi32>,
      %get3A_692 = arith.constant 3 : i32
      %get3A_693 = arith.constant 0 : i32
      %get3A_694 = arith.index_cast %rem3A_134 : i32 to index
      %get3A_695 = arith.index_cast %get3A_692 : i32 to index
      %get3A_696 = arith.index_cast %get3A_693 : i32 to index
      %get3A_697 = arith.constant 64 : index
      %get3A_698 = tpu.vector_load %arg7[%get3A_694, %get3A_695, %get3A_696, %get3A_697] {strides = array<i32>} : memref<3x5x2x128xi32, #tpu.memory_space<vmem>>, vector<1x1x1x16xi32>,
      %get3A_699 = vector.shape_cast %get3A_698 : vector<1x1x1x16xi32> to vector<16xi32>
      %add3A_700 = vector.broadcast %mul3A_4 : i32 to vector<16xi32>
      %add3A_701 = arith.addi %get3A_699, %add3A_700 : vector<16xi32>
      %swap3A_702 = arith.constant 3 : i32
      %swap3A_703 = arith.constant 0 : i32
      %swap3A_704 = arith.index_cast %rem3A_134 : i32 to index
      %swap3A_705 = arith.index_cast %swap3A_702 : i32 to index
      %swap3A_706 = arith.index_cast %swap3A_703 : i32 to index
      %swap3A_707 = arith.constant 64 : index
      %swap3A_708 = tpu.vector_load %arg7[%swap3A_704, %swap3A_705, %swap3A_706, %swap3A_707] {strides = array<i32>} : memref<3x5x2x128xi32, #tpu.memory_space<vmem>>, vector<1x1x1x16xi32>,
      %swap3A_709 = vector.shape_cast %swap3A_708 : vector<1x1x1x16xi32> to vector<16xi32>
      %swap3A_710 = vector.shape_cast %add3A_701 : vector<16xi32> to vector<1x1x1x16xi32>
      tpu.vector_store %arg7[%swap3A_704, %swap3A_705, %swap3A_706, %swap3A_707], %swap3A_710 {strides = array<i32>} : memref<3x5x2x128xi32, #tpu.memory_space<vmem>>, vector<1x1x1x16xi32>,
      %get3A_711 = arith.constant 3 : i32
      %get3A_712 = arith.constant 0 : i32
      %get3A_713 = arith.index_cast %rem3A_134 : i32 to index
      %get3A_714 = arith.index_cast %get3A_711 : i32 to index
      %get3A_715 = arith.index_cast %get3A_712 : i32 to index
      %get3A_716 = arith.constant 80 : index
      %get3A_717 = tpu.vector_load %arg7[%get3A_713, %get3A_714, %get3A_715, %get3A_716] {strides = array<i32>} : memref<3x5x2x128xi32, #tpu.memory_space<vmem>>, vector<1x1x1x16xi32>,
      %get3A_718 = vector.shape_cast %get3A_717 : vector<1x1x1x16xi32> to vector<16xi32>
      %add3A_719 = vector.broadcast %mul3A_4 : i32 to vector<16xi32>
      %add3A_720 = arith.addi %get3A_718, %add3A_719 : vector<16xi32>
      %swap3A_721 = arith.constant 3 : i32
      %swap3A_722 = arith.constant 0 : i32
      %swap3A_723 = arith.index_cast %rem3A_134 : i32 to index
      %swap3A_724 = arith.index_cast %swap3A_721 : i32 to index
      %swap3A_725 = arith.index_cast %swap3A_722 : i32 to index
      %swap3A_726 = arith.constant 80 : index
      %swap3A_727 = tpu.vector_load %arg7[%swap3A_723, %swap3A_724, %swap3A_725, %swap3A_726] {strides = array<i32>} : memref<3x5x2x128xi32, #tpu.memory_space<vmem>>, vector<1x1x1x16xi32>,
      %swap3A_728 = vector.shape_cast %swap3A_727 : vector<1x1x1x16xi32> to vector<16xi32>
      %swap3A_729 = vector.shape_cast %add3A_720 : vector<16xi32> to vector<1x1x1x16xi32>
      tpu.vector_store %arg7[%swap3A_723, %swap3A_724, %swap3A_725, %swap3A_726], %swap3A_729 {strides = array<i32>} : memref<3x5x2x128xi32, #tpu.memory_space<vmem>>, vector<1x1x1x16xi32>,
      %get3A_730 = arith.constant 3 : i32
      %get3A_731 = arith.constant 0 : i32
      %get3A_732 = arith.index_cast %rem3A_134 : i32 to index
      %get3A_733 = arith.index_cast %get3A_730 : i32 to index
      %get3A_734 = arith.index_cast %get3A_731 : i32 to index
      %get3A_735 = arith.constant 96 : index
      %get3A_736 = tpu.vector_load %arg7[%get3A_732, %get3A_733, %get3A_734, %get3A_735] {strides = array<i32>} : memref<3x5x2x128xi32, #tpu.memory_space<vmem>>, vector<1x1x1x16xi32>,
      %get3A_737 = vector.shape_cast %get3A_736 : vector<1x1x1x16xi32> to vector<16xi32>
      %add3A_738 = vector.broadcast %mul3A_4 : i32 to vector<16xi32>
      %add3A_739 = arith.addi %get3A_737, %add3A_738 : vector<16xi32>
      %swap3A_740 = arith.constant 3 : i32
      %swap3A_741 = arith.constant 0 : i32
      %swap3A_742 = arith.index_cast %rem3A_134 : i32 to index
      %swap3A_743 = arith.index_cast %swap3A_740 : i32 to index
      %swap3A_744 = arith.index_cast %swap3A_741 : i32 to index
      %swap3A_745 = arith.constant 96 : index
      %swap3A_746 = tpu.vector_load %arg7[%swap3A_742, %swap3A_743, %swap3A_744, %swap3A_745] {strides = array<i32>} : memref<3x5x2x128xi32, #tpu.memory_space<vmem>>, vector<1x1x1x16xi32>,
      %swap3A_747 = vector.shape_cast %swap3A_746 : vector<1x1x1x16xi32> to vector<16xi32>
      %swap3A_748 = vector.shape_cast %add3A_739 : vector<16xi32> to vector<1x1x1x16xi32>
      tpu.vector_store %arg7[%swap3A_742, %swap3A_743, %swap3A_744, %swap3A_745], %swap3A_748 {strides = array<i32>} : memref<3x5x2x128xi32, #tpu.memory_space<vmem>>, vector<1x1x1x16xi32>,
      %get3A_749 = arith.constant 3 : i32
      %get3A_750 = arith.constant 0 : i32
      %get3A_751 = arith.index_cast %rem3A_134 : i32 to index
      %get3A_752 = arith.index_cast %get3A_749 : i32 to index
      %get3A_753 = arith.index_cast %get3A_750 : i32 to index
      %get3A_754 = arith.constant 112 : index
      %get3A_755 = tpu.vector_load %arg7[%get3A_751, %get3A_752, %get3A_753, %get3A_754] {strides = array<i32>} : memref<3x5x2x128xi32, #tpu.memory_space<vmem>>, vector<1x1x1x16xi32>,
      %get3A_756 = vector.shape_cast %get3A_755 : vector<1x1x1x16xi32> to vector<16xi32>
      %add3A_757 = vector.broadcast %mul3A_4 : i32 to vector<16xi32>
      %add3A_758 = arith.addi %get3A_756, %add3A_757 : vector<16xi32>
      %swap3A_759 = arith.constant 3 : i32
      %swap3A_760 = arith.constant 0 : i32
      %swap3A_761 = arith.index_cast %rem3A_134 : i32 to index
      %swap3A_762 = arith.index_cast %swap3A_759 : i32 to index
      %swap3A_763 = arith.index_cast %swap3A_760 : i32 to index
      %swap3A_764 = arith.constant 112 : index
      %swap3A_765 = tpu.vector_load %arg7[%swap3A_761, %swap3A_762, %swap3A_763, %swap3A_764] {strides = array<i32>} : memref<3x5x2x128xi32, #tpu.memory_space<vmem>>, vector<1x1x1x16xi32>,
      %swap3A_766 = vector.shape_cast %swap3A_765 : vector<1x1x1x16xi32> to vector<16xi32>
      %swap3A_767 = vector.shape_cast %add3A_758 : vector<16xi32> to vector<1x1x1x16xi32>
      tpu.vector_store %arg7[%swap3A_761, %swap3A_762, %swap3A_763, %swap3A_764], %swap3A_767 {strides = array<i32>} : memref<3x5x2x128xi32, #tpu.memory_space<vmem>>, vector<1x1x1x16xi32>,
      %get3A_768 = arith.constant 4 : i32
      %get3A_769 = arith.constant 0 : i32
      %get3A_770 = arith.index_cast %rem3A_134 : i32 to index
      %get3A_771 = arith.index_cast %get3A_768 : i32 to index
      %get3A_772 = arith.index_cast %get3A_769 : i32 to index
      %get3A_773 = arith.constant 0 : index
      %get3A_774 = tpu.vector_load %arg7[%get3A_770, %get3A_771, %get3A_772, %get3A_773] {strides = array<i32>} : memref<3x5x2x128xi32, #tpu.memory_space<vmem>>, vector<1x1x1x16xi32>,
      %get3A_775 = vector.shape_cast %get3A_774 : vector<1x1x1x16xi32> to vector<16xi32>
      %add3A_776 = vector.broadcast %mul3A_4 : i32 to vector<16xi32>
      %add3A_777 = arith.addi %get3A_775, %add3A_776 : vector<16xi32>
      %swap3A_778 = arith.constant 4 : i32
      %swap3A_779 = arith.constant 0 : i32
      %swap3A_780 = arith.index_cast %rem3A_134 : i32 to index
      %swap3A_781 = arith.index_cast %swap3A_778 : i32 to index
      %swap3A_782 = arith.index_cast %swap3A_779 : i32 to index
      %swap3A_783 = arith.constant 0 : index
      %swap3A_784 = tpu.vector_load %arg7[%swap3A_780, %swap3A_781, %swap3A_782, %swap3A_783] {strides = array<i32>} : memref<3x5x2x128xi32, #tpu.memory_space<vmem>>, vector<1x1x1x16xi32>,
      %swap3A_785 = vector.shape_cast %swap3A_784 : vector<1x1x1x16xi32> to vector<16xi32>
      %swap3A_786 = vector.shape_cast %add3A_777 : vector<16xi32> to vector<1x1x1x16xi32>
      tpu.vector_store %arg7[%swap3A_780, %swap3A_781, %swap3A_782, %swap3A_783], %swap3A_786 {strides = array<i32>} : memref<3x5x2x128xi32, #tpu.memory_space<vmem>>, vector<1x1x1x16xi32>,
      %get3A_787 = arith.constant 4 : i32
      %get3A_788 = arith.constant 0 : i32
      %get3A_789 = arith.index_cast %rem3A_134 : i32 to index
      %get3A_790 = arith.index_cast %get3A_787 : i32 to index
      %get3A_791 = arith.index_cast %get3A_788 : i32 to index
      %get3A_792 = arith.constant 16 : index
      %get3A_793 = tpu.vector_load %arg7[%get3A_789, %get3A_790, %get3A_791, %get3A_792] {strides = array<i32>} : memref<3x5x2x128xi32, #tpu.memory_space<vmem>>, vector<1x1x1x16xi32>,
      %get3A_794 = vector.shape_cast %get3A_793 : vector<1x1x1x16xi32> to vector<16xi32>
      %add3A_795 = vector.broadcast %mul3A_4 : i32 to vector<16xi32>
      %add3A_796 = arith.addi %get3A_794, %add3A_795 : vector<16xi32>
      %swap3A_797 = arith.constant 4 : i32
      %swap3A_798 = arith.constant 0 : i32
      %swap3A_799 = arith.index_cast %rem3A_134 : i32 to index
      %swap3A_800 = arith.index_cast %swap3A_797 : i32 to index
      %swap3A_801 = arith.index_cast %swap3A_798 : i32 to index
      %swap3A_802 = arith.constant 16 : index
      %swap3A_803 = tpu.vector_load %arg7[%swap3A_799, %swap3A_800, %swap3A_801, %swap3A_802] {strides = array<i32>} : memref<3x5x2x128xi32, #tpu.memory_space<vmem>>, vector<1x1x1x16xi32>,
      %swap3A_804 = vector.shape_cast %swap3A_803 : vector<1x1x1x16xi32> to vector<16xi32>
      %swap3A_805 = vector.shape_cast %add3A_796 : vector<16xi32> to vector<1x1x1x16xi32>
      tpu.vector_store %arg7[%swap3A_799, %swap3A_800, %swap3A_801, %swap3A_802], %swap3A_805 {strides = array<i32>} : memref<3x5x2x128xi32, #tpu.memory_space<vmem>>, vector<1x1x1x16xi32>,
      %get3A_806 = arith.constant 4 : i32
      %get3A_807 = arith.constant 0 : i32
      %get3A_808 = arith.index_cast %rem3A_134 : i32 to index
      %get3A_809 = arith.index_cast %get3A_806 : i32 to index
      %get3A_810 = arith.index_cast %get3A_807 : i32 to index
      %get3A_811 = arith.constant 32 : index
      %get3A_812 = tpu.vector_load %arg7[%get3A_808, %get3A_809, %get3A_810, %get3A_811] {strides = array<i32>} : memref<3x5x2x128xi32, #tpu.memory_space<vmem>>, vector<1x1x1x16xi32>,
      %get3A_813 = vector.shape_cast %get3A_812 : vector<1x1x1x16xi32> to vector<16xi32>
      %add3A_814 = vector.broadcast %mul3A_4 : i32 to vector<16xi32>
      %add3A_815 = arith.addi %get3A_813, %add3A_814 : vector<16xi32>
      %swap3A_816 = arith.constant 4 : i32
      %swap3A_817 = arith.constant 0 : i32
      %swap3A_818 = arith.index_cast %rem3A_134 : i32 to index
      %swap3A_819 = arith.index_cast %swap3A_816 : i32 to index
      %swap3A_820 = arith.index_cast %swap3A_817 : i32 to index
      %swap3A_821 = arith.constant 32 : index
      %swap3A_822 = tpu.vector_load %arg7[%swap3A_818, %swap3A_819, %swap3A_820, %swap3A_821] {strides = array<i32>} : memref<3x5x2x128xi32, #tpu.memory_space<vmem>>, vector<1x1x1x16xi32>,
      %swap3A_823 = vector.shape_cast %swap3A_822 : vector<1x1x1x16xi32> to vector<16xi32>
      %swap3A_824 = vector.shape_cast %add3A_815 : vector<16xi32> to vector<1x1x1x16xi32>
      tpu.vector_store %arg7[%swap3A_818, %swap3A_819, %swap3A_820, %swap3A_821], %swap3A_824 {strides = array<i32>} : memref<3x5x2x128xi32, #tpu.memory_space<vmem>>, vector<1x1x1x16xi32>,
      %get3A_825 = arith.constant 4 : i32
      %get3A_826 = arith.constant 0 : i32
      %get3A_827 = arith.index_cast %rem3A_134 : i32 to index
      %get3A_828 = arith.index_cast %get3A_825 : i32 to index
      %get3A_829 = arith.index_cast %get3A_826 : i32 to index
      %get3A_830 = arith.constant 48 : index
      %get3A_831 = tpu.vector_load %arg7[%get3A_827, %get3A_828, %get3A_829, %get3A_830] {strides = array<i32>} : memref<3x5x2x128xi32, #tpu.memory_space<vmem>>, vector<1x1x1x16xi32>,
      %get3A_832 = vector.shape_cast %get3A_831 : vector<1x1x1x16xi32> to vector<16xi32>
      %add3A_833 = vector.broadcast %mul3A_4 : i32 to vector<16xi32>
      %add3A_834 = arith.addi %get3A_832, %add3A_833 : vector<16xi32>
      %swap3A_835 = arith.constant 4 : i32
      %swap3A_836 = arith.constant 0 : i32
      %swap3A_837 = arith.index_cast %rem3A_134 : i32 to index
      %swap3A_838 = arith.index_cast %swap3A_835 : i32 to index
      %swap3A_839 = arith.index_cast %swap3A_836 : i32 to index
      %swap3A_840 = arith.constant 48 : index
      %swap3A_841 = tpu.vector_load %arg7[%swap3A_837, %swap3A_838, %swap3A_839, %swap3A_840] {strides = array<i32>} : memref<3x5x2x128xi32, #tpu.memory_space<vmem>>, vector<1x1x1x16xi32>,
      %swap3A_842 = vector.shape_cast %swap3A_841 : vector<1x1x1x16xi32> to vector<16xi32>
      %swap3A_843 = vector.shape_cast %add3A_834 : vector<16xi32> to vector<1x1x1x16xi32>
      tpu.vector_store %arg7[%swap3A_837, %swap3A_838, %swap3A_839, %swap3A_840], %swap3A_843 {strides = array<i32>} : memref<3x5x2x128xi32, #tpu.memory_space<vmem>>, vector<1x1x1x16xi32>,
      %get3A_844 = arith.constant 4 : i32
      %get3A_845 = arith.constant 0 : i32
      %get3A_846 = arith.index_cast %rem3A_134 : i32 to index
      %get3A_847 = arith.index_cast %get3A_844 : i32 to index
      %get3A_848 = arith.index_cast %get3A_845 : i32 to index
      %get3A_849 = arith.constant 64 : index
      %get3A_850 = tpu.vector_load %arg7[%get3A_846, %get3A_847, %get3A_848, %get3A_849] {strides = array<i32>} : memref<3x5x2x128xi32, #tpu.memory_space<vmem>>, vector<1x1x1x16xi32>,
      %get3A_851 = vector.shape_cast %get3A_850 : vector<1x1x1x16xi32> to vector<16xi32>
      %add3A_852 = vector.broadcast %mul3A_4 : i32 to vector<16xi32>
      %add3A_853 = arith.addi %get3A_851, %add3A_852 : vector<16xi32>
      %swap3A_854 = arith.constant 4 : i32
      %swap3A_855 = arith.constant 0 : i32
      %swap3A_856 = arith.index_cast %rem3A_134 : i32 to index
      %swap3A_857 = arith.index_cast %swap3A_854 : i32 to index
      %swap3A_858 = arith.index_cast %swap3A_855 : i32 to index
      %swap3A_859 = arith.constant 64 : index
      %swap3A_860 = tpu.vector_load %arg7[%swap3A_856, %swap3A_857, %swap3A_858, %swap3A_859] {strides = array<i32>} : memref<3x5x2x128xi32, #tpu.memory_space<vmem>>, vector<1x1x1x16xi32>,
      %swap3A_861 = vector.shape_cast %swap3A_860 : vector<1x1x1x16xi32> to vector<16xi32>
      %swap3A_862 = vector.shape_cast %add3A_853 : vector<16xi32> to vector<1x1x1x16xi32>
      tpu.vector_store %arg7[%swap3A_856, %swap3A_857, %swap3A_858, %swap3A_859], %swap3A_862 {strides = array<i32>} : memref<3x5x2x128xi32, #tpu.memory_space<vmem>>, vector<1x1x1x16xi32>,
      %get3A_863 = arith.constant 4 : i32
      %get3A_864 = arith.constant 0 : i32
      %get3A_865 = arith.index_cast %rem3A_134 : i32 to index
      %get3A_866 = arith.index_cast %get3A_863 : i32 to index
      %get3A_867 = arith.index_cast %get3A_864 : i32 to index
      %get3A_868 = arith.constant 80 : index
      %get3A_869 = tpu.vector_load %arg7[%get3A_865, %get3A_866, %get3A_867, %get3A_868] {strides = array<i32>} : memref<3x5x2x128xi32, #tpu.memory_space<vmem>>, vector<1x1x1x16xi32>,
      %get3A_870 = vector.shape_cast %get3A_869 : vector<1x1x1x16xi32> to vector<16xi32>
      %add3A_871 = vector.broadcast %mul3A_4 : i32 to vector<16xi32>
      %add3A_872 = arith.addi %get3A_870, %add3A_871 : vector<16xi32>
      %swap3A_873 = arith.constant 4 : i32
      %swap3A_874 = arith.constant 0 : i32
      %swap3A_875 = arith.index_cast %rem3A_134 : i32 to index
      %swap3A_876 = arith.index_cast %swap3A_873 : i32 to index
      %swap3A_877 = arith.index_cast %swap3A_874 : i32 to index
      %swap3A_878 = arith.constant 80 : index
      %swap3A_879 = tpu.vector_load %arg7[%swap3A_875, %swap3A_876, %swap3A_877, %swap3A_878] {strides = array<i32>} : memref<3x5x2x128xi32, #tpu.memory_space<vmem>>, vector<1x1x1x16xi32>,
      %swap3A_880 = vector.shape_cast %swap3A_879 : vector<1x1x1x16xi32> to vector<16xi32>
      %swap3A_881 = vector.shape_cast %add3A_872 : vector<16xi32> to vector<1x1x1x16xi32>
      tpu.vector_store %arg7[%swap3A_875, %swap3A_876, %swap3A_877, %swap3A_878], %swap3A_881 {strides = array<i32>} : memref<3x5x2x128xi32, #tpu.memory_space<vmem>>, vector<1x1x1x16xi32>,
      %get3A_882 = arith.constant 4 : i32
      %get3A_883 = arith.constant 0 : i32
      %get3A_884 = arith.index_cast %rem3A_134 : i32 to index
      %get3A_885 = arith.index_cast %get3A_882 : i32 to index
      %get3A_886 = arith.index_cast %get3A_883 : i32 to index
      %get3A_887 = arith.constant 96 : index
      %get3A_888 = tpu.vector_load %arg7[%get3A_884, %get3A_885, %get3A_886, %get3A_887] {strides = array<i32>} : memref<3x5x2x128xi32, #tpu.memory_space<vmem>>, vector<1x1x1x16xi32>,
      %get3A_889 = vector.shape_cast %get3A_888 : vector<1x1x1x16xi32> to vector<16xi32>
      %add3A_890 = vector.broadcast %mul3A_4 : i32 to vector<16xi32>
      %add3A_891 = arith.addi %get3A_889, %add3A_890 : vector<16xi32>
      %swap3A_892 = arith.constant 4 : i32
      %swap3A_893 = arith.constant 0 : i32
      %swap3A_894 = arith.index_cast %rem3A_134 : i32 to index
      %swap3A_895 = arith.index_cast %swap3A_892 : i32 to index
      %swap3A_896 = arith.index_cast %swap3A_893 : i32 to index
      %swap3A_897 = arith.constant 96 : index
      %swap3A_898 = tpu.vector_load %arg7[%swap3A_894, %swap3A_895, %swap3A_896, %swap3A_897] {strides = array<i32>} : memref<3x5x2x128xi32, #tpu.memory_space<vmem>>, vector<1x1x1x16xi32>,
      %swap3A_899 = vector.shape_cast %swap3A_898 : vector<1x1x1x16xi32> to vector<16xi32>
      %swap3A_900 = vector.shape_cast %add3A_891 : vector<16xi32> to vector<1x1x1x16xi32>
      tpu.vector_store %arg7[%swap3A_894, %swap3A_895, %swap3A_896, %swap3A_897], %swap3A_900 {strides = array<i32>} : memref<3x5x2x128xi32, #tpu.memory_space<vmem>>, vector<1x1x1x16xi32>,
      %get3A_901 = arith.constant 4 : i32
      %get3A_902 = arith.constant 0 : i32
      %get3A_903 = arith.index_cast %rem3A_134 : i32 to index
      %get3A_904 = arith.index_cast %get3A_901 : i32 to index
      %get3A_905 = arith.index_cast %get3A_902 : i32 to index
      %get3A_906 = arith.constant 112 : index
      %get3A_907 = tpu.vector_load %arg7[%get3A_903, %get3A_904, %get3A_905, %get3A_906] {strides = array<i32>} : memref<3x5x2x128xi32, #tpu.memory_space<vmem>>, vector<1x1x1x16xi32>,
      %get3A_908 = vector.shape_cast %get3A_907 : vector<1x1x1x16xi32> to vector<16xi32>
      %add3A_909 = vector.broadcast %mul3A_4 : i32 to vector<16xi32>
      %add3A_910 = arith.addi %get3A_908, %add3A_909 : vector<16xi32>
      %swap3A_911 = arith.constant 4 : i32
      %swap3A_912 = arith.constant 0 : i32
      %swap3A_913 = arith.index_cast %rem3A_134 : i32 to index
      %swap3A_914 = arith.index_cast %swap3A_911 : i32 to index
      %swap3A_915 = arith.index_cast %swap3A_912 : i32 to index
      %swap3A_916 = arith.constant 112 : index
      %swap3A_917 = tpu.vector_load %arg7[%swap3A_913, %swap3A_914, %swap3A_915, %swap3A_916] {strides = array<i32>} : memref<3x5x2x128xi32, #tpu.memory_space<vmem>>, vector<1x1x1x16xi32>,
      %swap3A_918 = vector.shape_cast %swap3A_917 : vector<1x1x1x16xi32> to vector<16xi32>
      %swap3A_919 = vector.shape_cast %add3A_910 : vector<16xi32> to vector<1x1x1x16xi32>
      tpu.vector_store %arg7[%swap3A_913, %swap3A_914, %swap3A_915, %swap3A_916], %swap3A_919 {strides = array<i32>} : memref<3x5x2x128xi32, #tpu.memory_space<vmem>>, vector<1x1x1x16xi32>,
      %ge3A_920 = arith.constant 2 : i32
      %ge3A_921 = arith.cmpi sge, %scan3A_131, %ge3A_920 : i32
      %convert_element_type3A_922 = arith.extui %ge3A_921 : i1 to i32
      %cond3A_923 = arith.constant 0 : i32
      %cond3A_924 = arith.cmpi ne, %convert_element_type3A_922, %cond3A_923 : i32
      scf.if %cond3A_924 {
        %dma_wait3A_997 = arith.constant 0 : i32
        %dma_wait3A_998 = arith.constant 0 : i32
        %dma_wait3A_999 = arith.constant 0 : i32
        %dma_wait3A_1000 = tpu.memref_slice %arg8[%dma_wait3A_997, %dma_wait3A_998, %dma_wait3A_999] : memref<2x640x16xf32, #tpu.memory_space<vmem>> -> memref<1x640x16xf32, #tpu.memory_space<vmem>>
        %dma_wait3A_1001 = tpu.memref_squeeze %dma_wait3A_1000 : memref<1x640x16xf32, #tpu.memory_space<vmem>> -> memref<640x16xf32, #tpu.memory_space<vmem>>
        %dma_wait3A_1002 = arith.constant 0 : i32
        %dma_wait3A_1003 = arith.constant 0 : i32
        %dma_wait3A_1004 = tpu.memref_slice %arg4[%dma_wait3A_1002, %dma_wait3A_1003] : memref<200704x16xf32, #tpu.memory_space<hbm>> -> memref<640x16xf32, #tpu.memory_space<hbm>>
        %dma_wait3A_1005 = arith.constant 0 : i32
        %dma_wait3A_1006 = arith.constant 0 : i32
        %dma_wait3A_1007 = tpu.memref_slice %arg8[%dma_wait3A_997, %dma_wait3A_1005, %dma_wait3A_1006] : memref<2x640x16xf32, #tpu.memory_space<vmem>> -> memref<1x640x16xf32, #tpu.memory_space<vmem>>
        %dma_wait3A_1008 = tpu.memref_squeeze %dma_wait3A_1007 : memref<1x640x16xf32, #tpu.memory_space<vmem>> -> memref<640x16xf32, #tpu.memory_space<vmem>>
        %dma_wait3A_1009 = arith.constant 0 : i32
        %dma_wait3A_1010 = arith.constant 0 : i32
        %dma_wait3A_1011 = tpu.memref_slice %arg4[%dma_wait3A_1009, %dma_wait3A_1010] : memref<200704x16xf32, #tpu.memory_space<hbm>> -> memref<640x16xf32, #tpu.memory_space<hbm>>
        tpu.wait_dma2 semaphore(%arg12 : memref<!tpu.dma_semaphore, #tpu.memory_space<semaphore_mem>>) src(%dma_wait3A_1011 : memref<640x16xf32, #tpu.memory_space<hbm>>) dst(%dma_wait3A_1008 : memref<640x16xf32, #tpu.memory_space<vmem>>)
      } else {
      }
      %add3A_925 = arith.constant 1 : i32
      %add3A_926 = arith.addi %scan3A_131, %add3A_925 : i32
      %lt3A_927 = arith.constant 160 : i32
      %lt3A_928 = arith.cmpi slt, %add3A_926, %lt3A_927 : i32
      %convert_element_type3A_929 = arith.extui %lt3A_928 : i1 to i32
      %cond3A_930 = arith.constant 0 : i32
      %cond3A_931 = arith.cmpi ne, %convert_element_type3A_929, %cond3A_930 : i32
      scf.if %cond3A_931 {
        %add3A_997 = arith.constant 1 : i32
        %add3A_998 = arith.addi %scan3A_131, %add3A_997 : i32
        %add3A_999 = arith.constant 1 : i32
        %add3A_1000 = arith.addi %scan3A_131, %add3A_999 : i32
        %rem3A_1001 = arith.constant 3 : i32
        %rem3A_1002 = arith.remsi %add3A_1000, %rem3A_1001 : i32
        %mul3A_1003 = arith.constant 5 : i32
        %mul3A_1004 = arith.muli %add3A_998, %mul3A_1003 : i32
        %add3A_1005 = arith.addi %mul3A_2, %mul3A_1004 : i32
        %lt3A_1006 = arith.constant 12500 : i32
        %lt3A_1007 = arith.cmpi slt, %add3A_1005, %lt3A_1006 : i32
        %convert_element_type3A_1008 = arith.extui %lt3A_1007 : i1 to i32
        %cond3A_1009 = arith.constant 0 : i32
        %cond3A_1010 = arith.cmpi ne, %convert_element_type3A_1008, %cond3A_1009 : i32
        scf.if %cond3A_1010 {
          %dma_start3A_1016 = arith.constant 0 : i32
          %dma_start3A_1017 = arith.constant 0 : i32
          %dma_start3A_1018 = arith.constant 0 : i32
          %dma_start3A_1019 = tpu.memref_slice %arg7[%rem3A_1002, %dma_start3A_1016, %dma_start3A_1017, %dma_start3A_1018] : memref<3x5x2x128xi32, #tpu.memory_space<vmem>> -> memref<1x5x2x128xi32, #tpu.memory_space<vmem>>
          %dma_start3A_1020 = tpu.memref_squeeze %dma_start3A_1019 : memref<1x5x2x128xi32, #tpu.memory_space<vmem>> -> memref<5x2x128xi32, #tpu.memory_space<vmem>>
          %dma_start3A_1021 = arith.constant 0 : i32
          %dma_start3A_1022 = arith.constant 0 : i32
          %dma_start3A_1023 = tpu.memref_slice %arg2[%add3A_1005, %dma_start3A_1021, %dma_start3A_1022] : memref<12500x2x128xi32, #tpu.memory_space<hbm>> -> memref<5x2x128xi32, #tpu.memory_space<hbm>>
          %dma_start3A_1024 = arith.constant 0 : i32
          %dma_start3A_1025 = arith.constant 0 : i32
          %dma_start3A_1026 = arith.constant 0 : i32
          %dma_start3A_1027 = tpu.memref_slice %arg7[%rem3A_1002, %dma_start3A_1024, %dma_start3A_1025, %dma_start3A_1026] : memref<3x5x2x128xi32, #tpu.memory_space<vmem>> -> memref<1x5x2x128xi32, #tpu.memory_space<vmem>>
          %dma_start3A_1028 = tpu.memref_squeeze %dma_start3A_1027 : memref<1x5x2x128xi32, #tpu.memory_space<vmem>> -> memref<5x2x128xi32, #tpu.memory_space<vmem>>
          %dma_start3A_1029 = arith.constant 0 : i32
          %dma_start3A_1030 = arith.constant 0 : i32
          %dma_start3A_1031 = tpu.memref_slice %arg2[%add3A_1005, %dma_start3A_1029, %dma_start3A_1030] : memref<12500x2x128xi32, #tpu.memory_space<hbm>> -> memref<5x2x128xi32, #tpu.memory_space<hbm>>
          tpu.enqueue_dma source(%dma_start3A_1031 : memref<5x2x128xi32, #tpu.memory_space<hbm>>) target(%dma_start3A_1028 : memref<5x2x128xi32, #tpu.memory_space<vmem>>) target_semaphore(%arg10 : memref<!tpu.dma_semaphore, #tpu.memory_space<semaphore_mem>>)
        } else {
        }
        %ge3A_1011 = arith.constant 12500 : i32
        %ge3A_1012 = arith.cmpi sge, %add3A_1005, %ge3A_1011 : i32
        %convert_element_type3A_1013 = arith.extui %ge3A_1012 : i1 to i32
        %cond3A_1014 = arith.constant 0 : i32
        %cond3A_1015 = arith.cmpi ne, %convert_element_type3A_1013, %cond3A_1014 : i32
        scf.if %cond3A_1015 {
          %sub3A = arith.constant 12500 : i32
          %sub3A_1016 = arith.subi %add3A_1005, %sub3A : i32
          %dma_start3A_1017 = arith.constant 0 : i32
          %dma_start3A_1018 = arith.constant 0 : i32
          %dma_start3A_1019 = arith.constant 0 : i32
          %dma_start3A_1020 = tpu.memref_slice %arg7[%rem3A_1002, %dma_start3A_1017, %dma_start3A_1018, %dma_start3A_1019] : memref<3x5x2x128xi32, #tpu.memory_space<vmem>> -> memref<1x5x2x128xi32, #tpu.memory_space<vmem>>
          %dma_start3A_1021 = tpu.memref_squeeze %dma_start3A_1020 : memref<1x5x2x128xi32, #tpu.memory_space<vmem>> -> memref<5x2x128xi32, #tpu.memory_space<vmem>>
          %dma_start3A_1022 = arith.constant 0 : i32
          %dma_start3A_1023 = arith.constant 0 : i32
          %dma_start3A_1024 = tpu.memref_slice %arg3[%sub3A_1016, %dma_start3A_1022, %dma_start3A_1023] : memref<300x2x128xi32, #tpu.memory_space<hbm>> -> memref<5x2x128xi32, #tpu.memory_space<hbm>>
          %dma_start3A_1025 = arith.constant 0 : i32
          %dma_start3A_1026 = arith.constant 0 : i32
          %dma_start3A_1027 = arith.constant 0 : i32
          %dma_start3A_1028 = tpu.memref_slice %arg7[%rem3A_1002, %dma_start3A_1025, %dma_start3A_1026, %dma_start3A_1027] : memref<3x5x2x128xi32, #tpu.memory_space<vmem>> -> memref<1x5x2x128xi32, #tpu.memory_space<vmem>>
          %dma_start3A_1029 = tpu.memref_squeeze %dma_start3A_1028 : memref<1x5x2x128xi32, #tpu.memory_space<vmem>> -> memref<5x2x128xi32, #tpu.memory_space<vmem>>
          %dma_start3A_1030 = arith.constant 0 : i32
          %dma_start3A_1031 = arith.constant 0 : i32
          %dma_start3A_1032 = tpu.memref_slice %arg3[%sub3A_1016, %dma_start3A_1030, %dma_start3A_1031] : memref<300x2x128xi32, #tpu.memory_space<hbm>> -> memref<5x2x128xi32, #tpu.memory_space<hbm>>
          tpu.enqueue_dma source(%dma_start3A_1032 : memref<5x2x128xi32, #tpu.memory_space<hbm>>) target(%dma_start3A_1029 : memref<5x2x128xi32, #tpu.memory_space<vmem>>) target_semaphore(%arg10 : memref<!tpu.dma_semaphore, #tpu.memory_space<semaphore_mem>>)
        } else {
        }
      } else {
      }
      %ge3A_932 = arith.constant 1 : i32
      %ge3A_933 = arith.cmpi sge, %scan3A_131, %ge3A_932 : i32
      %convert_element_type3A_934 = arith.extui %ge3A_933 : i1 to i32
      %cond3A_935 = arith.constant 0 : i32
      %cond3A_936 = arith.cmpi ne, %convert_element_type3A_934, %cond3A_935 : i32
      scf.if %cond3A_936 {
        %dma_wait3A_997 = arith.constant 0 : i32
        %dma_wait3A_998 = arith.constant 0 : i32
        %dma_wait3A_999 = arith.constant 0 : i32
        %dma_wait3A_1000 = tpu.memref_slice %arg8[%dma_wait3A_997, %dma_wait3A_998, %dma_wait3A_999] : memref<2x640x16xf32, #tpu.memory_space<vmem>> -> memref<1x640x16xf32, #tpu.memory_space<vmem>>
        %dma_wait3A_1001 = tpu.memref_squeeze %dma_wait3A_1000 : memref<1x640x16xf32, #tpu.memory_space<vmem>> -> memref<640x16xf32, #tpu.memory_space<vmem>>
        %dma_wait3A_1002 = arith.constant 0 : i32
        %dma_wait3A_1003 = arith.constant 0 : i32
        %dma_wait3A_1004 = tpu.memref_slice %arg4[%dma_wait3A_1002, %dma_wait3A_1003] : memref<200704x16xf32, #tpu.memory_space<hbm>> -> memref<640x16xf32, #tpu.memory_space<hbm>>
        %dma_wait3A_1005 = arith.constant 0 : i32
        %dma_wait3A_1006 = arith.constant 0 : i32
        %dma_wait3A_1007 = tpu.memref_slice %arg8[%dma_wait3A_997, %dma_wait3A_1005, %dma_wait3A_1006] : memref<2x640x16xf32, #tpu.memory_space<vmem>> -> memref<1x640x16xf32, #tpu.memory_space<vmem>>
        %dma_wait3A_1008 = tpu.memref_squeeze %dma_wait3A_1007 : memref<1x640x16xf32, #tpu.memory_space<vmem>> -> memref<640x16xf32, #tpu.memory_space<vmem>>
        %dma_wait3A_1009 = arith.constant 0 : i32
        %dma_wait3A_1010 = arith.constant 0 : i32
        %dma_wait3A_1011 = tpu.memref_slice %arg4[%dma_wait3A_1009, %dma_wait3A_1010] : memref<200704x16xf32, #tpu.memory_space<hbm>> -> memref<640x16xf32, #tpu.memory_space<hbm>>
        tpu.wait_dma2 semaphore(%arg11 : memref<!tpu.dma_semaphore, #tpu.memory_space<semaphore_mem>>) src(%dma_wait3A_1011 : memref<640x16xf32, #tpu.memory_space<hbm>>) dst(%dma_wait3A_1008 : memref<640x16xf32, #tpu.memory_space<vmem>>)
        %dma_start3A_1012 = arith.constant 0 : i32
        %dma_start3A_1013 = arith.constant 1 : i32
        %dma_start3A_1014 = arith.constant 0 : i32
        %dma_start3A_1015 = arith.constant 0 : i32
        %dma_start3A_1016 = tpu.memref_slice %arg8[%rem3A_138, %dma_start3A_1014, %dma_start3A_1015] : memref<2x640x16xf32, #tpu.memory_space<vmem>> -> memref<1x128x16xf32, #tpu.memory_space<vmem>>
        %dma_start3A_1017 = tpu.memref_squeeze %dma_start3A_1016 : memref<1x128x16xf32, #tpu.memory_space<vmem>> -> memref<128x16xf32, #tpu.memory_space<vmem>>
        %dma_start3A_1018 = arith.constant 0 : i32
        %dma_start3A_1019 = tpu.memref_slice %arg7[%rem3A_142, %dma_start3A_1012, %dma_start3A_1013, %dma_start3A_1018] : memref<3x5x2x128xi32, #tpu.memory_space<vmem>> -> memref<1x1x1x128xi32, #tpu.memory_space<vmem>>
        %dma_start3A_1020 = tpu.memref_squeeze %dma_start3A_1019 : memref<1x1x1x128xi32, #tpu.memory_space<vmem>> -> memref<128xi32, #tpu.memory_space<vmem>>
        %dma_start3A_1021 = arith.constant 0 : i32
        %dma_start3A_1022 = arith.constant 0 : i32
        %dma_start3A_1023 = tpu.memref_slice %arg9[%dma_start3A_1021, %dma_start3A_1022] : memref<100352x16xf32, #tpu.memory_space<vmem_shared>> -> memref<100352x16xf32, #tpu.memory_space<vmem_shared>>
        tpu.enqueue_indirect_dma source(%dma_start3A_1017 : memref<128x16xf32, #tpu.memory_space<vmem>>) target(%dma_start3A_1023 : memref<100352x16xf32, #tpu.memory_space<vmem_shared>>) offsets(%dma_start3A_1020 : memref<128xi32, #tpu.memory_space<vmem>>) semaphore(%arg12 : memref<!tpu.dma_semaphore, #tpu.memory_space<semaphore_mem>>) {add = true}
        %dma_start3A_1024 = arith.constant 1 : i32
        %dma_start3A_1025 = arith.constant 1 : i32
        %dma_start3A_1026 = arith.constant 128 : i32
        %dma_start3A_1027 = arith.constant 0 : i32
        %dma_start3A_1028 = tpu.memref_slice %arg8[%rem3A_138, %dma_start3A_1026, %dma_start3A_1027] : memref<2x640x16xf32, #tpu.memory_space<vmem>> -> memref<1x128x16xf32, #tpu.memory_space<vmem>>
        %dma_start3A_1029 = tpu.memref_squeeze %dma_start3A_1028 : memref<1x128x16xf32, #tpu.memory_space<vmem>> -> memref<128x16xf32, #tpu.memory_space<vmem>>
        %dma_start3A_1030 = arith.constant 0 : i32
        %dma_start3A_1031 = tpu.memref_slice %arg7[%rem3A_142, %dma_start3A_1024, %dma_start3A_1025, %dma_start3A_1030] : memref<3x5x2x128xi32, #tpu.memory_space<vmem>> -> memref<1x1x1x128xi32, #tpu.memory_space<vmem>>
        %dma_start3A_1032 = tpu.memref_squeeze %dma_start3A_1031 : memref<1x1x1x128xi32, #tpu.memory_space<vmem>> -> memref<128xi32, #tpu.memory_space<vmem>>
        %dma_start3A_1033 = arith.constant 0 : i32
        %dma_start3A_1034 = arith.constant 0 : i32
        %dma_start3A_1035 = tpu.memref_slice %arg9[%dma_start3A_1033, %dma_start3A_1034] : memref<100352x16xf32, #tpu.memory_space<vmem_shared>> -> memref<100352x16xf32, #tpu.memory_space<vmem_shared>>
        tpu.enqueue_indirect_dma source(%dma_start3A_1029 : memref<128x16xf32, #tpu.memory_space<vmem>>) target(%dma_start3A_1035 : memref<100352x16xf32, #tpu.memory_space<vmem_shared>>) offsets(%dma_start3A_1032 : memref<128xi32, #tpu.memory_space<vmem>>) semaphore(%arg12 : memref<!tpu.dma_semaphore, #tpu.memory_space<semaphore_mem>>) {add = true}
        %dma_start3A_1036 = arith.constant 2 : i32
        %dma_start3A_1037 = arith.constant 1 : i32
        %dma_start3A_1038 = arith.constant 256 : i32
        %dma_start3A_1039 = arith.constant 0 : i32
        %dma_start3A_1040 = tpu.memref_slice %arg8[%rem3A_138, %dma_start3A_1038, %dma_start3A_1039] : memref<2x640x16xf32, #tpu.memory_space<vmem>> -> memref<1x128x16xf32, #tpu.memory_space<vmem>>
        %dma_start3A_1041 = tpu.memref_squeeze %dma_start3A_1040 : memref<1x128x16xf32, #tpu.memory_space<vmem>> -> memref<128x16xf32, #tpu.memory_space<vmem>>
        %dma_start3A_1042 = arith.constant 0 : i32
        %dma_start3A_1043 = tpu.memref_slice %arg7[%rem3A_142, %dma_start3A_1036, %dma_start3A_1037, %dma_start3A_1042] : memref<3x5x2x128xi32, #tpu.memory_space<vmem>> -> memref<1x1x1x128xi32, #tpu.memory_space<vmem>>
        %dma_start3A_1044 = tpu.memref_squeeze %dma_start3A_1043 : memref<1x1x1x128xi32, #tpu.memory_space<vmem>> -> memref<128xi32, #tpu.memory_space<vmem>>
        %dma_start3A_1045 = arith.constant 0 : i32
        %dma_start3A_1046 = arith.constant 0 : i32
        %dma_start3A_1047 = tpu.memref_slice %arg9[%dma_start3A_1045, %dma_start3A_1046] : memref<100352x16xf32, #tpu.memory_space<vmem_shared>> -> memref<100352x16xf32, #tpu.memory_space<vmem_shared>>
        tpu.enqueue_indirect_dma source(%dma_start3A_1041 : memref<128x16xf32, #tpu.memory_space<vmem>>) target(%dma_start3A_1047 : memref<100352x16xf32, #tpu.memory_space<vmem_shared>>) offsets(%dma_start3A_1044 : memref<128xi32, #tpu.memory_space<vmem>>) semaphore(%arg12 : memref<!tpu.dma_semaphore, #tpu.memory_space<semaphore_mem>>) {add = true}
        %dma_start3A_1048 = arith.constant 3 : i32
        %dma_start3A_1049 = arith.constant 1 : i32
        %dma_start3A_1050 = arith.constant 384 : i32
        %dma_start3A_1051 = arith.constant 0 : i32
        %dma_start3A_1052 = tpu.memref_slice %arg8[%rem3A_138, %dma_start3A_1050, %dma_start3A_1051] : memref<2x640x16xf32, #tpu.memory_space<vmem>> -> memref<1x128x16xf32, #tpu.memory_space<vmem>>
        %dma_start3A_1053 = tpu.memref_squeeze %dma_start3A_1052 : memref<1x128x16xf32, #tpu.memory_space<vmem>> -> memref<128x16xf32, #tpu.memory_space<vmem>>
        %dma_start3A_1054 = arith.constant 0 : i32
        %dma_start3A_1055 = tpu.memref_slice %arg7[%rem3A_142, %dma_start3A_1048, %dma_start3A_1049, %dma_start3A_1054] : memref<3x5x2x128xi32, #tpu.memory_space<vmem>> -> memref<1x1x1x128xi32, #tpu.memory_space<vmem>>
        %dma_start3A_1056 = tpu.memref_squeeze %dma_start3A_1055 : memref<1x1x1x128xi32, #tpu.memory_space<vmem>> -> memref<128xi32, #tpu.memory_space<vmem>>
        %dma_start3A_1057 = arith.constant 0 : i32
        %dma_start3A_1058 = arith.constant 0 : i32
        %dma_start3A_1059 = tpu.memref_slice %arg9[%dma_start3A_1057, %dma_start3A_1058] : memref<100352x16xf32, #tpu.memory_space<vmem_shared>> -> memref<100352x16xf32, #tpu.memory_space<vmem_shared>>
        tpu.enqueue_indirect_dma source(%dma_start3A_1053 : memref<128x16xf32, #tpu.memory_space<vmem>>) target(%dma_start3A_1059 : memref<100352x16xf32, #tpu.memory_space<vmem_shared>>) offsets(%dma_start3A_1056 : memref<128xi32, #tpu.memory_space<vmem>>) semaphore(%arg12 : memref<!tpu.dma_semaphore, #tpu.memory_space<semaphore_mem>>) {add = true}
        %dma_start3A_1060 = arith.constant 4 : i32
        %dma_start3A_1061 = arith.constant 1 : i32
        %dma_start3A_1062 = arith.constant 512 : i32
        %dma_start3A_1063 = arith.constant 0 : i32
        %dma_start3A_1064 = tpu.memref_slice %arg8[%rem3A_138, %dma_start3A_1062, %dma_start3A_1063] : memref<2x640x16xf32, #tpu.memory_space<vmem>> -> memref<1x128x16xf32, #tpu.memory_space<vmem>>
        %dma_start3A_1065 = tpu.memref_squeeze %dma_start3A_1064 : memref<1x128x16xf32, #tpu.memory_space<vmem>> -> memref<128x16xf32, #tpu.memory_space<vmem>>
        %dma_start3A_1066 = arith.constant 0 : i32
        %dma_start3A_1067 = tpu.memref_slice %arg7[%rem3A_142, %dma_start3A_1060, %dma_start3A_1061, %dma_start3A_1066] : memref<3x5x2x128xi32, #tpu.memory_space<vmem>> -> memref<1x1x1x128xi32, #tpu.memory_space<vmem>>
        %dma_start3A_1068 = tpu.memref_squeeze %dma_start3A_1067 : memref<1x1x1x128xi32, #tpu.memory_space<vmem>> -> memref<128xi32, #tpu.memory_space<vmem>>
        %dma_start3A_1069 = arith.constant 0 : i32
        %dma_start3A_1070 = arith.constant 0 : i32
        %dma_start3A_1071 = tpu.memref_slice %arg9[%dma_start3A_1069, %dma_start3A_1070] : memref<100352x16xf32, #tpu.memory_space<vmem_shared>> -> memref<100352x16xf32, #tpu.memory_space<vmem_shared>>
        tpu.enqueue_indirect_dma source(%dma_start3A_1065 : memref<128x16xf32, #tpu.memory_space<vmem>>) target(%dma_start3A_1071 : memref<100352x16xf32, #tpu.memory_space<vmem_shared>>) offsets(%dma_start3A_1068 : memref<128xi32, #tpu.memory_space<vmem>>) semaphore(%arg12 : memref<!tpu.dma_semaphore, #tpu.memory_space<semaphore_mem>>) {add = true}
      } else {
      }
      %dma_start3A_937 = arith.constant 0 : i32
      %dma_start3A_938 = arith.constant 0 : i32
      %dma_start3A_939 = arith.constant 0 : i32
      %dma_start3A_940 = arith.constant 0 : i32
      %dma_start3A_941 = tpu.memref_slice %arg8[%rem3A_132, %dma_start3A_939, %dma_start3A_940] : memref<2x640x16xf32, #tpu.memory_space<vmem>> -> memref<1x128x16xf32, #tpu.memory_space<vmem>>
      %dma_start3A_942 = tpu.memref_squeeze %dma_start3A_941 : memref<1x128x16xf32, #tpu.memory_space<vmem>> -> memref<128x16xf32, #tpu.memory_space<vmem>>
      %dma_start3A_943 = arith.constant 0 : i32
      %dma_start3A_944 = tpu.memref_slice %arg7[%rem3A_134, %dma_start3A_937, %dma_start3A_938, %dma_start3A_943] : memref<3x5x2x128xi32, #tpu.memory_space<vmem>> -> memref<1x1x1x128xi32, #tpu.memory_space<vmem>>
      %dma_start3A_945 = tpu.memref_squeeze %dma_start3A_944 : memref<1x1x1x128xi32, #tpu.memory_space<vmem>> -> memref<128xi32, #tpu.memory_space<vmem>>
      %dma_start3A_946 = arith.constant 0 : i32
      %dma_start3A_947 = arith.constant 0 : i32
      %dma_start3A_948 = tpu.memref_slice %arg4[%dma_start3A_946, %dma_start3A_947] : memref<200704x16xf32, #tpu.memory_space<hbm>> -> memref<200704x16xf32, #tpu.memory_space<hbm>>
      tpu.enqueue_indirect_dma source(%dma_start3A_948 : memref<200704x16xf32, #tpu.memory_space<hbm>>) target(%dma_start3A_942 : memref<128x16xf32, #tpu.memory_space<vmem>>) offsets(%dma_start3A_945 : memref<128xi32, #tpu.memory_space<vmem>>) semaphore(%arg11 : memref<!tpu.dma_semaphore, #tpu.memory_space<semaphore_mem>>)
      %dma_start3A_949 = arith.constant 1 : i32
      %dma_start3A_950 = arith.constant 0 : i32
      %dma_start3A_951 = arith.constant 128 : i32
      %dma_start3A_952 = arith.constant 0 : i32
      %dma_start3A_953 = tpu.memref_slice %arg8[%rem3A_132, %dma_start3A_951, %dma_start3A_952] : memref<2x640x16xf32, #tpu.memory_space<vmem>> -> memref<1x128x16xf32, #tpu.memory_space<vmem>>
      %dma_start3A_954 = tpu.memref_squeeze %dma_start3A_953 : memref<1x128x16xf32, #tpu.memory_space<vmem>> -> memref<128x16xf32, #tpu.memory_space<vmem>>
      %dma_start3A_955 = arith.constant 0 : i32
      %dma_start3A_956 = tpu.memref_slice %arg7[%rem3A_134, %dma_start3A_949, %dma_start3A_950, %dma_start3A_955] : memref<3x5x2x128xi32, #tpu.memory_space<vmem>> -> memref<1x1x1x128xi32, #tpu.memory_space<vmem>>
      %dma_start3A_957 = tpu.memref_squeeze %dma_start3A_956 : memref<1x1x1x128xi32, #tpu.memory_space<vmem>> -> memref<128xi32, #tpu.memory_space<vmem>>
      %dma_start3A_958 = arith.constant 0 : i32
      %dma_start3A_959 = arith.constant 0 : i32
      %dma_start3A_960 = tpu.memref_slice %arg4[%dma_start3A_958, %dma_start3A_959] : memref<200704x16xf32, #tpu.memory_space<hbm>> -> memref<200704x16xf32, #tpu.memory_space<hbm>>
      tpu.enqueue_indirect_dma source(%dma_start3A_960 : memref<200704x16xf32, #tpu.memory_space<hbm>>) target(%dma_start3A_954 : memref<128x16xf32, #tpu.memory_space<vmem>>) offsets(%dma_start3A_957 : memref<128xi32, #tpu.memory_space<vmem>>) semaphore(%arg11 : memref<!tpu.dma_semaphore, #tpu.memory_space<semaphore_mem>>)
      %dma_start3A_961 = arith.constant 2 : i32
      %dma_start3A_962 = arith.constant 0 : i32
      %dma_start3A_963 = arith.constant 256 : i32
      %dma_start3A_964 = arith.constant 0 : i32
      %dma_start3A_965 = tpu.memref_slice %arg8[%rem3A_132, %dma_start3A_963, %dma_start3A_964] : memref<2x640x16xf32, #tpu.memory_space<vmem>> -> memref<1x128x16xf32, #tpu.memory_space<vmem>>
      %dma_start3A_966 = tpu.memref_squeeze %dma_start3A_965 : memref<1x128x16xf32, #tpu.memory_space<vmem>> -> memref<128x16xf32, #tpu.memory_space<vmem>>
      %dma_start3A_967 = arith.constant 0 : i32
      %dma_start3A_968 = tpu.memref_slice %arg7[%rem3A_134, %dma_start3A_961, %dma_start3A_962, %dma_start3A_967] : memref<3x5x2x128xi32, #tpu.memory_space<vmem>> -> memref<1x1x1x128xi32, #tpu.memory_space<vmem>>
      %dma_start3A_969 = tpu.memref_squeeze %dma_start3A_968 : memref<1x1x1x128xi32, #tpu.memory_space<vmem>> -> memref<128xi32, #tpu.memory_space<vmem>>
      %dma_start3A_970 = arith.constant 0 : i32
      %dma_start3A_971 = arith.constant 0 : i32
      %dma_start3A_972 = tpu.memref_slice %arg4[%dma_start3A_970, %dma_start3A_971] : memref<200704x16xf32, #tpu.memory_space<hbm>> -> memref<200704x16xf32, #tpu.memory_space<hbm>>
      tpu.enqueue_indirect_dma source(%dma_start3A_972 : memref<200704x16xf32, #tpu.memory_space<hbm>>) target(%dma_start3A_966 : memref<128x16xf32, #tpu.memory_space<vmem>>) offsets(%dma_start3A_969 : memref<128xi32, #tpu.memory_space<vmem>>) semaphore(%arg11 : memref<!tpu.dma_semaphore, #tpu.memory_space<semaphore_mem>>)
      %dma_start3A_973 = arith.constant 3 : i32
      %dma_start3A_974 = arith.constant 0 : i32
      %dma_start3A_975 = arith.constant 384 : i32
      %dma_start3A_976 = arith.constant 0 : i32
      %dma_start3A_977 = tpu.memref_slice %arg8[%rem3A_132, %dma_start3A_975, %dma_start3A_976] : memref<2x640x16xf32, #tpu.memory_space<vmem>> -> memref<1x128x16xf32, #tpu.memory_space<vmem>>
      %dma_start3A_978 = tpu.memref_squeeze %dma_start3A_977 : memref<1x128x16xf32, #tpu.memory_space<vmem>> -> memref<128x16xf32, #tpu.memory_space<vmem>>
      %dma_start3A_979 = arith.constant 0 : i32
      %dma_start3A_980 = tpu.memref_slice %arg7[%rem3A_134, %dma_start3A_973, %dma_start3A_974, %dma_start3A_979] : memref<3x5x2x128xi32, #tpu.memory_space<vmem>> -> memref<1x1x1x128xi32, #tpu.memory_space<vmem>>
      %dma_start3A_981 = tpu.memref_squeeze %dma_start3A_980 : memref<1x1x1x128xi32, #tpu.memory_space<vmem>> -> memref<128xi32, #tpu.memory_space<vmem>>
      %dma_start3A_982 = arith.constant 0 : i32
      %dma_start3A_983 = arith.constant 0 : i32
      %dma_start3A_984 = tpu.memref_slice %arg4[%dma_start3A_982, %dma_start3A_983] : memref<200704x16xf32, #tpu.memory_space<hbm>> -> memref<200704x16xf32, #tpu.memory_space<hbm>>
      tpu.enqueue_indirect_dma source(%dma_start3A_984 : memref<200704x16xf32, #tpu.memory_space<hbm>>) target(%dma_start3A_978 : memref<128x16xf32, #tpu.memory_space<vmem>>) offsets(%dma_start3A_981 : memref<128xi32, #tpu.memory_space<vmem>>) semaphore(%arg11 : memref<!tpu.dma_semaphore, #tpu.memory_space<semaphore_mem>>)
      %dma_start3A_985 = arith.constant 4 : i32
      %dma_start3A_986 = arith.constant 0 : i32
      %dma_start3A_987 = arith.constant 512 : i32
      %dma_start3A_988 = arith.constant 0 : i32
      %dma_start3A_989 = tpu.memref_slice %arg8[%rem3A_132, %dma_start3A_987, %dma_start3A_988] : memref<2x640x16xf32, #tpu.memory_space<vmem>> -> memref<1x128x16xf32, #tpu.memory_space<vmem>>
      %dma_start3A_990 = tpu.memref_squeeze %dma_start3A_989 : memref<1x128x16xf32, #tpu.memory_space<vmem>> -> memref<128x16xf32, #tpu.memory_space<vmem>>
      %dma_start3A_991 = arith.constant 0 : i32
      %dma_start3A_992 = tpu.memref_slice %arg7[%rem3A_134, %dma_start3A_985, %dma_start3A_986, %dma_start3A_991] : memref<3x5x2x128xi32, #tpu.memory_space<vmem>> -> memref<1x1x1x128xi32, #tpu.memory_space<vmem>>
      %dma_start3A_993 = tpu.memref_squeeze %dma_start3A_992 : memref<1x1x1x128xi32, #tpu.memory_space<vmem>> -> memref<128xi32, #tpu.memory_space<vmem>>
      %dma_start3A_994 = arith.constant 0 : i32
      %dma_start3A_995 = arith.constant 0 : i32
      %dma_start3A_996 = tpu.memref_slice %arg4[%dma_start3A_994, %dma_start3A_995] : memref<200704x16xf32, #tpu.memory_space<hbm>> -> memref<200704x16xf32, #tpu.memory_space<hbm>>
      tpu.enqueue_indirect_dma source(%dma_start3A_996 : memref<200704x16xf32, #tpu.memory_space<hbm>>) target(%dma_start3A_990 : memref<128x16xf32, #tpu.memory_space<vmem>>) offsets(%dma_start3A_993 : memref<128xi32, #tpu.memory_space<vmem>>) semaphore(%arg11 : memref<!tpu.dma_semaphore, #tpu.memory_space<semaphore_mem>>)
    }
    %scan3A_16 = arith.constant 160 : i32
    %dma_wait3A = arith.constant 0 : i32
    %dma_wait3A_17 = arith.constant 0 : i32
    %dma_wait3A_18 = arith.constant 0 : i32
    %dma_wait3A_19 = tpu.memref_slice %arg8[%dma_wait3A, %dma_wait3A_17, %dma_wait3A_18] : memref<2x640x16xf32, #tpu.memory_space<vmem>> -> memref<1x640x16xf32, #tpu.memory_space<vmem>>
    %dma_wait3A_20 = tpu.memref_squeeze %dma_wait3A_19 : memref<1x640x16xf32, #tpu.memory_space<vmem>> -> memref<640x16xf32, #tpu.memory_space<vmem>>
    %dma_wait3A_21 = arith.constant 0 : i32
    %dma_wait3A_22 = arith.constant 0 : i32
    %dma_wait3A_23 = tpu.memref_slice %arg4[%dma_wait3A_21, %dma_wait3A_22] : memref<200704x16xf32, #tpu.memory_space<hbm>> -> memref<640x16xf32, #tpu.memory_space<hbm>>
    %dma_wait3A_24 = arith.constant 0 : i32
    %dma_wait3A_25 = arith.constant 0 : i32
    %dma_wait3A_26 = tpu.memref_slice %arg8[%dma_wait3A, %dma_wait3A_24, %dma_wait3A_25] : memref<2x640x16xf32, #tpu.memory_space<vmem>> -> memref<1x640x16xf32, #tpu.memory_space<vmem>>
    %dma_wait3A_27 = tpu.memref_squeeze %dma_wait3A_26 : memref<1x640x16xf32, #tpu.memory_space<vmem>> -> memref<640x16xf32, #tpu.memory_space<vmem>>
    %dma_wait3A_28 = arith.constant 0 : i32
    %dma_wait3A_29 = arith.constant 0 : i32
    %dma_wait3A_30 = tpu.memref_slice %arg4[%dma_wait3A_28, %dma_wait3A_29] : memref<200704x16xf32, #tpu.memory_space<hbm>> -> memref<640x16xf32, #tpu.memory_space<hbm>>
    tpu.wait_dma2 semaphore(%arg12 : memref<!tpu.dma_semaphore, #tpu.memory_space<semaphore_mem>>) src(%dma_wait3A_30 : memref<640x16xf32, #tpu.memory_space<hbm>>) dst(%dma_wait3A_27 : memref<640x16xf32, #tpu.memory_space<vmem>>)
    %dma_wait3A_31 = arith.constant 0 : i32
    %dma_wait3A_32 = arith.constant 0 : i32
    %dma_wait3A_33 = arith.constant 0 : i32
    %dma_wait3A_34 = tpu.memref_slice %arg8[%dma_wait3A_31, %dma_wait3A_32, %dma_wait3A_33] : memref<2x640x16xf32, #tpu.memory_space<vmem>> -> memref<1x640x16xf32, #tpu.memory_space<vmem>>
    %dma_wait3A_35 = tpu.memref_squeeze %dma_wait3A_34 : memref<1x640x16xf32, #tpu.memory_space<vmem>> -> memref<640x16xf32, #tpu.memory_space<vmem>>
    %dma_wait3A_36 = arith.constant 0 : i32
    %dma_wait3A_37 = arith.constant 0 : i32
    %dma_wait3A_38 = tpu.memref_slice %arg4[%dma_wait3A_36, %dma_wait3A_37] : memref<200704x16xf32, #tpu.memory_space<hbm>> -> memref<640x16xf32, #tpu.memory_space<hbm>>
    %dma_wait3A_39 = arith.constant 0 : i32
    %dma_wait3A_40 = arith.constant 0 : i32
    %dma_wait3A_41 = tpu.memref_slice %arg8[%dma_wait3A_31, %dma_wait3A_39, %dma_wait3A_40] : memref<2x640x16xf32, #tpu.memory_space<vmem>> -> memref<1x640x16xf32, #tpu.memory_space<vmem>>
    %dma_wait3A_42 = tpu.memref_squeeze %dma_wait3A_41 : memref<1x640x16xf32, #tpu.memory_space<vmem>> -> memref<640x16xf32, #tpu.memory_space<vmem>>
    %dma_wait3A_43 = arith.constant 0 : i32
    %dma_wait3A_44 = arith.constant 0 : i32
    %dma_wait3A_45 = tpu.memref_slice %arg4[%dma_wait3A_43, %dma_wait3A_44] : memref<200704x16xf32, #tpu.memory_space<hbm>> -> memref<640x16xf32, #tpu.memory_space<hbm>>
    tpu.wait_dma2 semaphore(%arg11 : memref<!tpu.dma_semaphore, #tpu.memory_space<semaphore_mem>>) src(%dma_wait3A_45 : memref<640x16xf32, #tpu.memory_space<hbm>>) dst(%dma_wait3A_42 : memref<640x16xf32, #tpu.memory_space<vmem>>)
    %dma_start3A = arith.constant 1 : i32
    %dma_start3A_46 = arith.constant 0 : i32
    %dma_start3A_47 = arith.constant 0 : i32
    %dma_start3A_48 = arith.constant 1 : i32
    %dma_start3A_49 = arith.constant 0 : i32
    %dma_start3A_50 = arith.constant 0 : i32
    %dma_start3A_51 = tpu.memref_slice %arg8[%dma_start3A, %dma_start3A_49, %dma_start3A_50] : memref<2x640x16xf32, #tpu.memory_space<vmem>> -> memref<1x128x16xf32, #tpu.memory_space<vmem>>
    %dma_start3A_52 = tpu.memref_squeeze %dma_start3A_51 : memref<1x128x16xf32, #tpu.memory_space<vmem>> -> memref<128x16xf32, #tpu.memory_space<vmem>>
    %dma_start3A_53 = arith.constant 0 : i32
    %dma_start3A_54 = tpu.memref_slice %arg7[%dma_start3A_46, %dma_start3A_47, %dma_start3A_48, %dma_start3A_53] : memref<3x5x2x128xi32, #tpu.memory_space<vmem>> -> memref<1x1x1x128xi32, #tpu.memory_space<vmem>>
    %dma_start3A_55 = tpu.memref_squeeze %dma_start3A_54 : memref<1x1x1x128xi32, #tpu.memory_space<vmem>> -> memref<128xi32, #tpu.memory_space<vmem>>
    %dma_start3A_56 = arith.constant 0 : i32
    %dma_start3A_57 = arith.constant 0 : i32
    %dma_start3A_58 = tpu.memref_slice %arg9[%dma_start3A_56, %dma_start3A_57] : memref<100352x16xf32, #tpu.memory_space<vmem_shared>> -> memref<100352x16xf32, #tpu.memory_space<vmem_shared>>
    tpu.enqueue_indirect_dma source(%dma_start3A_52 : memref<128x16xf32, #tpu.memory_space<vmem>>) target(%dma_start3A_58 : memref<100352x16xf32, #tpu.memory_space<vmem_shared>>) offsets(%dma_start3A_55 : memref<128xi32, #tpu.memory_space<vmem>>) semaphore(%arg12 : memref<!tpu.dma_semaphore, #tpu.memory_space<semaphore_mem>>) {add = true}
    %dma_start3A_59 = arith.constant 1 : i32
    %dma_start3A_60 = arith.constant 0 : i32
    %dma_start3A_61 = arith.constant 1 : i32
    %dma_start3A_62 = arith.constant 1 : i32
    %dma_start3A_63 = arith.constant 128 : i32
    %dma_start3A_64 = arith.constant 0 : i32
    %dma_start3A_65 = tpu.memref_slice %arg8[%dma_start3A_59, %dma_start3A_63, %dma_start3A_64] : memref<2x640x16xf32, #tpu.memory_space<vmem>> -> memref<1x128x16xf32, #tpu.memory_space<vmem>>
    %dma_start3A_66 = tpu.memref_squeeze %dma_start3A_65 : memref<1x128x16xf32, #tpu.memory_space<vmem>> -> memref<128x16xf32, #tpu.memory_space<vmem>>
    %dma_start3A_67 = arith.constant 0 : i32
    %dma_start3A_68 = tpu.memref_slice %arg7[%dma_start3A_60, %dma_start3A_61, %dma_start3A_62, %dma_start3A_67] : memref<3x5x2x128xi32, #tpu.memory_space<vmem>> -> memref<1x1x1x128xi32, #tpu.memory_space<vmem>>
    %dma_start3A_69 = tpu.memref_squeeze %dma_start3A_68 : memref<1x1x1x128xi32, #tpu.memory_space<vmem>> -> memref<128xi32, #tpu.memory_space<vmem>>
    %dma_start3A_70 = arith.constant 0 : i32
    %dma_start3A_71 = arith.constant 0 : i32
    %dma_start3A_72 = tpu.memref_slice %arg9[%dma_start3A_70, %dma_start3A_71] : memref<100352x16xf32, #tpu.memory_space<vmem_shared>> -> memref<100352x16xf32, #tpu.memory_space<vmem_shared>>
    tpu.enqueue_indirect_dma source(%dma_start3A_66 : memref<128x16xf32, #tpu.memory_space<vmem>>) target(%dma_start3A_72 : memref<100352x16xf32, #tpu.memory_space<vmem_shared>>) offsets(%dma_start3A_69 : memref<128xi32, #tpu.memory_space<vmem>>) semaphore(%arg12 : memref<!tpu.dma_semaphore, #tpu.memory_space<semaphore_mem>>) {add = true}
    %dma_start3A_73 = arith.constant 1 : i32
    %dma_start3A_74 = arith.constant 0 : i32
    %dma_start3A_75 = arith.constant 2 : i32
    %dma_start3A_76 = arith.constant 1 : i32
    %dma_start3A_77 = arith.constant 256 : i32
    %dma_start3A_78 = arith.constant 0 : i32
    %dma_start3A_79 = tpu.memref_slice %arg8[%dma_start3A_73, %dma_start3A_77, %dma_start3A_78] : memref<2x640x16xf32, #tpu.memory_space<vmem>> -> memref<1x128x16xf32, #tpu.memory_space<vmem>>
    %dma_start3A_80 = tpu.memref_squeeze %dma_start3A_79 : memref<1x128x16xf32, #tpu.memory_space<vmem>> -> memref<128x16xf32, #tpu.memory_space<vmem>>
    %dma_start3A_81 = arith.constant 0 : i32
    %dma_start3A_82 = tpu.memref_slice %arg7[%dma_start3A_74, %dma_start3A_75, %dma_start3A_76, %dma_start3A_81] : memref<3x5x2x128xi32, #tpu.memory_space<vmem>> -> memref<1x1x1x128xi32, #tpu.memory_space<vmem>>
    %dma_start3A_83 = tpu.memref_squeeze %dma_start3A_82 : memref<1x1x1x128xi32, #tpu.memory_space<vmem>> -> memref<128xi32, #tpu.memory_space<vmem>>
    %dma_start3A_84 = arith.constant 0 : i32
    %dma_start3A_85 = arith.constant 0 : i32
    %dma_start3A_86 = tpu.memref_slice %arg9[%dma_start3A_84, %dma_start3A_85] : memref<100352x16xf32, #tpu.memory_space<vmem_shared>> -> memref<100352x16xf32, #tpu.memory_space<vmem_shared>>
    tpu.enqueue_indirect_dma source(%dma_start3A_80 : memref<128x16xf32, #tpu.memory_space<vmem>>) target(%dma_start3A_86 : memref<100352x16xf32, #tpu.memory_space<vmem_shared>>) offsets(%dma_start3A_83 : memref<128xi32, #tpu.memory_space<vmem>>) semaphore(%arg12 : memref<!tpu.dma_semaphore, #tpu.memory_space<semaphore_mem>>) {add = true}
    %dma_start3A_87 = arith.constant 1 : i32
    %dma_start3A_88 = arith.constant 0 : i32
    %dma_start3A_89 = arith.constant 3 : i32
    %dma_start3A_90 = arith.constant 1 : i32
    %dma_start3A_91 = arith.constant 384 : i32
    %dma_start3A_92 = arith.constant 0 : i32
    %dma_start3A_93 = tpu.memref_slice %arg8[%dma_start3A_87, %dma_start3A_91, %dma_start3A_92] : memref<2x640x16xf32, #tpu.memory_space<vmem>> -> memref<1x128x16xf32, #tpu.memory_space<vmem>>
    %dma_start3A_94 = tpu.memref_squeeze %dma_start3A_93 : memref<1x128x16xf32, #tpu.memory_space<vmem>> -> memref<128x16xf32, #tpu.memory_space<vmem>>
    %dma_start3A_95 = arith.constant 0 : i32
    %dma_start3A_96 = tpu.memref_slice %arg7[%dma_start3A_88, %dma_start3A_89, %dma_start3A_90, %dma_start3A_95] : memref<3x5x2x128xi32, #tpu.memory_space<vmem>> -> memref<1x1x1x128xi32, #tpu.memory_space<vmem>>
    %dma_start3A_97 = tpu.memref_squeeze %dma_start3A_96 : memref<1x1x1x128xi32, #tpu.memory_space<vmem>> -> memref<128xi32, #tpu.memory_space<vmem>>
    %dma_start3A_98 = arith.constant 0 : i32
    %dma_start3A_99 = arith.constant 0 : i32
    %dma_start3A_100 = tpu.memref_slice %arg9[%dma_start3A_98, %dma_start3A_99] : memref<100352x16xf32, #tpu.memory_space<vmem_shared>> -> memref<100352x16xf32, #tpu.memory_space<vmem_shared>>
    tpu.enqueue_indirect_dma source(%dma_start3A_94 : memref<128x16xf32, #tpu.memory_space<vmem>>) target(%dma_start3A_100 : memref<100352x16xf32, #tpu.memory_space<vmem_shared>>) offsets(%dma_start3A_97 : memref<128xi32, #tpu.memory_space<vmem>>) semaphore(%arg12 : memref<!tpu.dma_semaphore, #tpu.memory_space<semaphore_mem>>) {add = true}
    %dma_start3A_101 = arith.constant 1 : i32
    %dma_start3A_102 = arith.constant 0 : i32
    %dma_start3A_103 = arith.constant 4 : i32
    %dma_start3A_104 = arith.constant 1 : i32
    %dma_start3A_105 = arith.constant 512 : i32
    %dma_start3A_106 = arith.constant 0 : i32
    %dma_start3A_107 = tpu.memref_slice %arg8[%dma_start3A_101, %dma_start3A_105, %dma_start3A_106] : memref<2x640x16xf32, #tpu.memory_space<vmem>> -> memref<1x128x16xf32, #tpu.memory_space<vmem>>
    %dma_start3A_108 = tpu.memref_squeeze %dma_start3A_107 : memref<1x128x16xf32, #tpu.memory_space<vmem>> -> memref<128x16xf32, #tpu.memory_space<vmem>>
    %dma_start3A_109 = arith.constant 0 : i32
    %dma_start3A_110 = tpu.memref_slice %arg7[%dma_start3A_102, %dma_start3A_103, %dma_start3A_104, %dma_start3A_109] : memref<3x5x2x128xi32, #tpu.memory_space<vmem>> -> memref<1x1x1x128xi32, #tpu.memory_space<vmem>>
    %dma_start3A_111 = tpu.memref_squeeze %dma_start3A_110 : memref<1x1x1x128xi32, #tpu.memory_space<vmem>> -> memref<128xi32, #tpu.memory_space<vmem>>
    %dma_start3A_112 = arith.constant 0 : i32
    %dma_start3A_113 = arith.constant 0 : i32
    %dma_start3A_114 = tpu.memref_slice %arg9[%dma_start3A_112, %dma_start3A_113] : memref<100352x16xf32, #tpu.memory_space<vmem_shared>> -> memref<100352x16xf32, #tpu.memory_space<vmem_shared>>
    tpu.enqueue_indirect_dma source(%dma_start3A_108 : memref<128x16xf32, #tpu.memory_space<vmem>>) target(%dma_start3A_114 : memref<100352x16xf32, #tpu.memory_space<vmem_shared>>) offsets(%dma_start3A_111 : memref<128xi32, #tpu.memory_space<vmem>>) semaphore(%arg12 : memref<!tpu.dma_semaphore, #tpu.memory_space<semaphore_mem>>) {add = true}
    %dma_wait3A_115 = arith.constant 0 : i32
    %dma_wait3A_116 = arith.constant 0 : i32
    %dma_wait3A_117 = arith.constant 0 : i32
    %dma_wait3A_118 = tpu.memref_slice %arg8[%dma_wait3A_115, %dma_wait3A_116, %dma_wait3A_117] : memref<2x640x16xf32, #tpu.memory_space<vmem>> -> memref<1x640x16xf32, #tpu.memory_space<vmem>>
    %dma_wait3A_119 = tpu.memref_squeeze %dma_wait3A_118 : memref<1x640x16xf32, #tpu.memory_space<vmem>> -> memref<640x16xf32, #tpu.memory_space<vmem>>
    %dma_wait3A_120 = arith.constant 0 : i32
    %dma_wait3A_121 = arith.constant 0 : i32
    %dma_wait3A_122 = tpu.memref_slice %arg4[%dma_wait3A_120, %dma_wait3A_121] : memref<200704x16xf32, #tpu.memory_space<hbm>> -> memref<640x16xf32, #tpu.memory_space<hbm>>
    %dma_wait3A_123 = arith.constant 0 : i32
    %dma_wait3A_124 = arith.constant 0 : i32
    %dma_wait3A_125 = tpu.memref_slice %arg8[%dma_wait3A_115, %dma_wait3A_123, %dma_wait3A_124] : memref<2x640x16xf32, #tpu.memory_space<vmem>> -> memref<1x640x16xf32, #tpu.memory_space<vmem>>
    %dma_wait3A_126 = tpu.memref_squeeze %dma_wait3A_125 : memref<1x640x16xf32, #tpu.memory_space<vmem>> -> memref<640x16xf32, #tpu.memory_space<vmem>>
    %dma_wait3A_127 = arith.constant 0 : i32
    %dma_wait3A_128 = arith.constant 0 : i32
    %dma_wait3A_129 = tpu.memref_slice %arg4[%dma_wait3A_127, %dma_wait3A_128] : memref<200704x16xf32, #tpu.memory_space<hbm>> -> memref<640x16xf32, #tpu.memory_space<hbm>>
    tpu.wait_dma2 semaphore(%arg12 : memref<!tpu.dma_semaphore, #tpu.memory_space<semaphore_mem>>) src(%dma_wait3A_129 : memref<640x16xf32, #tpu.memory_space<hbm>>) dst(%dma_wait3A_126 : memref<640x16xf32, #tpu.memory_space<vmem>>)
    %barrier3A_130 = arith.constant 0 : index
    tpu.barrier barrier_id(%barrier3A_130)
    "tpu.region"() ({
      %run_scoped3A = tpu.sem_alloc : memref<!tpu.dma_semaphore, #tpu.memory_space<semaphore_mem>>
      %dma_start3A_131 = arith.constant 0 : i32
      %dma_start3A_132 = tpu.memref_slice %arg6[%arg0, %mul3A_0, %dma_start3A_131] : memref<2x100352x16xf32, #tpu.memory_space<hbm>> -> memref<1x6272x16xf32, #tpu.memory_space<hbm>>
      %dma_start3A_133 = tpu.memref_squeeze %dma_start3A_132 : memref<1x6272x16xf32, #tpu.memory_space<hbm>> -> memref<6272x16xf32, #tpu.memory_space<hbm>>
      %dma_start3A_134 = arith.constant 0 : i32
      %dma_start3A_135 = tpu.memref_slice %arg9[%mul3A_0, %dma_start3A_134] : memref<100352x16xf32, #tpu.memory_space<vmem_shared>> -> memref<6272x16xf32, #tpu.memory_space<vmem_shared>>
      tpu.enqueue_dma source(%dma_start3A_135 : memref<6272x16xf32, #tpu.memory_space<vmem_shared>>) target(%dma_start3A_133 : memref<6272x16xf32, #tpu.memory_space<hbm>>) target_semaphore(%run_scoped3A : memref<!tpu.dma_semaphore, #tpu.memory_space<semaphore_mem>>)
      %dma_wait3A_136 = arith.constant 0 : i32
      %dma_wait3A_137 = tpu.memref_slice %arg6[%arg0, %mul3A_0, %dma_wait3A_136] : memref<2x100352x16xf32, #tpu.memory_space<hbm>> -> memref<1x6272x16xf32, #tpu.memory_space<hbm>>
      %dma_wait3A_138 = tpu.memref_squeeze %dma_wait3A_137 : memref<1x6272x16xf32, #tpu.memory_space<hbm>> -> memref<6272x16xf32, #tpu.memory_space<hbm>>
      %dma_wait3A_139 = arith.constant 0 : i32
      %dma_wait3A_140 = tpu.memref_slice %arg9[%mul3A_0, %dma_wait3A_139] : memref<100352x16xf32, #tpu.memory_space<vmem_shared>> -> memref<6272x16xf32, #tpu.memory_space<vmem_shared>>
      tpu.wait_dma2 semaphore(%run_scoped3A : memref<!tpu.dma_semaphore, #tpu.memory_space<semaphore_mem>>) src(%dma_wait3A_140 : memref<6272x16xf32, #tpu.memory_space<vmem_shared>>) dst(%dma_wait3A_138 : memref<6272x16xf32, #tpu.memory_space<hbm>>)
      tpu.yield
    }) : () -> ()
    return
  }
}

#map = affine_map<(d0, d1) -> (0, 0, 0)>
#map1 = affine_map<(d0, d1) -> (0, 0)>
module attributes {stable_mosaic.version = 14 : i64} {
  func.func @prop(%arg0: i32, %arg1: i32, %arg2: memref<12500x2x128xi32, #tpu.memory_space<hbm>>, %arg3: memref<300x2x128xi32, #tpu.memory_space<hbm>>, %arg4: memref<100352x16xf32, #tpu.memory_space<hbm>>, %arg5: memref<6272x16xf32, #tpu.memory_space<hbm>>, %arg6: memref<2x100352x16xf32, #tpu.memory_space<hbm>>, %arg7: memref<3x5x2x128xi32, #tpu.memory_space<vmem>>, %arg8: memref<2x640x16xf32, #tpu.memory_space<vmem>>, %arg9: memref<100352x16xf32, #tpu.memory_space<vmem_shared>>, %arg10: memref<!tpu.dma_semaphore, #tpu.memory_space<semaphore_mem>>, %arg11: memref<!tpu.dma_semaphore, #tpu.memory_space<semaphore_mem>>, %arg12: memref<!tpu.dma_semaphore, #tpu.memory_space<semaphore_mem>>) attributes {dimension_semantics = [#tpu.dimension_semantics<core_parallel>, #tpu.dimension_semantics<subcore_parallel>], iteration_bounds = array<i64: 2, 16>, scalar_prefetch = 0 : i64, scratch_operands = 6 : i64, tpu.core_type = #tpu.core_type<sc_vector_subcore>, window_params = [{transform_indices = #map}, {transform_indices = #map}, {transform_indices = #map1}, {transform_indices = #map1}, {transform_indices = #map}]} {
    %mul3A = arith.constant 6272 : i32
    %mul3A_0 = arith.muli %arg1, %mul3A : i32
    "tpu.region"() ({
      %run_scoped3A = tpu.sem_alloc : memref<!tpu.dma_semaphore, #tpu.memory_space<semaphore_mem>>
      %dma_start3A_134 = arith.constant 0 : i32
      %dma_start3A_135 = tpu.memref_slice %arg9[%mul3A_0, %dma_start3A_134] : memref<100352x16xf32, #tpu.memory_space<vmem_shared>> -> memref<6272x16xf32, #tpu.memory_space<vmem_shared>>
      tpu.enqueue_dma source(%arg5 : memref<6272x16xf32, #tpu.memory_space<hbm>>) target(%dma_start3A_135 : memref<6272x16xf32, #tpu.memory_space<vmem_shared>>) target_semaphore(%run_scoped3A : memref<!tpu.dma_semaphore, #tpu.memory_space<semaphore_mem>>)
      %dma_wait3A_136 = arith.constant 0 : i32
      %dma_wait3A_137 = tpu.memref_slice %arg9[%mul3A_0, %dma_wait3A_136] : memref<100352x16xf32, #tpu.memory_space<vmem_shared>> -> memref<6272x16xf32, #tpu.memory_space<vmem_shared>>
      tpu.wait_dma2 semaphore(%run_scoped3A : memref<!tpu.dma_semaphore, #tpu.memory_space<semaphore_mem>>) src(%arg5 : memref<6272x16xf32, #tpu.memory_space<hbm>>) dst(%dma_wait3A_137 : memref<6272x16xf32, #tpu.memory_space<vmem_shared>>)
      tpu.yield
    }) : () -> ()
    %barrier3A = arith.constant 0 : index
    tpu.barrier barrier_id(%barrier3A)
    %mul3A_1 = arith.constant 6400 : i32
    %mul3A_2 = arith.muli %arg0, %mul3A_1 : i32
    %mul3A_3 = arith.constant 400 : i32
    %mul3A_4 = arith.muli %arg1, %mul3A_3 : i32
    %add3A = arith.addi %mul3A_2, %mul3A_4 : i32
    %mul3A_5 = arith.constant 100352 : i32
    %mul3A_6 = arith.muli %arg0, %mul3A_5 : i32
    %add3A_7 = arith.constant 0 : i32
    %add3A_8 = arith.addi %add3A, %add3A_7 : i32
    %lt3A = arith.constant 12500 : i32
    %lt3A_9 = arith.cmpi slt, %add3A_8, %lt3A : i32
    %convert_element_type3A = arith.extui %lt3A_9 : i1 to i32
    %cond3A = arith.constant 0 : i32
    %cond3A_10 = arith.cmpi ne, %convert_element_type3A, %cond3A : i32
    scf.if %cond3A_10 {
      %dma_start3A_134 = arith.constant 0 : i32
      %dma_start3A_135 = arith.constant 0 : i32
      %dma_start3A_136 = arith.constant 0 : i32
      %dma_start3A_137 = arith.constant 0 : i32
      %dma_start3A_138 = tpu.memref_slice %arg7[%dma_start3A_134, %dma_start3A_135, %dma_start3A_136, %dma_start3A_137] : memref<3x5x2x128xi32, #tpu.memory_space<vmem>> -> memref<1x5x2x128xi32, #tpu.memory_space<vmem>>
      %dma_start3A_139 = tpu.memref_squeeze %dma_start3A_138 : memref<1x5x2x128xi32, #tpu.memory_space<vmem>> -> memref<5x2x128xi32, #tpu.memory_space<vmem>>
      %dma_start3A_140 = arith.constant 0 : i32
      %dma_start3A_141 = arith.constant 0 : i32
      %dma_start3A_142 = tpu.memref_slice %arg2[%add3A_8, %dma_start3A_140, %dma_start3A_141] : memref<12500x2x128xi32, #tpu.memory_space<hbm>> -> memref<5x2x128xi32, #tpu.memory_space<hbm>>
      %dma_start3A_143 = arith.constant 0 : i32
      %dma_start3A_144 = arith.constant 0 : i32
      %dma_start3A_145 = arith.constant 0 : i32
      %dma_start3A_146 = tpu.memref_slice %arg7[%dma_start3A_134, %dma_start3A_143, %dma_start3A_144, %dma_start3A_145] : memref<3x5x2x128xi32, #tpu.memory_space<vmem>> -> memref<1x5x2x128xi32, #tpu.memory_space<vmem>>
      %dma_start3A_147 = tpu.memref_squeeze %dma_start3A_146 : memref<1x5x2x128xi32, #tpu.memory_space<vmem>> -> memref<5x2x128xi32, #tpu.memory_space<vmem>>
      %dma_start3A_148 = arith.constant 0 : i32
      %dma_start3A_149 = arith.constant 0 : i32
      %dma_start3A_150 = tpu.memref_slice %arg2[%add3A_8, %dma_start3A_148, %dma_start3A_149] : memref<12500x2x128xi32, #tpu.memory_space<hbm>> -> memref<5x2x128xi32, #tpu.memory_space<hbm>>
      tpu.enqueue_dma source(%dma_start3A_150 : memref<5x2x128xi32, #tpu.memory_space<hbm>>) target(%dma_start3A_147 : memref<5x2x128xi32, #tpu.memory_space<vmem>>) target_semaphore(%arg10 : memref<!tpu.dma_semaphore, #tpu.memory_space<semaphore_mem>>)
    } else {
    }
    %ge3A = arith.constant 12500 : i32
    %ge3A_11 = arith.cmpi sge, %add3A_8, %ge3A : i32
    %convert_element_type3A_12 = arith.extui %ge3A_11 : i1 to i32
    %cond3A_13 = arith.constant 0 : i32
    %cond3A_14 = arith.cmpi ne, %convert_element_type3A_12, %cond3A_13 : i32
    scf.if %cond3A_14 {
      %sub3A = arith.constant 12500 : i32
      %sub3A_134 = arith.subi %add3A_8, %sub3A : i32
      %dma_start3A_135 = arith.constant 0 : i32
      %dma_start3A_136 = arith.constant 0 : i32
      %dma_start3A_137 = arith.constant 0 : i32
      %dma_start3A_138 = arith.constant 0 : i32
      %dma_start3A_139 = tpu.memref_slice %arg7[%dma_start3A_135, %dma_start3A_136, %dma_start3A_137, %dma_start3A_138] : memref<3x5x2x128xi32, #tpu.memory_space<vmem>> -> memref<1x5x2x128xi32, #tpu.memory_space<vmem>>
      %dma_start3A_140 = tpu.memref_squeeze %dma_start3A_139 : memref<1x5x2x128xi32, #tpu.memory_space<vmem>> -> memref<5x2x128xi32, #tpu.memory_space<vmem>>
      %dma_start3A_141 = arith.constant 0 : i32
      %dma_start3A_142 = arith.constant 0 : i32
      %dma_start3A_143 = tpu.memref_slice %arg3[%sub3A_134, %dma_start3A_141, %dma_start3A_142] : memref<300x2x128xi32, #tpu.memory_space<hbm>> -> memref<5x2x128xi32, #tpu.memory_space<hbm>>
      %dma_start3A_144 = arith.constant 0 : i32
      %dma_start3A_145 = arith.constant 0 : i32
      %dma_start3A_146 = arith.constant 0 : i32
      %dma_start3A_147 = tpu.memref_slice %arg7[%dma_start3A_135, %dma_start3A_144, %dma_start3A_145, %dma_start3A_146] : memref<3x5x2x128xi32, #tpu.memory_space<vmem>> -> memref<1x5x2x128xi32, #tpu.memory_space<vmem>>
      %dma_start3A_148 = tpu.memref_squeeze %dma_start3A_147 : memref<1x5x2x128xi32, #tpu.memory_space<vmem>> -> memref<5x2x128xi32, #tpu.memory_space<vmem>>
      %dma_start3A_149 = arith.constant 0 : i32
      %dma_start3A_150 = arith.constant 0 : i32
      %dma_start3A_151 = tpu.memref_slice %arg3[%sub3A_134, %dma_start3A_149, %dma_start3A_150] : memref<300x2x128xi32, #tpu.memory_space<hbm>> -> memref<5x2x128xi32, #tpu.memory_space<hbm>>
      tpu.enqueue_dma source(%dma_start3A_151 : memref<5x2x128xi32, #tpu.memory_space<hbm>>) target(%dma_start3A_148 : memref<5x2x128xi32, #tpu.memory_space<vmem>>) target_semaphore(%arg10 : memref<!tpu.dma_semaphore, #tpu.memory_space<semaphore_mem>>)
    } else {
    }
    %scan3A = arith.constant 0 : i32
    %scan3A_15 = arith.constant 0 : i32
    %scan3A_16 = arith.constant 80 : i32
    %scan3A_17 = arith.addi %scan3A_15, %scan3A_16 : i32
    %scan3A_18 = arith.constant 1 : i32
    scf.for %scan3A_134 = %scan3A_15 to %scan3A_17 step %scan3A_18  : i32 {
      %rem3A = arith.constant 2 : i32
      %rem3A_135 = arith.remsi %scan3A_134, %rem3A : i32
      %rem3A_136 = arith.constant 3 : i32
      %rem3A_137 = arith.remsi %scan3A_134, %rem3A_136 : i32
      %add3A_138 = arith.constant 1 : i32
      %add3A_139 = arith.addi %scan3A_134, %add3A_138 : i32
      %rem3A_140 = arith.constant 2 : i32
      %rem3A_141 = arith.remsi %add3A_139, %rem3A_140 : i32
      %add3A_142 = arith.constant 2 : i32
      %add3A_143 = arith.addi %scan3A_134, %add3A_142 : i32
      %rem3A_144 = arith.constant 3 : i32
      %rem3A_145 = arith.remsi %add3A_143, %rem3A_144 : i32
      %dma_wait3A_146 = arith.constant 0 : i32
      %dma_wait3A_147 = arith.constant 0 : i32
      %dma_wait3A_148 = arith.constant 0 : i32
      %dma_wait3A_149 = arith.constant 0 : i32
      %dma_wait3A_150 = tpu.memref_slice %arg7[%dma_wait3A_146, %dma_wait3A_147, %dma_wait3A_148, %dma_wait3A_149] : memref<3x5x2x128xi32, #tpu.memory_space<vmem>> -> memref<1x5x2x128xi32, #tpu.memory_space<vmem>>
      %dma_wait3A_151 = tpu.memref_squeeze %dma_wait3A_150 : memref<1x5x2x128xi32, #tpu.memory_space<vmem>> -> memref<5x2x128xi32, #tpu.memory_space<vmem>>
      %dma_wait3A_152 = arith.constant 0 : i32
      %dma_wait3A_153 = arith.constant 0 : i32
      %dma_wait3A_154 = arith.constant 0 : i32
      %dma_wait3A_155 = tpu.memref_slice %arg2[%dma_wait3A_152, %dma_wait3A_153, %dma_wait3A_154] : memref<12500x2x128xi32, #tpu.memory_space<hbm>> -> memref<5x2x128xi32, #tpu.memory_space<hbm>>
      %dma_wait3A_156 = arith.constant 0 : i32
      %dma_wait3A_157 = arith.constant 0 : i32
      %dma_wait3A_158 = arith.constant 0 : i32
      %dma_wait3A_159 = tpu.memref_slice %arg7[%dma_wait3A_146, %dma_wait3A_156, %dma_wait3A_157, %dma_wait3A_158] : memref<3x5x2x128xi32, #tpu.memory_space<vmem>> -> memref<1x5x2x128xi32, #tpu.memory_space<vmem>>
      %dma_wait3A_160 = tpu.memref_squeeze %dma_wait3A_159 : memref<1x5x2x128xi32, #tpu.memory_space<vmem>> -> memref<5x2x128xi32, #tpu.memory_space<vmem>>
      %dma_wait3A_161 = arith.constant 0 : i32
      %dma_wait3A_162 = arith.constant 0 : i32
      %dma_wait3A_163 = arith.constant 0 : i32
      %dma_wait3A_164 = tpu.memref_slice %arg2[%dma_wait3A_161, %dma_wait3A_162, %dma_wait3A_163] : memref<12500x2x128xi32, #tpu.memory_space<hbm>> -> memref<5x2x128xi32, #tpu.memory_space<hbm>>
      tpu.wait_dma2 semaphore(%arg10 : memref<!tpu.dma_semaphore, #tpu.memory_space<semaphore_mem>>) src(%dma_wait3A_164 : memref<5x2x128xi32, #tpu.memory_space<hbm>>) dst(%dma_wait3A_160 : memref<5x2x128xi32, #tpu.memory_space<vmem>>)
      %ge3A_165 = arith.constant 2 : i32
      %ge3A_166 = arith.cmpi sge, %scan3A_134, %ge3A_165 : i32
      %convert_element_type3A_167 = arith.extui %ge3A_166 : i1 to i32
      %cond3A_168 = arith.constant 0 : i32
      %cond3A_169 = arith.cmpi ne, %convert_element_type3A_167, %cond3A_168 : i32
      scf.if %cond3A_169 {
        %dma_wait3A_242 = arith.constant 0 : i32
        %dma_wait3A_243 = arith.constant 0 : i32
        %dma_wait3A_244 = arith.constant 0 : i32
        %dma_wait3A_245 = tpu.memref_slice %arg8[%dma_wait3A_242, %dma_wait3A_243, %dma_wait3A_244] : memref<2x640x16xf32, #tpu.memory_space<vmem>> -> memref<1x640x16xf32, #tpu.memory_space<vmem>>
        %dma_wait3A_246 = tpu.memref_squeeze %dma_wait3A_245 : memref<1x640x16xf32, #tpu.memory_space<vmem>> -> memref<640x16xf32, #tpu.memory_space<vmem>>
        %dma_wait3A_247 = arith.constant 0 : i32
        %dma_wait3A_248 = arith.constant 0 : i32
        %dma_wait3A_249 = tpu.memref_slice %arg4[%dma_wait3A_247, %dma_wait3A_248] : memref<100352x16xf32, #tpu.memory_space<hbm>> -> memref<640x16xf32, #tpu.memory_space<hbm>>
        %dma_wait3A_250 = arith.constant 0 : i32
        %dma_wait3A_251 = arith.constant 0 : i32
        %dma_wait3A_252 = tpu.memref_slice %arg8[%dma_wait3A_242, %dma_wait3A_250, %dma_wait3A_251] : memref<2x640x16xf32, #tpu.memory_space<vmem>> -> memref<1x640x16xf32, #tpu.memory_space<vmem>>
        %dma_wait3A_253 = tpu.memref_squeeze %dma_wait3A_252 : memref<1x640x16xf32, #tpu.memory_space<vmem>> -> memref<640x16xf32, #tpu.memory_space<vmem>>
        %dma_wait3A_254 = arith.constant 0 : i32
        %dma_wait3A_255 = arith.constant 0 : i32
        %dma_wait3A_256 = tpu.memref_slice %arg4[%dma_wait3A_254, %dma_wait3A_255] : memref<100352x16xf32, #tpu.memory_space<hbm>> -> memref<640x16xf32, #tpu.memory_space<hbm>>
        tpu.wait_dma2 semaphore(%arg12 : memref<!tpu.dma_semaphore, #tpu.memory_space<semaphore_mem>>) src(%dma_wait3A_256 : memref<640x16xf32, #tpu.memory_space<hbm>>) dst(%dma_wait3A_253 : memref<640x16xf32, #tpu.memory_space<vmem>>)
      } else {
      }
      %add3A_170 = arith.constant 1 : i32
      %add3A_171 = arith.addi %scan3A_134, %add3A_170 : i32
      %lt3A_172 = arith.constant 80 : i32
      %lt3A_173 = arith.cmpi slt, %add3A_171, %lt3A_172 : i32
      %convert_element_type3A_174 = arith.extui %lt3A_173 : i1 to i32
      %cond3A_175 = arith.constant 0 : i32
      %cond3A_176 = arith.cmpi ne, %convert_element_type3A_174, %cond3A_175 : i32
      scf.if %cond3A_176 {
        %add3A_242 = arith.constant 1 : i32
        %add3A_243 = arith.addi %scan3A_134, %add3A_242 : i32
        %add3A_244 = arith.constant 1 : i32
        %add3A_245 = arith.addi %scan3A_134, %add3A_244 : i32
        %rem3A_246 = arith.constant 3 : i32
        %rem3A_247 = arith.remsi %add3A_245, %rem3A_246 : i32
        %mul3A_248 = arith.constant 5 : i32
        %mul3A_249 = arith.muli %add3A_243, %mul3A_248 : i32
        %add3A_250 = arith.addi %add3A, %mul3A_249 : i32
        %lt3A_251 = arith.constant 12500 : i32
        %lt3A_252 = arith.cmpi slt, %add3A_250, %lt3A_251 : i32
        %convert_element_type3A_253 = arith.extui %lt3A_252 : i1 to i32
        %cond3A_254 = arith.constant 0 : i32
        %cond3A_255 = arith.cmpi ne, %convert_element_type3A_253, %cond3A_254 : i32
        scf.if %cond3A_255 {
          %dma_start3A_261 = arith.constant 0 : i32
          %dma_start3A_262 = arith.constant 0 : i32
          %dma_start3A_263 = arith.constant 0 : i32
          %dma_start3A_264 = tpu.memref_slice %arg7[%rem3A_247, %dma_start3A_261, %dma_start3A_262, %dma_start3A_263] : memref<3x5x2x128xi32, #tpu.memory_space<vmem>> -> memref<1x5x2x128xi32, #tpu.memory_space<vmem>>
          %dma_start3A_265 = tpu.memref_squeeze %dma_start3A_264 : memref<1x5x2x128xi32, #tpu.memory_space<vmem>> -> memref<5x2x128xi32, #tpu.memory_space<vmem>>
          %dma_start3A_266 = arith.constant 0 : i32
          %dma_start3A_267 = arith.constant 0 : i32
          %dma_start3A_268 = tpu.memref_slice %arg2[%add3A_250, %dma_start3A_266, %dma_start3A_267] : memref<12500x2x128xi32, #tpu.memory_space<hbm>> -> memref<5x2x128xi32, #tpu.memory_space<hbm>>
          %dma_start3A_269 = arith.constant 0 : i32
          %dma_start3A_270 = arith.constant 0 : i32
          %dma_start3A_271 = arith.constant 0 : i32
          %dma_start3A_272 = tpu.memref_slice %arg7[%rem3A_247, %dma_start3A_269, %dma_start3A_270, %dma_start3A_271] : memref<3x5x2x128xi32, #tpu.memory_space<vmem>> -> memref<1x5x2x128xi32, #tpu.memory_space<vmem>>
          %dma_start3A_273 = tpu.memref_squeeze %dma_start3A_272 : memref<1x5x2x128xi32, #tpu.memory_space<vmem>> -> memref<5x2x128xi32, #tpu.memory_space<vmem>>
          %dma_start3A_274 = arith.constant 0 : i32
          %dma_start3A_275 = arith.constant 0 : i32
          %dma_start3A_276 = tpu.memref_slice %arg2[%add3A_250, %dma_start3A_274, %dma_start3A_275] : memref<12500x2x128xi32, #tpu.memory_space<hbm>> -> memref<5x2x128xi32, #tpu.memory_space<hbm>>
          tpu.enqueue_dma source(%dma_start3A_276 : memref<5x2x128xi32, #tpu.memory_space<hbm>>) target(%dma_start3A_273 : memref<5x2x128xi32, #tpu.memory_space<vmem>>) target_semaphore(%arg10 : memref<!tpu.dma_semaphore, #tpu.memory_space<semaphore_mem>>)
        } else {
        }
        %ge3A_256 = arith.constant 12500 : i32
        %ge3A_257 = arith.cmpi sge, %add3A_250, %ge3A_256 : i32
        %convert_element_type3A_258 = arith.extui %ge3A_257 : i1 to i32
        %cond3A_259 = arith.constant 0 : i32
        %cond3A_260 = arith.cmpi ne, %convert_element_type3A_258, %cond3A_259 : i32
        scf.if %cond3A_260 {
          %sub3A = arith.constant 12500 : i32
          %sub3A_261 = arith.subi %add3A_250, %sub3A : i32
          %dma_start3A_262 = arith.constant 0 : i32
          %dma_start3A_263 = arith.constant 0 : i32
          %dma_start3A_264 = arith.constant 0 : i32
          %dma_start3A_265 = tpu.memref_slice %arg7[%rem3A_247, %dma_start3A_262, %dma_start3A_263, %dma_start3A_264] : memref<3x5x2x128xi32, #tpu.memory_space<vmem>> -> memref<1x5x2x128xi32, #tpu.memory_space<vmem>>
          %dma_start3A_266 = tpu.memref_squeeze %dma_start3A_265 : memref<1x5x2x128xi32, #tpu.memory_space<vmem>> -> memref<5x2x128xi32, #tpu.memory_space<vmem>>
          %dma_start3A_267 = arith.constant 0 : i32
          %dma_start3A_268 = arith.constant 0 : i32
          %dma_start3A_269 = tpu.memref_slice %arg3[%sub3A_261, %dma_start3A_267, %dma_start3A_268] : memref<300x2x128xi32, #tpu.memory_space<hbm>> -> memref<5x2x128xi32, #tpu.memory_space<hbm>>
          %dma_start3A_270 = arith.constant 0 : i32
          %dma_start3A_271 = arith.constant 0 : i32
          %dma_start3A_272 = arith.constant 0 : i32
          %dma_start3A_273 = tpu.memref_slice %arg7[%rem3A_247, %dma_start3A_270, %dma_start3A_271, %dma_start3A_272] : memref<3x5x2x128xi32, #tpu.memory_space<vmem>> -> memref<1x5x2x128xi32, #tpu.memory_space<vmem>>
          %dma_start3A_274 = tpu.memref_squeeze %dma_start3A_273 : memref<1x5x2x128xi32, #tpu.memory_space<vmem>> -> memref<5x2x128xi32, #tpu.memory_space<vmem>>
          %dma_start3A_275 = arith.constant 0 : i32
          %dma_start3A_276 = arith.constant 0 : i32
          %dma_start3A_277 = tpu.memref_slice %arg3[%sub3A_261, %dma_start3A_275, %dma_start3A_276] : memref<300x2x128xi32, #tpu.memory_space<hbm>> -> memref<5x2x128xi32, #tpu.memory_space<hbm>>
          tpu.enqueue_dma source(%dma_start3A_277 : memref<5x2x128xi32, #tpu.memory_space<hbm>>) target(%dma_start3A_274 : memref<5x2x128xi32, #tpu.memory_space<vmem>>) target_semaphore(%arg10 : memref<!tpu.dma_semaphore, #tpu.memory_space<semaphore_mem>>)
        } else {
        }
      } else {
      }
      %ge3A_177 = arith.constant 1 : i32
      %ge3A_178 = arith.cmpi sge, %scan3A_134, %ge3A_177 : i32
      %convert_element_type3A_179 = arith.extui %ge3A_178 : i1 to i32
      %cond3A_180 = arith.constant 0 : i32
      %cond3A_181 = arith.cmpi ne, %convert_element_type3A_179, %cond3A_180 : i32
      scf.if %cond3A_181 {
        %dma_wait3A_242 = arith.constant 0 : i32
        %dma_wait3A_243 = arith.constant 0 : i32
        %dma_wait3A_244 = arith.constant 0 : i32
        %dma_wait3A_245 = tpu.memref_slice %arg8[%dma_wait3A_242, %dma_wait3A_243, %dma_wait3A_244] : memref<2x640x16xf32, #tpu.memory_space<vmem>> -> memref<1x640x16xf32, #tpu.memory_space<vmem>>
        %dma_wait3A_246 = tpu.memref_squeeze %dma_wait3A_245 : memref<1x640x16xf32, #tpu.memory_space<vmem>> -> memref<640x16xf32, #tpu.memory_space<vmem>>
        %dma_wait3A_247 = arith.constant 0 : i32
        %dma_wait3A_248 = arith.constant 0 : i32
        %dma_wait3A_249 = tpu.memref_slice %arg4[%dma_wait3A_247, %dma_wait3A_248] : memref<100352x16xf32, #tpu.memory_space<hbm>> -> memref<640x16xf32, #tpu.memory_space<hbm>>
        %dma_wait3A_250 = arith.constant 0 : i32
        %dma_wait3A_251 = arith.constant 0 : i32
        %dma_wait3A_252 = tpu.memref_slice %arg8[%dma_wait3A_242, %dma_wait3A_250, %dma_wait3A_251] : memref<2x640x16xf32, #tpu.memory_space<vmem>> -> memref<1x640x16xf32, #tpu.memory_space<vmem>>
        %dma_wait3A_253 = tpu.memref_squeeze %dma_wait3A_252 : memref<1x640x16xf32, #tpu.memory_space<vmem>> -> memref<640x16xf32, #tpu.memory_space<vmem>>
        %dma_wait3A_254 = arith.constant 0 : i32
        %dma_wait3A_255 = arith.constant 0 : i32
        %dma_wait3A_256 = tpu.memref_slice %arg4[%dma_wait3A_254, %dma_wait3A_255] : memref<100352x16xf32, #tpu.memory_space<hbm>> -> memref<640x16xf32, #tpu.memory_space<hbm>>
        tpu.wait_dma2 semaphore(%arg11 : memref<!tpu.dma_semaphore, #tpu.memory_space<semaphore_mem>>) src(%dma_wait3A_256 : memref<640x16xf32, #tpu.memory_space<hbm>>) dst(%dma_wait3A_253 : memref<640x16xf32, #tpu.memory_space<vmem>>)
        %dma_start3A_257 = arith.constant 0 : i32
        %dma_start3A_258 = arith.constant 1 : i32
        %dma_start3A_259 = arith.constant 0 : i32
        %dma_start3A_260 = arith.constant 0 : i32
        %dma_start3A_261 = tpu.memref_slice %arg8[%rem3A_141, %dma_start3A_259, %dma_start3A_260] : memref<2x640x16xf32, #tpu.memory_space<vmem>> -> memref<1x128x16xf32, #tpu.memory_space<vmem>>
        %dma_start3A_262 = tpu.memref_squeeze %dma_start3A_261 : memref<1x128x16xf32, #tpu.memory_space<vmem>> -> memref<128x16xf32, #tpu.memory_space<vmem>>
        %dma_start3A_263 = arith.constant 0 : i32
        %dma_start3A_264 = tpu.memref_slice %arg7[%rem3A_145, %dma_start3A_257, %dma_start3A_258, %dma_start3A_263] : memref<3x5x2x128xi32, #tpu.memory_space<vmem>> -> memref<1x1x1x128xi32, #tpu.memory_space<vmem>>
        %dma_start3A_265 = tpu.memref_squeeze %dma_start3A_264 : memref<1x1x1x128xi32, #tpu.memory_space<vmem>> -> memref<128xi32, #tpu.memory_space<vmem>>
        %dma_start3A_266 = arith.constant 0 : i32
        %dma_start3A_267 = arith.constant 0 : i32
        %dma_start3A_268 = tpu.memref_slice %arg9[%dma_start3A_266, %dma_start3A_267] : memref<100352x16xf32, #tpu.memory_space<vmem_shared>> -> memref<100352x16xf32, #tpu.memory_space<vmem_shared>>
        tpu.enqueue_indirect_dma source(%dma_start3A_262 : memref<128x16xf32, #tpu.memory_space<vmem>>) target(%dma_start3A_268 : memref<100352x16xf32, #tpu.memory_space<vmem_shared>>) offsets(%dma_start3A_265 : memref<128xi32, #tpu.memory_space<vmem>>) semaphore(%arg12 : memref<!tpu.dma_semaphore, #tpu.memory_space<semaphore_mem>>) {add = true}
        %dma_start3A_269 = arith.constant 1 : i32
        %dma_start3A_270 = arith.constant 1 : i32
        %dma_start3A_271 = arith.constant 128 : i32
        %dma_start3A_272 = arith.constant 0 : i32
        %dma_start3A_273 = tpu.memref_slice %arg8[%rem3A_141, %dma_start3A_271, %dma_start3A_272] : memref<2x640x16xf32, #tpu.memory_space<vmem>> -> memref<1x128x16xf32, #tpu.memory_space<vmem>>
        %dma_start3A_274 = tpu.memref_squeeze %dma_start3A_273 : memref<1x128x16xf32, #tpu.memory_space<vmem>> -> memref<128x16xf32, #tpu.memory_space<vmem>>
        %dma_start3A_275 = arith.constant 0 : i32
        %dma_start3A_276 = tpu.memref_slice %arg7[%rem3A_145, %dma_start3A_269, %dma_start3A_270, %dma_start3A_275] : memref<3x5x2x128xi32, #tpu.memory_space<vmem>> -> memref<1x1x1x128xi32, #tpu.memory_space<vmem>>
        %dma_start3A_277 = tpu.memref_squeeze %dma_start3A_276 : memref<1x1x1x128xi32, #tpu.memory_space<vmem>> -> memref<128xi32, #tpu.memory_space<vmem>>
        %dma_start3A_278 = arith.constant 0 : i32
        %dma_start3A_279 = arith.constant 0 : i32
        %dma_start3A_280 = tpu.memref_slice %arg9[%dma_start3A_278, %dma_start3A_279] : memref<100352x16xf32, #tpu.memory_space<vmem_shared>> -> memref<100352x16xf32, #tpu.memory_space<vmem_shared>>
        tpu.enqueue_indirect_dma source(%dma_start3A_274 : memref<128x16xf32, #tpu.memory_space<vmem>>) target(%dma_start3A_280 : memref<100352x16xf32, #tpu.memory_space<vmem_shared>>) offsets(%dma_start3A_277 : memref<128xi32, #tpu.memory_space<vmem>>) semaphore(%arg12 : memref<!tpu.dma_semaphore, #tpu.memory_space<semaphore_mem>>) {add = true}
        %dma_start3A_281 = arith.constant 2 : i32
        %dma_start3A_282 = arith.constant 1 : i32
        %dma_start3A_283 = arith.constant 256 : i32
        %dma_start3A_284 = arith.constant 0 : i32
        %dma_start3A_285 = tpu.memref_slice %arg8[%rem3A_141, %dma_start3A_283, %dma_start3A_284] : memref<2x640x16xf32, #tpu.memory_space<vmem>> -> memref<1x128x16xf32, #tpu.memory_space<vmem>>
        %dma_start3A_286 = tpu.memref_squeeze %dma_start3A_285 : memref<1x128x16xf32, #tpu.memory_space<vmem>> -> memref<128x16xf32, #tpu.memory_space<vmem>>
        %dma_start3A_287 = arith.constant 0 : i32
        %dma_start3A_288 = tpu.memref_slice %arg7[%rem3A_145, %dma_start3A_281, %dma_start3A_282, %dma_start3A_287] : memref<3x5x2x128xi32, #tpu.memory_space<vmem>> -> memref<1x1x1x128xi32, #tpu.memory_space<vmem>>
        %dma_start3A_289 = tpu.memref_squeeze %dma_start3A_288 : memref<1x1x1x128xi32, #tpu.memory_space<vmem>> -> memref<128xi32, #tpu.memory_space<vmem>>
        %dma_start3A_290 = arith.constant 0 : i32
        %dma_start3A_291 = arith.constant 0 : i32
        %dma_start3A_292 = tpu.memref_slice %arg9[%dma_start3A_290, %dma_start3A_291] : memref<100352x16xf32, #tpu.memory_space<vmem_shared>> -> memref<100352x16xf32, #tpu.memory_space<vmem_shared>>
        tpu.enqueue_indirect_dma source(%dma_start3A_286 : memref<128x16xf32, #tpu.memory_space<vmem>>) target(%dma_start3A_292 : memref<100352x16xf32, #tpu.memory_space<vmem_shared>>) offsets(%dma_start3A_289 : memref<128xi32, #tpu.memory_space<vmem>>) semaphore(%arg12 : memref<!tpu.dma_semaphore, #tpu.memory_space<semaphore_mem>>) {add = true}
        %dma_start3A_293 = arith.constant 3 : i32
        %dma_start3A_294 = arith.constant 1 : i32
        %dma_start3A_295 = arith.constant 384 : i32
        %dma_start3A_296 = arith.constant 0 : i32
        %dma_start3A_297 = tpu.memref_slice %arg8[%rem3A_141, %dma_start3A_295, %dma_start3A_296] : memref<2x640x16xf32, #tpu.memory_space<vmem>> -> memref<1x128x16xf32, #tpu.memory_space<vmem>>
        %dma_start3A_298 = tpu.memref_squeeze %dma_start3A_297 : memref<1x128x16xf32, #tpu.memory_space<vmem>> -> memref<128x16xf32, #tpu.memory_space<vmem>>
        %dma_start3A_299 = arith.constant 0 : i32
        %dma_start3A_300 = tpu.memref_slice %arg7[%rem3A_145, %dma_start3A_293, %dma_start3A_294, %dma_start3A_299] : memref<3x5x2x128xi32, #tpu.memory_space<vmem>> -> memref<1x1x1x128xi32, #tpu.memory_space<vmem>>
        %dma_start3A_301 = tpu.memref_squeeze %dma_start3A_300 : memref<1x1x1x128xi32, #tpu.memory_space<vmem>> -> memref<128xi32, #tpu.memory_space<vmem>>
        %dma_start3A_302 = arith.constant 0 : i32
        %dma_start3A_303 = arith.constant 0 : i32
        %dma_start3A_304 = tpu.memref_slice %arg9[%dma_start3A_302, %dma_start3A_303] : memref<100352x16xf32, #tpu.memory_space<vmem_shared>> -> memref<100352x16xf32, #tpu.memory_space<vmem_shared>>
        tpu.enqueue_indirect_dma source(%dma_start3A_298 : memref<128x16xf32, #tpu.memory_space<vmem>>) target(%dma_start3A_304 : memref<100352x16xf32, #tpu.memory_space<vmem_shared>>) offsets(%dma_start3A_301 : memref<128xi32, #tpu.memory_space<vmem>>) semaphore(%arg12 : memref<!tpu.dma_semaphore, #tpu.memory_space<semaphore_mem>>) {add = true}
        %dma_start3A_305 = arith.constant 4 : i32
        %dma_start3A_306 = arith.constant 1 : i32
        %dma_start3A_307 = arith.constant 512 : i32
        %dma_start3A_308 = arith.constant 0 : i32
        %dma_start3A_309 = tpu.memref_slice %arg8[%rem3A_141, %dma_start3A_307, %dma_start3A_308] : memref<2x640x16xf32, #tpu.memory_space<vmem>> -> memref<1x128x16xf32, #tpu.memory_space<vmem>>
        %dma_start3A_310 = tpu.memref_squeeze %dma_start3A_309 : memref<1x128x16xf32, #tpu.memory_space<vmem>> -> memref<128x16xf32, #tpu.memory_space<vmem>>
        %dma_start3A_311 = arith.constant 0 : i32
        %dma_start3A_312 = tpu.memref_slice %arg7[%rem3A_145, %dma_start3A_305, %dma_start3A_306, %dma_start3A_311] : memref<3x5x2x128xi32, #tpu.memory_space<vmem>> -> memref<1x1x1x128xi32, #tpu.memory_space<vmem>>
        %dma_start3A_313 = tpu.memref_squeeze %dma_start3A_312 : memref<1x1x1x128xi32, #tpu.memory_space<vmem>> -> memref<128xi32, #tpu.memory_space<vmem>>
        %dma_start3A_314 = arith.constant 0 : i32
        %dma_start3A_315 = arith.constant 0 : i32
        %dma_start3A_316 = tpu.memref_slice %arg9[%dma_start3A_314, %dma_start3A_315] : memref<100352x16xf32, #tpu.memory_space<vmem_shared>> -> memref<100352x16xf32, #tpu.memory_space<vmem_shared>>
        tpu.enqueue_indirect_dma source(%dma_start3A_310 : memref<128x16xf32, #tpu.memory_space<vmem>>) target(%dma_start3A_316 : memref<100352x16xf32, #tpu.memory_space<vmem_shared>>) offsets(%dma_start3A_313 : memref<128xi32, #tpu.memory_space<vmem>>) semaphore(%arg12 : memref<!tpu.dma_semaphore, #tpu.memory_space<semaphore_mem>>) {add = true}
      } else {
      }
      %dma_start3A_182 = arith.constant 0 : i32
      %dma_start3A_183 = arith.constant 0 : i32
      %dma_start3A_184 = arith.constant 0 : i32
      %dma_start3A_185 = arith.constant 0 : i32
      %dma_start3A_186 = tpu.memref_slice %arg8[%rem3A_135, %dma_start3A_184, %dma_start3A_185] : memref<2x640x16xf32, #tpu.memory_space<vmem>> -> memref<1x128x16xf32, #tpu.memory_space<vmem>>
      %dma_start3A_187 = tpu.memref_squeeze %dma_start3A_186 : memref<1x128x16xf32, #tpu.memory_space<vmem>> -> memref<128x16xf32, #tpu.memory_space<vmem>>
      %dma_start3A_188 = arith.constant 0 : i32
      %dma_start3A_189 = tpu.memref_slice %arg7[%rem3A_137, %dma_start3A_182, %dma_start3A_183, %dma_start3A_188] : memref<3x5x2x128xi32, #tpu.memory_space<vmem>> -> memref<1x1x1x128xi32, #tpu.memory_space<vmem>>
      %dma_start3A_190 = tpu.memref_squeeze %dma_start3A_189 : memref<1x1x1x128xi32, #tpu.memory_space<vmem>> -> memref<128xi32, #tpu.memory_space<vmem>>
      %dma_start3A_191 = arith.constant 0 : i32
      %dma_start3A_192 = arith.constant 0 : i32
      %dma_start3A_193 = tpu.memref_slice %arg4[%dma_start3A_191, %dma_start3A_192] : memref<100352x16xf32, #tpu.memory_space<hbm>> -> memref<100352x16xf32, #tpu.memory_space<hbm>>
      tpu.enqueue_indirect_dma source(%dma_start3A_193 : memref<100352x16xf32, #tpu.memory_space<hbm>>) target(%dma_start3A_187 : memref<128x16xf32, #tpu.memory_space<vmem>>) offsets(%dma_start3A_190 : memref<128xi32, #tpu.memory_space<vmem>>) semaphore(%arg11 : memref<!tpu.dma_semaphore, #tpu.memory_space<semaphore_mem>>)
      %dma_start3A_194 = arith.constant 1 : i32
      %dma_start3A_195 = arith.constant 0 : i32
      %dma_start3A_196 = arith.constant 128 : i32
      %dma_start3A_197 = arith.constant 0 : i32
      %dma_start3A_198 = tpu.memref_slice %arg8[%rem3A_135, %dma_start3A_196, %dma_start3A_197] : memref<2x640x16xf32, #tpu.memory_space<vmem>> -> memref<1x128x16xf32, #tpu.memory_space<vmem>>
      %dma_start3A_199 = tpu.memref_squeeze %dma_start3A_198 : memref<1x128x16xf32, #tpu.memory_space<vmem>> -> memref<128x16xf32, #tpu.memory_space<vmem>>
      %dma_start3A_200 = arith.constant 0 : i32
      %dma_start3A_201 = tpu.memref_slice %arg7[%rem3A_137, %dma_start3A_194, %dma_start3A_195, %dma_start3A_200] : memref<3x5x2x128xi32, #tpu.memory_space<vmem>> -> memref<1x1x1x128xi32, #tpu.memory_space<vmem>>
      %dma_start3A_202 = tpu.memref_squeeze %dma_start3A_201 : memref<1x1x1x128xi32, #tpu.memory_space<vmem>> -> memref<128xi32, #tpu.memory_space<vmem>>
      %dma_start3A_203 = arith.constant 0 : i32
      %dma_start3A_204 = arith.constant 0 : i32
      %dma_start3A_205 = tpu.memref_slice %arg4[%dma_start3A_203, %dma_start3A_204] : memref<100352x16xf32, #tpu.memory_space<hbm>> -> memref<100352x16xf32, #tpu.memory_space<hbm>>
      tpu.enqueue_indirect_dma source(%dma_start3A_205 : memref<100352x16xf32, #tpu.memory_space<hbm>>) target(%dma_start3A_199 : memref<128x16xf32, #tpu.memory_space<vmem>>) offsets(%dma_start3A_202 : memref<128xi32, #tpu.memory_space<vmem>>) semaphore(%arg11 : memref<!tpu.dma_semaphore, #tpu.memory_space<semaphore_mem>>)
      %dma_start3A_206 = arith.constant 2 : i32
      %dma_start3A_207 = arith.constant 0 : i32
      %dma_start3A_208 = arith.constant 256 : i32
      %dma_start3A_209 = arith.constant 0 : i32
      %dma_start3A_210 = tpu.memref_slice %arg8[%rem3A_135, %dma_start3A_208, %dma_start3A_209] : memref<2x640x16xf32, #tpu.memory_space<vmem>> -> memref<1x128x16xf32, #tpu.memory_space<vmem>>
      %dma_start3A_211 = tpu.memref_squeeze %dma_start3A_210 : memref<1x128x16xf32, #tpu.memory_space<vmem>> -> memref<128x16xf32, #tpu.memory_space<vmem>>
      %dma_start3A_212 = arith.constant 0 : i32
      %dma_start3A_213 = tpu.memref_slice %arg7[%rem3A_137, %dma_start3A_206, %dma_start3A_207, %dma_start3A_212] : memref<3x5x2x128xi32, #tpu.memory_space<vmem>> -> memref<1x1x1x128xi32, #tpu.memory_space<vmem>>
      %dma_start3A_214 = tpu.memref_squeeze %dma_start3A_213 : memref<1x1x1x128xi32, #tpu.memory_space<vmem>> -> memref<128xi32, #tpu.memory_space<vmem>>
      %dma_start3A_215 = arith.constant 0 : i32
      %dma_start3A_216 = arith.constant 0 : i32
      %dma_start3A_217 = tpu.memref_slice %arg4[%dma_start3A_215, %dma_start3A_216] : memref<100352x16xf32, #tpu.memory_space<hbm>> -> memref<100352x16xf32, #tpu.memory_space<hbm>>
      tpu.enqueue_indirect_dma source(%dma_start3A_217 : memref<100352x16xf32, #tpu.memory_space<hbm>>) target(%dma_start3A_211 : memref<128x16xf32, #tpu.memory_space<vmem>>) offsets(%dma_start3A_214 : memref<128xi32, #tpu.memory_space<vmem>>) semaphore(%arg11 : memref<!tpu.dma_semaphore, #tpu.memory_space<semaphore_mem>>)
      %dma_start3A_218 = arith.constant 3 : i32
      %dma_start3A_219 = arith.constant 0 : i32
      %dma_start3A_220 = arith.constant 384 : i32
      %dma_start3A_221 = arith.constant 0 : i32
      %dma_start3A_222 = tpu.memref_slice %arg8[%rem3A_135, %dma_start3A_220, %dma_start3A_221] : memref<2x640x16xf32, #tpu.memory_space<vmem>> -> memref<1x128x16xf32, #tpu.memory_space<vmem>>
      %dma_start3A_223 = tpu.memref_squeeze %dma_start3A_222 : memref<1x128x16xf32, #tpu.memory_space<vmem>> -> memref<128x16xf32, #tpu.memory_space<vmem>>
      %dma_start3A_224 = arith.constant 0 : i32
      %dma_start3A_225 = tpu.memref_slice %arg7[%rem3A_137, %dma_start3A_218, %dma_start3A_219, %dma_start3A_224] : memref<3x5x2x128xi32, #tpu.memory_space<vmem>> -> memref<1x1x1x128xi32, #tpu.memory_space<vmem>>
      %dma_start3A_226 = tpu.memref_squeeze %dma_start3A_225 : memref<1x1x1x128xi32, #tpu.memory_space<vmem>> -> memref<128xi32, #tpu.memory_space<vmem>>
      %dma_start3A_227 = arith.constant 0 : i32
      %dma_start3A_228 = arith.constant 0 : i32
      %dma_start3A_229 = tpu.memref_slice %arg4[%dma_start3A_227, %dma_start3A_228] : memref<100352x16xf32, #tpu.memory_space<hbm>> -> memref<100352x16xf32, #tpu.memory_space<hbm>>
      tpu.enqueue_indirect_dma source(%dma_start3A_229 : memref<100352x16xf32, #tpu.memory_space<hbm>>) target(%dma_start3A_223 : memref<128x16xf32, #tpu.memory_space<vmem>>) offsets(%dma_start3A_226 : memref<128xi32, #tpu.memory_space<vmem>>) semaphore(%arg11 : memref<!tpu.dma_semaphore, #tpu.memory_space<semaphore_mem>>)
      %dma_start3A_230 = arith.constant 4 : i32
      %dma_start3A_231 = arith.constant 0 : i32
      %dma_start3A_232 = arith.constant 512 : i32
      %dma_start3A_233 = arith.constant 0 : i32
      %dma_start3A_234 = tpu.memref_slice %arg8[%rem3A_135, %dma_start3A_232, %dma_start3A_233] : memref<2x640x16xf32, #tpu.memory_space<vmem>> -> memref<1x128x16xf32, #tpu.memory_space<vmem>>
      %dma_start3A_235 = tpu.memref_squeeze %dma_start3A_234 : memref<1x128x16xf32, #tpu.memory_space<vmem>> -> memref<128x16xf32, #tpu.memory_space<vmem>>
      %dma_start3A_236 = arith.constant 0 : i32
      %dma_start3A_237 = tpu.memref_slice %arg7[%rem3A_137, %dma_start3A_230, %dma_start3A_231, %dma_start3A_236] : memref<3x5x2x128xi32, #tpu.memory_space<vmem>> -> memref<1x1x1x128xi32, #tpu.memory_space<vmem>>
      %dma_start3A_238 = tpu.memref_squeeze %dma_start3A_237 : memref<1x1x1x128xi32, #tpu.memory_space<vmem>> -> memref<128xi32, #tpu.memory_space<vmem>>
      %dma_start3A_239 = arith.constant 0 : i32
      %dma_start3A_240 = arith.constant 0 : i32
      %dma_start3A_241 = tpu.memref_slice %arg4[%dma_start3A_239, %dma_start3A_240] : memref<100352x16xf32, #tpu.memory_space<hbm>> -> memref<100352x16xf32, #tpu.memory_space<hbm>>
      tpu.enqueue_indirect_dma source(%dma_start3A_241 : memref<100352x16xf32, #tpu.memory_space<hbm>>) target(%dma_start3A_235 : memref<128x16xf32, #tpu.memory_space<vmem>>) offsets(%dma_start3A_238 : memref<128xi32, #tpu.memory_space<vmem>>) semaphore(%arg11 : memref<!tpu.dma_semaphore, #tpu.memory_space<semaphore_mem>>)
    }
    %scan3A_19 = arith.constant 80 : i32
    %dma_wait3A = arith.constant 0 : i32
    %dma_wait3A_20 = arith.constant 0 : i32
    %dma_wait3A_21 = arith.constant 0 : i32
    %dma_wait3A_22 = tpu.memref_slice %arg8[%dma_wait3A, %dma_wait3A_20, %dma_wait3A_21] : memref<2x640x16xf32, #tpu.memory_space<vmem>> -> memref<1x640x16xf32, #tpu.memory_space<vmem>>
    %dma_wait3A_23 = tpu.memref_squeeze %dma_wait3A_22 : memref<1x640x16xf32, #tpu.memory_space<vmem>> -> memref<640x16xf32, #tpu.memory_space<vmem>>
    %dma_wait3A_24 = arith.constant 0 : i32
    %dma_wait3A_25 = arith.constant 0 : i32
    %dma_wait3A_26 = tpu.memref_slice %arg4[%dma_wait3A_24, %dma_wait3A_25] : memref<100352x16xf32, #tpu.memory_space<hbm>> -> memref<640x16xf32, #tpu.memory_space<hbm>>
    %dma_wait3A_27 = arith.constant 0 : i32
    %dma_wait3A_28 = arith.constant 0 : i32
    %dma_wait3A_29 = tpu.memref_slice %arg8[%dma_wait3A, %dma_wait3A_27, %dma_wait3A_28] : memref<2x640x16xf32, #tpu.memory_space<vmem>> -> memref<1x640x16xf32, #tpu.memory_space<vmem>>
    %dma_wait3A_30 = tpu.memref_squeeze %dma_wait3A_29 : memref<1x640x16xf32, #tpu.memory_space<vmem>> -> memref<640x16xf32, #tpu.memory_space<vmem>>
    %dma_wait3A_31 = arith.constant 0 : i32
    %dma_wait3A_32 = arith.constant 0 : i32
    %dma_wait3A_33 = tpu.memref_slice %arg4[%dma_wait3A_31, %dma_wait3A_32] : memref<100352x16xf32, #tpu.memory_space<hbm>> -> memref<640x16xf32, #tpu.memory_space<hbm>>
    tpu.wait_dma2 semaphore(%arg12 : memref<!tpu.dma_semaphore, #tpu.memory_space<semaphore_mem>>) src(%dma_wait3A_33 : memref<640x16xf32, #tpu.memory_space<hbm>>) dst(%dma_wait3A_30 : memref<640x16xf32, #tpu.memory_space<vmem>>)
    %dma_wait3A_34 = arith.constant 0 : i32
    %dma_wait3A_35 = arith.constant 0 : i32
    %dma_wait3A_36 = arith.constant 0 : i32
    %dma_wait3A_37 = tpu.memref_slice %arg8[%dma_wait3A_34, %dma_wait3A_35, %dma_wait3A_36] : memref<2x640x16xf32, #tpu.memory_space<vmem>> -> memref<1x640x16xf32, #tpu.memory_space<vmem>>
    %dma_wait3A_38 = tpu.memref_squeeze %dma_wait3A_37 : memref<1x640x16xf32, #tpu.memory_space<vmem>> -> memref<640x16xf32, #tpu.memory_space<vmem>>
    %dma_wait3A_39 = arith.constant 0 : i32
    %dma_wait3A_40 = arith.constant 0 : i32
    %dma_wait3A_41 = tpu.memref_slice %arg4[%dma_wait3A_39, %dma_wait3A_40] : memref<100352x16xf32, #tpu.memory_space<hbm>> -> memref<640x16xf32, #tpu.memory_space<hbm>>
    %dma_wait3A_42 = arith.constant 0 : i32
    %dma_wait3A_43 = arith.constant 0 : i32
    %dma_wait3A_44 = tpu.memref_slice %arg8[%dma_wait3A_34, %dma_wait3A_42, %dma_wait3A_43] : memref<2x640x16xf32, #tpu.memory_space<vmem>> -> memref<1x640x16xf32, #tpu.memory_space<vmem>>
    %dma_wait3A_45 = tpu.memref_squeeze %dma_wait3A_44 : memref<1x640x16xf32, #tpu.memory_space<vmem>> -> memref<640x16xf32, #tpu.memory_space<vmem>>
    %dma_wait3A_46 = arith.constant 0 : i32
    %dma_wait3A_47 = arith.constant 0 : i32
    %dma_wait3A_48 = tpu.memref_slice %arg4[%dma_wait3A_46, %dma_wait3A_47] : memref<100352x16xf32, #tpu.memory_space<hbm>> -> memref<640x16xf32, #tpu.memory_space<hbm>>
    tpu.wait_dma2 semaphore(%arg11 : memref<!tpu.dma_semaphore, #tpu.memory_space<semaphore_mem>>) src(%dma_wait3A_48 : memref<640x16xf32, #tpu.memory_space<hbm>>) dst(%dma_wait3A_45 : memref<640x16xf32, #tpu.memory_space<vmem>>)
    %dma_start3A = arith.constant 1 : i32
    %dma_start3A_49 = arith.constant 1 : i32
    %dma_start3A_50 = arith.constant 0 : i32
    %dma_start3A_51 = arith.constant 1 : i32
    %dma_start3A_52 = arith.constant 0 : i32
    %dma_start3A_53 = arith.constant 0 : i32
    %dma_start3A_54 = tpu.memref_slice %arg8[%dma_start3A, %dma_start3A_52, %dma_start3A_53] : memref<2x640x16xf32, #tpu.memory_space<vmem>> -> memref<1x128x16xf32, #tpu.memory_space<vmem>>
    %dma_start3A_55 = tpu.memref_squeeze %dma_start3A_54 : memref<1x128x16xf32, #tpu.memory_space<vmem>> -> memref<128x16xf32, #tpu.memory_space<vmem>>
    %dma_start3A_56 = arith.constant 0 : i32
    %dma_start3A_57 = tpu.memref_slice %arg7[%dma_start3A_49, %dma_start3A_50, %dma_start3A_51, %dma_start3A_56] : memref<3x5x2x128xi32, #tpu.memory_space<vmem>> -> memref<1x1x1x128xi32, #tpu.memory_space<vmem>>
    %dma_start3A_58 = tpu.memref_squeeze %dma_start3A_57 : memref<1x1x1x128xi32, #tpu.memory_space<vmem>> -> memref<128xi32, #tpu.memory_space<vmem>>
    %dma_start3A_59 = arith.constant 0 : i32
    %dma_start3A_60 = arith.constant 0 : i32
    %dma_start3A_61 = tpu.memref_slice %arg9[%dma_start3A_59, %dma_start3A_60] : memref<100352x16xf32, #tpu.memory_space<vmem_shared>> -> memref<100352x16xf32, #tpu.memory_space<vmem_shared>>
    tpu.enqueue_indirect_dma source(%dma_start3A_55 : memref<128x16xf32, #tpu.memory_space<vmem>>) target(%dma_start3A_61 : memref<100352x16xf32, #tpu.memory_space<vmem_shared>>) offsets(%dma_start3A_58 : memref<128xi32, #tpu.memory_space<vmem>>) semaphore(%arg12 : memref<!tpu.dma_semaphore, #tpu.memory_space<semaphore_mem>>) {add = true}
    %dma_start3A_62 = arith.constant 1 : i32
    %dma_start3A_63 = arith.constant 1 : i32
    %dma_start3A_64 = arith.constant 1 : i32
    %dma_start3A_65 = arith.constant 1 : i32
    %dma_start3A_66 = arith.constant 128 : i32
    %dma_start3A_67 = arith.constant 0 : i32
    %dma_start3A_68 = tpu.memref_slice %arg8[%dma_start3A_62, %dma_start3A_66, %dma_start3A_67] : memref<2x640x16xf32, #tpu.memory_space<vmem>> -> memref<1x128x16xf32, #tpu.memory_space<vmem>>
    %dma_start3A_69 = tpu.memref_squeeze %dma_start3A_68 : memref<1x128x16xf32, #tpu.memory_space<vmem>> -> memref<128x16xf32, #tpu.memory_space<vmem>>
    %dma_start3A_70 = arith.constant 0 : i32
    %dma_start3A_71 = tpu.memref_slice %arg7[%dma_start3A_63, %dma_start3A_64, %dma_start3A_65, %dma_start3A_70] : memref<3x5x2x128xi32, #tpu.memory_space<vmem>> -> memref<1x1x1x128xi32, #tpu.memory_space<vmem>>
    %dma_start3A_72 = tpu.memref_squeeze %dma_start3A_71 : memref<1x1x1x128xi32, #tpu.memory_space<vmem>> -> memref<128xi32, #tpu.memory_space<vmem>>
    %dma_start3A_73 = arith.constant 0 : i32
    %dma_start3A_74 = arith.constant 0 : i32
    %dma_start3A_75 = tpu.memref_slice %arg9[%dma_start3A_73, %dma_start3A_74] : memref<100352x16xf32, #tpu.memory_space<vmem_shared>> -> memref<100352x16xf32, #tpu.memory_space<vmem_shared>>
    tpu.enqueue_indirect_dma source(%dma_start3A_69 : memref<128x16xf32, #tpu.memory_space<vmem>>) target(%dma_start3A_75 : memref<100352x16xf32, #tpu.memory_space<vmem_shared>>) offsets(%dma_start3A_72 : memref<128xi32, #tpu.memory_space<vmem>>) semaphore(%arg12 : memref<!tpu.dma_semaphore, #tpu.memory_space<semaphore_mem>>) {add = true}
    %dma_start3A_76 = arith.constant 1 : i32
    %dma_start3A_77 = arith.constant 1 : i32
    %dma_start3A_78 = arith.constant 2 : i32
    %dma_start3A_79 = arith.constant 1 : i32
    %dma_start3A_80 = arith.constant 256 : i32
    %dma_start3A_81 = arith.constant 0 : i32
    %dma_start3A_82 = tpu.memref_slice %arg8[%dma_start3A_76, %dma_start3A_80, %dma_start3A_81] : memref<2x640x16xf32, #tpu.memory_space<vmem>> -> memref<1x128x16xf32, #tpu.memory_space<vmem>>
    %dma_start3A_83 = tpu.memref_squeeze %dma_start3A_82 : memref<1x128x16xf32, #tpu.memory_space<vmem>> -> memref<128x16xf32, #tpu.memory_space<vmem>>
    %dma_start3A_84 = arith.constant 0 : i32
    %dma_start3A_85 = tpu.memref_slice %arg7[%dma_start3A_77, %dma_start3A_78, %dma_start3A_79, %dma_start3A_84] : memref<3x5x2x128xi32, #tpu.memory_space<vmem>> -> memref<1x1x1x128xi32, #tpu.memory_space<vmem>>
    %dma_start3A_86 = tpu.memref_squeeze %dma_start3A_85 : memref<1x1x1x128xi32, #tpu.memory_space<vmem>> -> memref<128xi32, #tpu.memory_space<vmem>>
    %dma_start3A_87 = arith.constant 0 : i32
    %dma_start3A_88 = arith.constant 0 : i32
    %dma_start3A_89 = tpu.memref_slice %arg9[%dma_start3A_87, %dma_start3A_88] : memref<100352x16xf32, #tpu.memory_space<vmem_shared>> -> memref<100352x16xf32, #tpu.memory_space<vmem_shared>>
    tpu.enqueue_indirect_dma source(%dma_start3A_83 : memref<128x16xf32, #tpu.memory_space<vmem>>) target(%dma_start3A_89 : memref<100352x16xf32, #tpu.memory_space<vmem_shared>>) offsets(%dma_start3A_86 : memref<128xi32, #tpu.memory_space<vmem>>) semaphore(%arg12 : memref<!tpu.dma_semaphore, #tpu.memory_space<semaphore_mem>>) {add = true}
    %dma_start3A_90 = arith.constant 1 : i32
    %dma_start3A_91 = arith.constant 1 : i32
    %dma_start3A_92 = arith.constant 3 : i32
    %dma_start3A_93 = arith.constant 1 : i32
    %dma_start3A_94 = arith.constant 384 : i32
    %dma_start3A_95 = arith.constant 0 : i32
    %dma_start3A_96 = tpu.memref_slice %arg8[%dma_start3A_90, %dma_start3A_94, %dma_start3A_95] : memref<2x640x16xf32, #tpu.memory_space<vmem>> -> memref<1x128x16xf32, #tpu.memory_space<vmem>>
    %dma_start3A_97 = tpu.memref_squeeze %dma_start3A_96 : memref<1x128x16xf32, #tpu.memory_space<vmem>> -> memref<128x16xf32, #tpu.memory_space<vmem>>
    %dma_start3A_98 = arith.constant 0 : i32
    %dma_start3A_99 = tpu.memref_slice %arg7[%dma_start3A_91, %dma_start3A_92, %dma_start3A_93, %dma_start3A_98] : memref<3x5x2x128xi32, #tpu.memory_space<vmem>> -> memref<1x1x1x128xi32, #tpu.memory_space<vmem>>
    %dma_start3A_100 = tpu.memref_squeeze %dma_start3A_99 : memref<1x1x1x128xi32, #tpu.memory_space<vmem>> -> memref<128xi32, #tpu.memory_space<vmem>>
    %dma_start3A_101 = arith.constant 0 : i32
    %dma_start3A_102 = arith.constant 0 : i32
    %dma_start3A_103 = tpu.memref_slice %arg9[%dma_start3A_101, %dma_start3A_102] : memref<100352x16xf32, #tpu.memory_space<vmem_shared>> -> memref<100352x16xf32, #tpu.memory_space<vmem_shared>>
    tpu.enqueue_indirect_dma source(%dma_start3A_97 : memref<128x16xf32, #tpu.memory_space<vmem>>) target(%dma_start3A_103 : memref<100352x16xf32, #tpu.memory_space<vmem_shared>>) offsets(%dma_start3A_100 : memref<128xi32, #tpu.memory_space<vmem>>) semaphore(%arg12 : memref<!tpu.dma_semaphore, #tpu.memory_space<semaphore_mem>>) {add = true}
    %dma_start3A_104 = arith.constant 1 : i32
    %dma_start3A_105 = arith.constant 1 : i32
    %dma_start3A_106 = arith.constant 4 : i32
    %dma_start3A_107 = arith.constant 1 : i32
    %dma_start3A_108 = arith.constant 512 : i32
    %dma_start3A_109 = arith.constant 0 : i32
    %dma_start3A_110 = tpu.memref_slice %arg8[%dma_start3A_104, %dma_start3A_108, %dma_start3A_109] : memref<2x640x16xf32, #tpu.memory_space<vmem>> -> memref<1x128x16xf32, #tpu.memory_space<vmem>>
    %dma_start3A_111 = tpu.memref_squeeze %dma_start3A_110 : memref<1x128x16xf32, #tpu.memory_space<vmem>> -> memref<128x16xf32, #tpu.memory_space<vmem>>
    %dma_start3A_112 = arith.constant 0 : i32
    %dma_start3A_113 = tpu.memref_slice %arg7[%dma_start3A_105, %dma_start3A_106, %dma_start3A_107, %dma_start3A_112] : memref<3x5x2x128xi32, #tpu.memory_space<vmem>> -> memref<1x1x1x128xi32, #tpu.memory_space<vmem>>
    %dma_start3A_114 = tpu.memref_squeeze %dma_start3A_113 : memref<1x1x1x128xi32, #tpu.memory_space<vmem>> -> memref<128xi32, #tpu.memory_space<vmem>>
    %dma_start3A_115 = arith.constant 0 : i32
    %dma_start3A_116 = arith.constant 0 : i32
    %dma_start3A_117 = tpu.memref_slice %arg9[%dma_start3A_115, %dma_start3A_116] : memref<100352x16xf32, #tpu.memory_space<vmem_shared>> -> memref<100352x16xf32, #tpu.memory_space<vmem_shared>>
    tpu.enqueue_indirect_dma source(%dma_start3A_111 : memref<128x16xf32, #tpu.memory_space<vmem>>) target(%dma_start3A_117 : memref<100352x16xf32, #tpu.memory_space<vmem_shared>>) offsets(%dma_start3A_114 : memref<128xi32, #tpu.memory_space<vmem>>) semaphore(%arg12 : memref<!tpu.dma_semaphore, #tpu.memory_space<semaphore_mem>>) {add = true}
    %dma_wait3A_118 = arith.constant 0 : i32
    %dma_wait3A_119 = arith.constant 0 : i32
    %dma_wait3A_120 = arith.constant 0 : i32
    %dma_wait3A_121 = tpu.memref_slice %arg8[%dma_wait3A_118, %dma_wait3A_119, %dma_wait3A_120] : memref<2x640x16xf32, #tpu.memory_space<vmem>> -> memref<1x640x16xf32, #tpu.memory_space<vmem>>
    %dma_wait3A_122 = tpu.memref_squeeze %dma_wait3A_121 : memref<1x640x16xf32, #tpu.memory_space<vmem>> -> memref<640x16xf32, #tpu.memory_space<vmem>>
    %dma_wait3A_123 = arith.constant 0 : i32
    %dma_wait3A_124 = arith.constant 0 : i32
    %dma_wait3A_125 = tpu.memref_slice %arg4[%dma_wait3A_123, %dma_wait3A_124] : memref<100352x16xf32, #tpu.memory_space<hbm>> -> memref<640x16xf32, #tpu.memory_space<hbm>>
    %dma_wait3A_126 = arith.constant 0 : i32
    %dma_wait3A_127 = arith.constant 0 : i32
    %dma_wait3A_128 = tpu.memref_slice %arg8[%dma_wait3A_118, %dma_wait3A_126, %dma_wait3A_127] : memref<2x640x16xf32, #tpu.memory_space<vmem>> -> memref<1x640x16xf32, #tpu.memory_space<vmem>>
    %dma_wait3A_129 = tpu.memref_squeeze %dma_wait3A_128 : memref<1x640x16xf32, #tpu.memory_space<vmem>> -> memref<640x16xf32, #tpu.memory_space<vmem>>
    %dma_wait3A_130 = arith.constant 0 : i32
    %dma_wait3A_131 = arith.constant 0 : i32
    %dma_wait3A_132 = tpu.memref_slice %arg4[%dma_wait3A_130, %dma_wait3A_131] : memref<100352x16xf32, #tpu.memory_space<hbm>> -> memref<640x16xf32, #tpu.memory_space<hbm>>
    tpu.wait_dma2 semaphore(%arg12 : memref<!tpu.dma_semaphore, #tpu.memory_space<semaphore_mem>>) src(%dma_wait3A_132 : memref<640x16xf32, #tpu.memory_space<hbm>>) dst(%dma_wait3A_129 : memref<640x16xf32, #tpu.memory_space<vmem>>)
    %barrier3A_133 = arith.constant 0 : index
    tpu.barrier barrier_id(%barrier3A_133)
    "tpu.region"() ({
      %run_scoped3A = tpu.sem_alloc : memref<!tpu.dma_semaphore, #tpu.memory_space<semaphore_mem>>
      %dma_start3A_134 = arith.constant 0 : i32
      %dma_start3A_135 = tpu.memref_slice %arg6[%arg0, %mul3A_0, %dma_start3A_134] : memref<2x100352x16xf32, #tpu.memory_space<hbm>> -> memref<1x6272x16xf32, #tpu.memory_space<hbm>>
      %dma_start3A_136 = tpu.memref_squeeze %dma_start3A_135 : memref<1x6272x16xf32, #tpu.memory_space<hbm>> -> memref<6272x16xf32, #tpu.memory_space<hbm>>
      %dma_start3A_137 = arith.constant 0 : i32
      %dma_start3A_138 = tpu.memref_slice %arg9[%mul3A_0, %dma_start3A_137] : memref<100352x16xf32, #tpu.memory_space<vmem_shared>> -> memref<6272x16xf32, #tpu.memory_space<vmem_shared>>
      tpu.enqueue_dma source(%dma_start3A_138 : memref<6272x16xf32, #tpu.memory_space<vmem_shared>>) target(%dma_start3A_136 : memref<6272x16xf32, #tpu.memory_space<hbm>>) target_semaphore(%run_scoped3A : memref<!tpu.dma_semaphore, #tpu.memory_space<semaphore_mem>>)
      %dma_wait3A_139 = arith.constant 0 : i32
      %dma_wait3A_140 = tpu.memref_slice %arg6[%arg0, %mul3A_0, %dma_wait3A_139] : memref<2x100352x16xf32, #tpu.memory_space<hbm>> -> memref<1x6272x16xf32, #tpu.memory_space<hbm>>
      %dma_wait3A_141 = tpu.memref_squeeze %dma_wait3A_140 : memref<1x6272x16xf32, #tpu.memory_space<hbm>> -> memref<6272x16xf32, #tpu.memory_space<hbm>>
      %dma_wait3A_142 = arith.constant 0 : i32
      %dma_wait3A_143 = tpu.memref_slice %arg9[%mul3A_0, %dma_wait3A_142] : memref<100352x16xf32, #tpu.memory_space<vmem_shared>> -> memref<6272x16xf32, #tpu.memory_space<vmem_shared>>
      tpu.wait_dma2 semaphore(%run_scoped3A : memref<!tpu.dma_semaphore, #tpu.memory_space<semaphore_mem>>) src(%dma_wait3A_143 : memref<6272x16xf32, #tpu.memory_space<vmem_shared>>) dst(%dma_wait3A_141 : memref<6272x16xf32, #tpu.memory_space<hbm>>)
      tpu.yield
    }) : () -> ()
    return
  }
}

module attributes {stable_mosaic.version = 14 : i64} {
  func.func @body(%arg0: i32, %arg1: memref<2x896x128xf32, #tpu.memory_space<vmem>>, %arg2: memref<2x896x128xf32, #tpu.memory_space<vmem>>, %arg3: memref<2x896x128xf32, #tpu.memory_space<vmem>>, %arg4: memref<896x128xf32, #tpu.memory_space<vmem>>) attributes {dimension_semantics = [#tpu.dimension_semantics<arbitrary>], iteration_bounds = array<i64: 14>, scalar_prefetch = 0 : i64, scratch_operands = 0 : i64, tpu.core_type = #tpu.core_type<tc>, window_params = [{transform_indices = @transform_0, window_bounds = array<i64: 2, 896, 128>}, {transform_indices = @transform_1, window_bounds = array<i64: 2, 896, 128>}, {transform_indices = @transform_2, window_bounds = array<i64: 2, 896, 128>}, {transform_indices = @transform_3, window_bounds = array<i64: 896, 128>}]} {
    %get3A = arith.constant 0 : index
    %get3A_0 = arith.constant 0 : index
    %get3A_1 = arith.constant 0 : index
    %get3A_2 = vector.load %arg2[%get3A, %get3A_0, %get3A_1] : memref<2x896x128xf32, #tpu.memory_space<vmem>>, vector<1x896x128xf32>
    %get3A_3 = vector.shape_cast %get3A_2 : vector<1x896x128xf32> to vector<896x128xf32>
    %get3A_4 = arith.constant 1 : index
    %get3A_5 = arith.constant 0 : index
    %get3A_6 = arith.constant 0 : index
    %get3A_7 = vector.load %arg2[%get3A_4, %get3A_5, %get3A_6] : memref<2x896x128xf32, #tpu.memory_space<vmem>>, vector<1x896x128xf32>
    %get3A_8 = vector.shape_cast %get3A_7 : vector<1x896x128xf32> to vector<896x128xf32>
    %add3A = arith.addf %get3A_3, %get3A_8 : vector<896x128xf32>
    %add3A_9 = arith.constant 1.000000e+00 : f32
    %add3A_10 = vector.broadcast %add3A_9 : f32 to vector<896x128xf32>
    %add3A_11 = arith.addf %add3A, %add3A_10 : vector<896x128xf32>
    %rsqrt3A = math.rsqrt %add3A_11 : vector<896x128xf32>
    %swap3A = arith.constant 0 : index
    %swap3A_12 = arith.constant 0 : index
    %swap3A_13 = vector.load %arg4[%swap3A, %swap3A_12] : memref<896x128xf32, #tpu.memory_space<vmem>>, vector<896x128xf32>
    tpu.vector_store %arg4[%swap3A, %swap3A_12], %rsqrt3A {strides = array<i32>} : memref<896x128xf32, #tpu.memory_space<vmem>>, vector<896x128xf32>,
    %get3A_14 = arith.constant 0 : index
    %get3A_15 = arith.constant 0 : index
    %get3A_16 = arith.constant 0 : index
    %get3A_17 = vector.load %arg1[%get3A_14, %get3A_15, %get3A_16] : memref<2x896x128xf32, #tpu.memory_space<vmem>>, vector<1x896x128xf32>
    %get3A_18 = vector.shape_cast %get3A_17 : vector<1x896x128xf32> to vector<896x128xf32>
    %mul3A = arith.mulf %get3A_18, %rsqrt3A : vector<896x128xf32>
    %swap3A_19 = arith.constant 0 : index
    %swap3A_20 = arith.constant 0 : index
    %swap3A_21 = arith.constant 0 : index
    %swap3A_22 = vector.load %arg3[%swap3A_19, %swap3A_20, %swap3A_21] : memref<2x896x128xf32, #tpu.memory_space<vmem>>, vector<1x896x128xf32>
    %swap3A_23 = vector.shape_cast %swap3A_22 : vector<1x896x128xf32> to vector<896x128xf32>
    %swap3A_24 = vector.shape_cast %mul3A : vector<896x128xf32> to vector<1x896x128xf32>
    tpu.vector_store %arg3[%swap3A_19, %swap3A_20, %swap3A_21], %swap3A_24 {strides = array<i32>} : memref<2x896x128xf32, #tpu.memory_space<vmem>>, vector<1x896x128xf32>,
    %get3A_25 = arith.constant 1 : index
    %get3A_26 = arith.constant 0 : index
    %get3A_27 = arith.constant 0 : index
    %get3A_28 = vector.load %arg1[%get3A_25, %get3A_26, %get3A_27] : memref<2x896x128xf32, #tpu.memory_space<vmem>>, vector<1x896x128xf32>
    %get3A_29 = vector.shape_cast %get3A_28 : vector<1x896x128xf32> to vector<896x128xf32>
    %mul3A_30 = arith.mulf %get3A_29, %rsqrt3A : vector<896x128xf32>
    %swap3A_31 = arith.constant 1 : index
    %swap3A_32 = arith.constant 0 : index
    %swap3A_33 = arith.constant 0 : index
    %swap3A_34 = vector.load %arg3[%swap3A_31, %swap3A_32, %swap3A_33] : memref<2x896x128xf32, #tpu.memory_space<vmem>>, vector<1x896x128xf32>
    %swap3A_35 = vector.shape_cast %swap3A_34 : vector<1x896x128xf32> to vector<896x128xf32>
    %swap3A_36 = vector.shape_cast %mul3A_30 : vector<896x128xf32> to vector<1x896x128xf32>
    tpu.vector_store %arg3[%swap3A_31, %swap3A_32, %swap3A_33], %swap3A_36 {strides = array<i32>} : memref<2x896x128xf32, #tpu.memory_space<vmem>>, vector<1x896x128xf32>,
    return
  }
  func.func @transform_0(%arg0: i32) -> (i32, i32, i32) {
    %c0_i32 = arith.constant 0 : i32
    %c0_i32_0 = arith.constant 0 : i32
    %c0_i32_1 = arith.constant 0 : i32
    return %c0_i32, %arg0, %c0_i32_0 : i32, i32, i32
  }
  func.func @transform_1(%arg0: i32) -> (i32, i32, i32) {
    %c0_i32 = arith.constant 0 : i32
    %c0_i32_0 = arith.constant 0 : i32
    %c0_i32_1 = arith.constant 0 : i32
    return %c0_i32, %arg0, %c0_i32_0 : i32, i32, i32
  }
  func.func @transform_2(%arg0: i32) -> (i32, i32, i32) {
    %c0_i32 = arith.constant 0 : i32
    %c0_i32_0 = arith.constant 0 : i32
    %c0_i32_1 = arith.constant 0 : i32
    return %c0_i32, %arg0, %c0_i32_0 : i32, i32, i32
  }
  func.func @transform_3(%arg0: i32) -> (i32, i32) {
    %c0_i32 = arith.constant 0 : i32
    %c0_i32_0 = arith.constant 0 : i32
    return %arg0, %c0_i32 : i32, i32
  }
}

module attributes {stable_mosaic.version = 14 : i64} {
  func.func @body(%arg0: i32, %arg1: memref<2x896x128xf32, #tpu.memory_space<vmem>>, %arg2: memref<2x896x128xf32, #tpu.memory_space<vmem>>, %arg3: memref<896x128xf32, #tpu.memory_space<vmem>>, %arg4: memref<2x128x512xf32, #tpu.memory_space<vmem>>, %arg5: memref<1x512xf32, #tpu.memory_space<vmem>>, %arg6: memref<512x128xf32, #tpu.memory_space<vmem>>, %arg7: memref<896x128xf32, #tpu.memory_space<vmem>>) attributes {dimension_semantics = [#tpu.dimension_semantics<arbitrary>], iteration_bounds = array<i64: 14>, scalar_prefetch = 0 : i64, scratch_operands = 0 : i64, tpu.core_type = #tpu.core_type<tc>, window_params = [{transform_indices = @transform_0, window_bounds = array<i64: 2, 896, 128>}, {transform_indices = @transform_1, window_bounds = array<i64: 2, 896, 128>}, {transform_indices = @transform_2, window_bounds = array<i64: 896, 128>}, {pipeline_mode = #tpu.pipeline_mode<synchronous>, transform_indices = @transform_3, window_bounds = array<i64: 2, 128, 512>}, {pipeline_mode = #tpu.pipeline_mode<synchronous>, transform_indices = @transform_4, window_bounds = array<i64: 1, 512>}, {pipeline_mode = #tpu.pipeline_mode<synchronous>, transform_indices = @transform_5, window_bounds = array<i64: 512, 128>}, {transform_indices = @transform_6, window_bounds = array<i64: 896, 128>}]} {
    %get3A = arith.constant 0 : index
    %get3A_0 = arith.constant 0 : index
    %get3A_1 = vector.load %arg3[%get3A, %get3A_0] : memref<896x128xf32, #tpu.memory_space<vmem>>, vector<896x128xf32>
    %get3A_2 = arith.constant 0 : index
    %get3A_3 = arith.constant 0 : index
    %get3A_4 = arith.constant 0 : index
    %get3A_5 = vector.load %arg1[%get3A_2, %get3A_3, %get3A_4] : memref<2x896x128xf32, #tpu.memory_space<vmem>>, vector<1x896x128xf32>
    %get3A_6 = vector.shape_cast %get3A_5 : vector<1x896x128xf32> to vector<896x128xf32>
    %get3A_7 = arith.constant 0 : index
    %get3A_8 = arith.constant 0 : index
    %get3A_9 = arith.constant 0 : index
    %get3A_10 = vector.load %arg2[%get3A_7, %get3A_8, %get3A_9] : memref<2x896x128xf32, #tpu.memory_space<vmem>>, vector<1x896x128xf32>
    %get3A_11 = vector.shape_cast %get3A_10 : vector<1x896x128xf32> to vector<896x128xf32>
    %add3A = arith.addf %get3A_6, %get3A_11 : vector<896x128xf32>
    %mul3A = arith.mulf %add3A, %get3A_1 : vector<896x128xf32>
    %get3A_12 = arith.constant 1 : index
    %get3A_13 = arith.constant 0 : index
    %get3A_14 = arith.constant 0 : index
    %get3A_15 = vector.load %arg1[%get3A_12, %get3A_13, %get3A_14] : memref<2x896x128xf32, #tpu.memory_space<vmem>>, vector<1x896x128xf32>
    %get3A_16 = vector.shape_cast %get3A_15 : vector<1x896x128xf32> to vector<896x128xf32>
    %get3A_17 = arith.constant 1 : index
    %get3A_18 = arith.constant 0 : index
    %get3A_19 = arith.constant 0 : index
    %get3A_20 = vector.load %arg2[%get3A_17, %get3A_18, %get3A_19] : memref<2x896x128xf32, #tpu.memory_space<vmem>>, vector<1x896x128xf32>
    %get3A_21 = vector.shape_cast %get3A_20 : vector<1x896x128xf32> to vector<896x128xf32>
    %add3A_22 = arith.addf %get3A_16, %get3A_21 : vector<896x128xf32>
    %mul3A_23 = arith.mulf %add3A_22, %get3A_1 : vector<896x128xf32>
    %get3A_24 = arith.constant 0 : index
    %get3A_25 = arith.constant 0 : index
    %get3A_26 = arith.constant 0 : index
    %get3A_27 = vector.load %arg4[%get3A_24, %get3A_25, %get3A_26] : memref<2x128x512xf32, #tpu.memory_space<vmem>>, vector<1x128x512xf32>
    %get3A_28 = vector.shape_cast %get3A_27 : vector<1x128x512xf32> to vector<128x512xf32>
    %dot_general3A = arith.constant dense<0.000000e+00> : vector<896x512xf32>
    %dot_general3A_29 = tpu.matmul %mul3A, %get3A_28, %dot_general3A {dimension_numbers = #tpu.dot_dimension_numbers<[1], [0], [0], [1], [0, 0, 1, 1], [], []>, transpose_lhs_hint = false} : vector<896x128xf32>, vector<128x512xf32>, vector<896x512xf32> -> vector<896x512xf32>
    %get3A_30 = arith.constant 1 : index
    %get3A_31 = arith.constant 0 : index
    %get3A_32 = arith.constant 0 : index
    %get3A_33 = vector.load %arg4[%get3A_30, %get3A_31, %get3A_32] : memref<2x128x512xf32, #tpu.memory_space<vmem>>, vector<1x128x512xf32>
    %get3A_34 = vector.shape_cast %get3A_33 : vector<1x128x512xf32> to vector<128x512xf32>
    %dot_general3A_35 = arith.constant dense<0.000000e+00> : vector<896x512xf32>
    %dot_general3A_36 = tpu.matmul %mul3A_23, %get3A_34, %dot_general3A_35 {dimension_numbers = #tpu.dot_dimension_numbers<[1], [0], [0], [1], [0, 0, 1, 1], [], []>, transpose_lhs_hint = false} : vector<896x128xf32>, vector<128x512xf32>, vector<896x512xf32> -> vector<896x512xf32>
    %add3A_37 = arith.addf %dot_general3A_29, %dot_general3A_36 : vector<896x512xf32>
    %get3A_38 = arith.constant 0 : index
    %get3A_39 = arith.constant 0 : index
    %get3A_40 = vector.load %arg5[%get3A_38, %get3A_39] : memref<1x512xf32, #tpu.memory_space<vmem>>, vector<1x512xf32>
    %get3A_41 = vector.shape_cast %get3A_40 : vector<1x512xf32> to vector<512xf32>
    %broadcast_in_dim3A = vector.shape_cast %get3A_41 : vector<512xf32> to vector<1x512xf32>
    %add3A_42 = vector.broadcast %broadcast_in_dim3A : vector<1x512xf32> to vector<896x512xf32>
    %add3A_43 = arith.addf %add3A_37, %add3A_42 : vector<896x512xf32>
    %max3A = arith.constant 0.000000e+00 : f32
    %max3A_44 = vector.broadcast %max3A : f32 to vector<896x512xf32>
    %max3A_45 = arith.maximumf %add3A_43, %max3A_44 : vector<896x512xf32>
    %get3A_46 = arith.constant 0 : index
    %get3A_47 = arith.constant 0 : index
    %get3A_48 = vector.load %arg6[%get3A_46, %get3A_47] : memref<512x128xf32, #tpu.memory_space<vmem>>, vector<512x128xf32>
    %dot_general3A_49 = arith.constant dense<0.000000e+00> : vector<896x128xf32>
    %dot_general3A_50 = tpu.matmul %max3A_45, %get3A_48, %dot_general3A_49 {dimension_numbers = #tpu.dot_dimension_numbers<[1], [0], [0], [1], [0, 0, 1, 1], [], []>, transpose_lhs_hint = false} : vector<896x512xf32>, vector<512x128xf32>, vector<896x128xf32> -> vector<896x128xf32>
    %mul3A_51 = arith.mulf %dot_general3A_50, %get3A_1 : vector<896x128xf32>
    %swap3A = arith.constant 0 : index
    %swap3A_52 = arith.constant 0 : index
    %swap3A_53 = vector.load %arg7[%swap3A, %swap3A_52] : memref<896x128xf32, #tpu.memory_space<vmem>>, vector<896x128xf32>
    tpu.vector_store %arg7[%swap3A, %swap3A_52], %mul3A_51 {strides = array<i32>} : memref<896x128xf32, #tpu.memory_space<vmem>>, vector<896x128xf32>,
    return
  }
  func.func @transform_0(%arg0: i32) -> (i32, i32, i32) {
    %c0_i32 = arith.constant 0 : i32
    %c0_i32_0 = arith.constant 0 : i32
    %c0_i32_1 = arith.constant 0 : i32
    return %c0_i32, %arg0, %c0_i32_0 : i32, i32, i32
  }
  func.func @transform_1(%arg0: i32) -> (i32, i32, i32) {
    %c0_i32 = arith.constant 0 : i32
    %c0_i32_0 = arith.constant 0 : i32
    %c0_i32_1 = arith.constant 0 : i32
    return %c0_i32, %arg0, %c0_i32_0 : i32, i32, i32
  }
  func.func @transform_2(%arg0: i32) -> (i32, i32) {
    %c0_i32 = arith.constant 0 : i32
    %c0_i32_0 = arith.constant 0 : i32
    return %arg0, %c0_i32 : i32, i32
  }
  func.func @transform_3(%arg0: i32) -> (i32, i32, i32) {
    %c0_i32 = arith.constant 0 : i32
    %c0_i32_0 = arith.constant 0 : i32
    %c0_i32_1 = arith.constant 0 : i32
    %c0_i32_2 = arith.constant 0 : i32
    return %c0_i32, %c0_i32_0, %c0_i32_1 : i32, i32, i32
  }
  func.func @transform_4(%arg0: i32) -> (i32, i32) {
    %c0_i32 = arith.constant 0 : i32
    %c0_i32_0 = arith.constant 0 : i32
    %c0_i32_1 = arith.constant 0 : i32
    return %c0_i32, %c0_i32_0 : i32, i32
  }
  func.func @transform_5(%arg0: i32) -> (i32, i32) {
    %c0_i32 = arith.constant 0 : i32
    %c0_i32_0 = arith.constant 0 : i32
    %c0_i32_1 = arith.constant 0 : i32
    return %c0_i32, %c0_i32_0 : i32, i32
  }
  func.func @transform_6(%arg0: i32) -> (i32, i32) {
    %c0_i32 = arith.constant 0 : i32
    %c0_i32_0 = arith.constant 0 : i32
    return %arg0, %c0_i32 : i32, i32
  }
}

module attributes {stable_mosaic.version = 14 : i64} {
  func.func @body(%arg0: i32, %arg1: memref<2x896x128xf32, #tpu.memory_space<vmem>>, %arg2: memref<896x128xf32, #tpu.memory_space<vmem>>, %arg3: memref<896x128xf32, #tpu.memory_space<vmem>>, %arg4: memref<1x128xf32, #tpu.memory_space<vmem>>, %arg5: memref<896x128xf32, #tpu.memory_space<vmem>>) attributes {dimension_semantics = [#tpu.dimension_semantics<arbitrary>], iteration_bounds = array<i64: 14>, scalar_prefetch = 0 : i64, scratch_operands = 0 : i64, tpu.core_type = #tpu.core_type<tc>, window_params = [{transform_indices = @transform_0, window_bounds = array<i64: 2, 896, 128>}, {transform_indices = @transform_1, window_bounds = array<i64: 896, 128>}, {transform_indices = @transform_2, window_bounds = array<i64: 896, 128>}, {pipeline_mode = #tpu.pipeline_mode<synchronous>, transform_indices = @transform_3, window_bounds = array<i64: 1, 128>}, {transform_indices = @transform_4, window_bounds = array<i64: 896, 128>}]} {
    %get3A = arith.constant 0 : index
    %get3A_0 = arith.constant 0 : index
    %get3A_1 = arith.constant 0 : index
    %get3A_2 = vector.load %arg1[%get3A, %get3A_0, %get3A_1] : memref<2x896x128xf32, #tpu.memory_space<vmem>>, vector<1x896x128xf32>
    %get3A_3 = vector.shape_cast %get3A_2 : vector<1x896x128xf32> to vector<896x128xf32>
    %get3A_4 = arith.constant 1 : index
    %get3A_5 = arith.constant 0 : index
    %get3A_6 = arith.constant 0 : index
    %get3A_7 = vector.load %arg1[%get3A_4, %get3A_5, %get3A_6] : memref<2x896x128xf32, #tpu.memory_space<vmem>>, vector<1x896x128xf32>
    %get3A_8 = vector.shape_cast %get3A_7 : vector<1x896x128xf32> to vector<896x128xf32>
    %add3A = arith.addf %get3A_3, %get3A_8 : vector<896x128xf32>
    %get3A_9 = arith.constant 0 : index
    %get3A_10 = arith.constant 0 : index
    %get3A_11 = vector.load %arg2[%get3A_9, %get3A_10] : memref<896x128xf32, #tpu.memory_space<vmem>>, vector<896x128xf32>
    %add3A_12 = arith.addf %add3A, %get3A_11 : vector<896x128xf32>
    %get3A_13 = arith.constant 0 : index
    %get3A_14 = arith.constant 0 : index
    %get3A_15 = vector.load %arg3[%get3A_13, %get3A_14] : memref<896x128xf32, #tpu.memory_space<vmem>>, vector<896x128xf32>
    %mul3A = arith.mulf %add3A_12, %get3A_15 : vector<896x128xf32>
    %get3A_16 = arith.constant 0 : index
    %get3A_17 = arith.constant 0 : index
    %get3A_18 = vector.load %arg4[%get3A_16, %get3A_17] : memref<1x128xf32, #tpu.memory_space<vmem>>, vector<1x128xf32>
    %get3A_19 = vector.shape_cast %get3A_18 : vector<1x128xf32> to vector<128xf32>
    %broadcast_in_dim3A = vector.shape_cast %get3A_19 : vector<128xf32> to vector<1x128xf32>
    %add3A_20 = vector.broadcast %broadcast_in_dim3A : vector<1x128xf32> to vector<896x128xf32>
    %add3A_21 = arith.addf %mul3A, %add3A_20 : vector<896x128xf32>
    %swap3A = arith.constant 0 : index
    %swap3A_22 = arith.constant 0 : index
    %swap3A_23 = vector.load %arg5[%swap3A, %swap3A_22] : memref<896x128xf32, #tpu.memory_space<vmem>>, vector<896x128xf32>
    tpu.vector_store %arg5[%swap3A, %swap3A_22], %add3A_21 {strides = array<i32>} : memref<896x128xf32, #tpu.memory_space<vmem>>, vector<896x128xf32>,
    return
  }
  func.func @transform_0(%arg0: i32) -> (i32, i32, i32) {
    %c0_i32 = arith.constant 0 : i32
    %c0_i32_0 = arith.constant 0 : i32
    %c0_i32_1 = arith.constant 0 : i32
    return %c0_i32, %arg0, %c0_i32_0 : i32, i32, i32
  }
  func.func @transform_1(%arg0: i32) -> (i32, i32) {
    %c0_i32 = arith.constant 0 : i32
    %c0_i32_0 = arith.constant 0 : i32
    return %arg0, %c0_i32 : i32, i32
  }
  func.func @transform_2(%arg0: i32) -> (i32, i32) {
    %c0_i32 = arith.constant 0 : i32
    %c0_i32_0 = arith.constant 0 : i32
    return %arg0, %c0_i32 : i32, i32
  }
  func.func @transform_3(%arg0: i32) -> (i32, i32) {
    %c0_i32 = arith.constant 0 : i32
    %c0_i32_0 = arith.constant 0 : i32
    %c0_i32_1 = arith.constant 0 : i32
    return %c0_i32, %c0_i32_0 : i32, i32
  }
  func.func @transform_4(%arg0: i32) -> (i32, i32) {
    %c0_i32 = arith.constant 0 : i32
    %c0_i32_0 = arith.constant 0 : i32
    return %arg0, %c0_i32 : i32, i32
  }
}

</mosaic_0001>

<sc_bundles>
// kernel: _run.11.cloned.1.call-start
scs
__scs_entry_jumppad:
0x0: {  	(pc) =	sbr.rel $0x88, $3  }
0x1: {  	(tag) =	ssettag $0x0;
	lr =	simm.s32 $0x1  }
0x2: {  	[smem:$0x3F9B] =	sst lr;
	_ =	strace $0xD0000000  }
0x3: {  	_ = 	snop  }
0x4: {  	_ = 	snop  }
0x5: {  	_ = 	snop  }
0x6: {  	_ = 	snop  }
0x7: {  	_ = 	snop  }
__scs_overlays_trampoline_lowered:
0x8: {  	[smem:$0x3FAA] =	sst s0  }
0x9: {  	[smem:$0x3FAB] =	sst s1  }
0xa: {  	[smem:$0x3FAC] =	sst s2  }
0xb: {  	[smem:$0x3FAD] =	sst s3  }
0xc: {  	[smem:$0x3FAE] =	sst s4  }
0xd: {  	[smem:$0x3FAF] =	sst s5  }
0xe: {  	[smem:$0x3FB0] =	sst s6  }
0xf: {  	[smem:$0x3FB1] =	sst s7  }
0x10: {  	[smem:$0x3FB2] =	sst s8  }
0x11: {  	[smem:$0x3FB3] =	sst s9;
	s0 =	simm.s32 @!p0 $0x0  }
0x12: {  	s1 =	sld [smem:$0x3F99];
	s0 =	simm.s32 @p0 $0x1  }
0x13: {  	[smem:$0x3FB4] =	sst s0;
	s0 =	simm.s32 @!p1 $0x0  }
0x14: {  	s2 =	sld [smem:$0x3F98];
	s0 =	simm.s32 @p1 $0x1  }
0x15: {  	[smem:$0x3FB5] =	sst s0;
	s0 =	simm.s32 @!p2 $0x0  }
0x16: {  	s3 =	sld [smem:$0x3FDB];
	s0 =	simm.s32 @p2 $0x1  }
0x17: {  	s4 =	simm.s32 $0x1BF5;
	[smem:$0x3FB7] =	sst s0  }
0x18: {  	s0 =	sld [smem:$0x3F9A];
	_ =	swait.ge [sflag:s4], $0x0  }
0x19: {  	s7 =	sld [smem:$0x3F9B]  }
0x1a: {  	s8 =	sadd.s32 $0xFFFFE003, lr  }
0x1b: {  	s9 =	sadd.s32 $0xFFFFFEF7, lr;
	s5 =	simm.s32 $0xFFFFFFFF;
	p2 =	slt.u32 s8, $0xFFFFF086  }
0x1c: {  	p1 =	slt.u32 s9, $0xF7A;
	s5 =	simm.s32 @!p2 $0x0  }
0x1d: {  	s5 =	simm.s32 @p1 $0x1;
	p0 =	seq.s32 s7, s2  }
0x1e: {  	s7 =	smul.u32 @!p0 $0xF7A, s2;
	p2 =	seq.s32 @!p0 s5, $0x0  }
0x1f: {  	s9 =	smul.u32 $0xF7A, s1;
	s8 =	simm.s32 @!p0 $0x1BF5;
	p2 =	por !p2, p0  }
0x20: {  	[sflag:s8] =	ssyncset.s32 @!p0 $0xFFFFF086;
	s6 =	sadd.s32 @!p0 s3, s7;
	s7 =	simm.s32 @!p0 $0x108  }
0x21: {  	s3 =	sadd.s32 s3, s9;
	s6 =	sadd.s32 @!p0 $0x88, s6;
	s7 =	simm.s32 @p2 $0x1082  }
0x22: {  	[simem:s7], [sflag:s8] =	dma.local @!p0 [hbm:s6], $0xF7A  }
0x23: {  	s9 =	sor.u32 $0xD0000000, s2;
	s6 =	simm.s32 $0x108;
	_ =	swait.ge @!p0 [sflag:s8], $0x0  }
0x24: {  	s3 =	sadd.s32 $0x88, s3;
	s6 =	simm.s32 @!p1 $0x1082;
	[sflag:s4] =	ssyncset.s32 $0xFFFFF086  }
0x25: {  	[simem:s6], [sflag:s4] =	dma.local [hbm:s3], $0xF7A  }
0x26: {  	[smem:$0x3F9B] =	sst s1;
	(tag) =	ssettag s2;
	_ =	strace s9  }
0x27: {  	s1 =	sld [smem:$0x3FAB]  }
0x28: {  	s2 =	sld [smem:$0x3FAC]  }
0x29: {  	s4 =	sld [smem:$0x3FAE]  }
0x2a: {  	p0 =	seq.s32 s5, $0x0;
	s5 =	sld [smem:$0x3FAF]  }
0x2b: {  	s6 =	sld [smem:$0x3FB0]  }
0x2c: {  	s7 =	sld [smem:$0x3FB1]  }
0x2d: {  	s3 =	simm.s32 $0x108;
	s8 =	sld [smem:$0x3FB2]  }
0x2e: {  	s3 =	simm.s32 @!p0 $0x1082;
	s9 =	sld [smem:$0x3FB3]  }
0x2f: {  	lr =	sadd.s32 s0, s3;
	s0 =	sld [smem:$0x3FAA]  }
0x30: {  	s3 =	sld [smem:$0x3FAD]  }
0x31: {  	[smem:$0x3FB6] =	sst s10  }
0x32: {  	s10 =	sld [smem:$0x3FB4];
	_ =	sdelay $0x3  }
0x33: {  	p0 =	seq.s32 s10, $0x1;
	s10 =	sld [smem:$0x3FB6];
	_ =	sdelay $0x3  }
0x34: {  	[smem:$0x3FB6] =	sst s10  }
0x35: {  	s10 =	sld [smem:$0x3FB5];
	_ =	sdelay $0x3  }
0x36: {  	p1 =	seq.s32 s10, $0x1;
	s10 =	sld [smem:$0x3FB6];
	_ =	sdelay $0x3  }
0x37: {  	[smem:$0x3FB6] =	sst s10  }
0x38: {  	s10 =	sld [smem:$0x3FB7]  }
0x39: {  	_ = 	snop;
	(pc) =	sbr.ind lr, $3  }
0x3a: {  	_ = 	snop  }
0x3b: {  	_ = 	snop  }
0x3c: {  	p2 =	seq.s32 s10, $0x1;
	s10 =	sld [smem:$0x3FB6]  }
0x3d: {  	_ =	shalt  }
0x3e: {  	_ =	shalt  }
0x3f: {  	_ =	shalt  }
0x40: {  	_ =	shalt  }
0x41: {  	_ =	shalt  }
0x42: {  	_ =	shalt  }
0x43: {  	_ =	shalt  }
0x44: {  	_ =	shalt  }
0x45: {  	_ =	shalt  }
0x46: {  	_ =	shalt  }
0x47: {  	_ =	shalt  }
0x48: {  	_ =	shalt  }
0x49: {  	_ =	shalt  }
0x4a: {  	_ =	shalt  }
0x4b: {  	_ =	shalt  }
0x4c: {  	_ =	shalt  }
0x4d: {  	_ =	shalt  }
0x4e: {  	_ =	shalt  }
0x4f: {  	_ =	shalt  }
0x50: {  	_ =	shalt  }
0x51: {  	_ =	shalt  }
0x52: {  	_ =	shalt  }
0x53: {  	_ =	shalt  }
0x54: {  	_ =	shalt  }
0x55: {  	_ =	shalt  }
0x56: {  	_ =	shalt  }
0x57: {  	_ =	shalt  }
0x58: {  	_ =	shalt  }
0x59: {  	_ =	shalt  }
0x5a: {  	_ =	shalt  }
0x5b: {  	_ =	shalt  }
0x5c: {  	_ =	shalt  }
0x5d: {  	_ =	shalt  }
0x5e: {  	_ =	shalt  }
0x5f: {  	_ =	shalt  }
0x60: {  	_ =	shalt  }
0x61: {  	_ =	shalt  }
0x62: {  	_ =	shalt  }
0x63: {  	_ =	shalt  }
0x64: {  	_ =	shalt  }
0x65: {  	_ =	shalt  }
0x66: {  	_ =	shalt  }
0x67: {  	_ =	shalt  }
0x68: {  	_ =	shalt  }
0x69: {  	_ =	shalt  }
0x6a: {  	_ =	shalt  }
0x6b: {  	_ =	shalt  }
0x6c: {  	_ =	shalt  }
0x6d: {  	_ =	shalt  }
0x6e: {  	_ =	shalt  }
0x6f: {  	_ =	shalt  }
0x70: {  	_ =	shalt  }
0x71: {  	_ =	shalt  }
0x72: {  	_ =	shalt  }
0x73: {  	_ =	shalt  }
0x74: {  	_ =	shalt  }
0x75: {  	_ =	shalt  }
0x76: {  	_ =	shalt  }
0x77: {  	_ =	shalt  }
0x78: {  	_ =	shalt  }
0x79: {  	_ =	shalt  }
0x7a: {  	_ =	shalt  }
0x7b: {  	_ =	shalt  }
0x7c: {  	_ =	shalt  }
0x7d: {  	_ =	shalt  }
0x7e: {  	_ =	shalt  }
0x7f: {  	_ =	shalt  }
0x80: {  	_ =	shalt  }
0x81: {  	_ =	shalt  }
0x82: {  	_ =	shalt  }
0x83: {  	_ =	shalt  }
0x84: {  	_ =	shalt  }
0x85: {  	_ =	shalt  }
0x86: {  	_ =	shalt  }
0x87: {  	_ =	shalt  }
.Lfunc_end0:
.L_simem_size_0:
called_computation.1_lowered:
.L_overlay_start_0:
0x88: {  	s2 =	sld [smem:$0x3FD9]  }
0x89: {  	s3 =	sld [smem:$0x3FFE];
	_ =	sdelay $0x1  }
0x8a: {  	s1 =	srdreg.scid  }
0x8b: {  	s0 =	sand.u32 $0x1, s1  }
0x8c: {  	s17 =	sshll.u32 s0, $0xA;
	s2 =	sadd.s32 s3, s2  }
0x8d: {  	s2 =	sadd.s32 s2, s17  }
0x8e: {  	[smem:$0x3FC2] =	sst s2  }
0x8f: {  	_ = 	snop  }
0x90: {  	s2 =	sld [smem:$0x3FC8]  }
0x91: {  	s18 =	sld [smem:$0x3FD0];
	(tm) =	ssettm $0x1  }
0x92: {  	s4 =	sld [smem:$0x3FFB];
	_ =	sdelay $0x3  }
0x93: {  	_ =	strace s4  }
0x94: {  	s4 =	sld [smem:$0x3FFC];
	_ =	sdelay $0x3  }
0x95: {  	_ =	strace s4  }
0x96: {  	s4 =	sld [smem:$0x3FFD];
	_ =	sdelay $0x3  }
0x97: {  	_ =	strace s4  }
0x98: {  	_ =	strace $0x8FFFFFFF  }
0x99: {  	s19 =	sld [smem:$0x3FDB];
	_ =	sdelay $0x1  }
0x9a: {  	s5 =	simm.s32 $_scs_section_size  }
0x9b: {  	s6 =	simm.s32 $_size__tile_overlayer_lowered;
	s7 =	simm.s32 $_tile_overlayer_lowered  }
0x9c: {  	s22 =	simm.s32 $0x1BFF;
	s21 =	sshll.u32 s7, $0x1;
	s4 =	sadd.s32 s5, s19  }
0x9d: {  	s8 =	simm.s32 $0x0;
	s20 =	sshll.u32 s6, $0x1;
	s6 =	sadd.s32 s21, s4  }
0x9e: {  	[timem:s8], [sflag:s22] =	dma.local [hbm:s6], s20  }
0x9f: {  	_ =	swait.ge [sflag:s22], s20  }
0xa0: {  	s5 =	ssub.s32 $0x0, s20;
	[sflag:s22] =	ssyncset.done $0x0  }
0xa1: {  	[sflag:s22] =	ssyncadd.s32 s5;
	_ =	sdelay $0x1  }
0xa2: {  	s23 =	simm.s32 $0x1B8B  }
0xa3: {  	_ =	swait.ge [sflag:s23], $0x1  }
0xa4: {  	[sflag:s23] =	ssyncset.done $0x0  }
0xa5: {  	s25 =	simm.s32 $0x1B8E;
	s24 =	sld [smem:$0x3FFE];
	[sflag:s23] =	ssyncadd.s32 $0xFFFFFFFF  }
0xa6: {  	s26 =	simm.s32 $execute0_lowered;
	[smem:$0x3FD2] =	sst s25  }
0xa7: {  	s6 =	sshll.u32 s26, $0x1;
	_ =	strace $0x80000049;
	[dreg:$0x1] =	wrdreg $0xFFFFFFFF  }
0xa8: {  	s28 =	simm.s32 $_size_execute0_lowered;
	s4 =	sadd.s32 s4, s6;
	[dreg:$0x0] =	wrdreg $0x0  }
0xa9: {  	s6 =	sshll.u32 s28, $0x1;
	[dreg:$0x2] =	wrdreg s4  }
0xaa: {  	[dreg:$0x3] =	wrdreg s6  }
0xab: {  	[dreg:$0x4] =	wrdreg $0xC0  }
0xac: {  	_ =	task [dreg:s8], $0x5FFFF  }
0xad: {  	[dreg:$0x1] =	wrdreg $0xFFFFFFFF  }
0xae: {  	[dreg:$0x0] =	wrdreg $0x60  }
0xaf: {  	[dreg:$0x2] =	wrdreg s2  }
0xb0: {  	[dreg:$0x3] =	wrdreg s24  }
0xb1: {  	[dreg:$0x4] =	wrdreg s18  }
0xb2: {  	[dreg:$0x5] =	wrdreg $0x5F000  }
0xb3: {  	[dreg:$0x6] =	wrdreg $0x9  }
0xb4: {  	_ =	task.clear_ibuf [dreg:s8], $0x7FFFF;
	_ =	strace $0x90000049  }
0xb5: {  	s29 =	simm.s32 $0x9;
	_ =	strace $0x8000004B  }
0xb6: {  	_ =	swait.ge [sflag:s29], $0x1  }
0xb7: {  	[sflag:s29] =	ssyncadd.s32 $0xFFFFFFFF  }
0xb8: {  	_ =	strace $0x9000004B  }
0xb9: {  	_ =	sfence  }
0xba: {  	s30 =	sld [smem:$0x0];
	_ =	sdelay $0x2  }
0xbb: {  	s31 =	sshll.u32 s1, $0xD;
	s1 =	sshrl.u32 s1, $0x2  }
0xbc: {  	s3 =	sand.u32 $0x4000, s31;
	s1 =	sadd.s32 s1, s30  }
0xbd: {  	s0 =	sor.u32 s3, s0;
	s1 =	sshll.u32 s1, $0x11  }
0xbe: {  	s0 =	sor.u32 s1, s0  }
0xbf: {  	s0 =	sadd.s32 $0x8F2B, s0  }
0xc0: {  	[sflag:s0] =	ssyncadd.remote.s32 $0x1  }
0xc1: {  	_ =	sfence.sel $0xFFFF  }
0xc2: {  	[dreg:$0x0] =	wrdreg $0xFFFFFFFF;
	(pc) =	sbr.abs _section_cstart, $3  }
0xc3: {  	[dreg:$0x1] =	wrdreg $0xFFFFFFFF  }
0xc4: {  	_ =	task.clear_ibuf [dreg:s8], $0x2FFFF;
	_ =	strace $0x9FFFFFFF  }
0xc5: {  	(tm) =	ssettm $0x7FFFFFFF  }
tec
execute0_lowered:
.L_overlay_start_1:
0x0: {  	(tag) =	ssettag $0x1  }
0x1: {  	s0 =	rddreg [dreg:$0x0]  }
0x2: {  	s1 =	rddreg [dreg:$0x1]  }
0x3: {  	s3 =	rddreg [dreg:$0x3]  }
0x4: {  	s2 =	srdreg.scid;
	s12 =	stileid.u32  }
0x5: {  	s5 =	simm.s32 $0x0;
	s15 =	simm.s32 $0x4;
	s16 =	simm.s32 $0x1  }
0x6: {  	s17 =	simm.s32 $0x80;
	s18 =	simm.s32 $0x3;
	s19 =	simm.s32 $0x2  }
0x7: {  	s25 =	simm.s32 $0x380;
	s28 =	simm.s32 $0x480;
	s4 =	smul.u32 $0x18800, s12  }
0x8: {  	s29 =	simm.s32 $0x5700;
	s30 =	simm.s32 $0x0;
	s11 =	smul.u32 $0x320, s12  }
0x9: {  	s2 =	sand.u32 $0x1, s2;
	[smem:$0x7FF] =	sst s5;
	s26 =	smul.u32 $0x6400, s12  }
0xa: {  	s5 =	sadd.s32 $0x2000, s1;
	s31 =	sshll.u32 s12, $0x6;
	s12 =	smul.u32 $0x32000, s12  }
0xb: {  	s6 =	sadd.s32 $0x4600, s1;
	s7 =	smul.u32 $0x188000, s2;
	s8 =	ssub.s32 $0x2, s2  }
0xc: {  	_ =	strace $0x8000004A;
	s2 =	smul.u32 $0x18800, s2;
	s9 =	sshrl.u32 s8, $0x1  }
.Ltmp0:
0xd: {  	s13 =	sor.u32 $0x5, s11;
	s7 =	sadd.s32 s4, s7;
	(pc) =	sbr.rel .LBB2_1-.Ltmp0, $4  }
0xe: {  	s10 =	ssub.s32 s8, s9;
	s4 =	sadd.s32 s4, s3;
	s8 =	sadd.s32 s0, s26  }
0xf: {  	s26 =	simm.s32 $0x4F00;
	s7 =	sshrl.u32 s7, $0x3;
	s10 =	smax.u32 s10, $0x1  }
0x10: {  	s0 =	sadd.s32 $0xA0, s8;
	s14 =	sshrl.u32 s4, $0x3;
	s1 =	sadd.s32 s7, s1  }
0x11: {  	v0 =	vmov s2;
	s7 =	sor.u32 $0x1C04, s31;
	s9 =	sadd.s32 $0x66600, s1;
	s1 =	sadd.s32 $0xFFCF3100, s12  }
.LBB2_5:
0x12: {  	_ =	swait.ge [sflag:s18], $0x2800  }
0x13: {  	[sflag:s18] =	ssyncset.done $0x0  }
0x14: {  	[sflag:s18] =	ssyncadd.s32 $0xFFFFD800  }
0x15: {  	_ =	swait.ge [sflag:s19], $0x2800  }
0x16: {  	[sflag:s19] =	ssyncset.done $0x0  }
0x17: {  	s2 =	simm.s32 $0x3700;
	[sflag:s19] =	ssyncadd.s32 $0xFFFFD800  }
0x18: {  	[spmem:s3] =	stream.indirect.scatter.add.f32 [tilespmem:s2], [sflag:$0x3], $0x10, s17, s17, $0xb8;
	[tilespmem:$0x1E700] =	vst v63  }
0x19: {  	s23 =	simm.s32 $0x180;
	s4 =	simm.s32 $0x3F00  }
0x1a: {  	[spmem:s3] =	stream.indirect.scatter.add.f32 [tilespmem:s4], [sflag:$0x3], $0x10, s23, s17, $0xb8;
	[tilespmem:$0x1E700] =	vst v63  }
0x1b: {  	s24 =	simm.s32 $0x280;
	s31 =	simm.s32 $0x4700  }
0x1c: {  	[spmem:s3] =	stream.indirect.scatter.add.f32 [tilespmem:s31], [sflag:$0x3], $0x10, s24, s17, $0xb8;
	[tilespmem:$0x1E700] =	vst v63  }
0x1d: {  	_ = 	snop  }
0x1e: {  	[spmem:s3] =	stream.indirect.scatter.add.f32 [tilespmem:s26], [sflag:$0x3], $0x10, s25, s17, $0xb8;
	[tilespmem:$0x1E700] =	vst v63  }
0x1f: {  	_ = 	snop  }
0x20: {  	[spmem:s3] =	stream.indirect.scatter.add.f32 [tilespmem:s29], [sflag:$0x3], $0x10, s28, s17, $0xb8;
	[tilespmem:$0x1E700] =	vst v63  }
0x21: {  	_ =	swait.ge [sflag:s18], $0x2800  }
0x22: {  	s30 =	sadd.s32 $0x1, s30;
	[sflag:s18] =	ssyncset.done $0x0  }
0x23: {  	p0 =	sne.s32 s30, s10;
	[sflag:s18] =	ssyncadd.s32 $0xFFFFD800  }
.Ltmp1:
0x24: {  	[bflag:$0x0] =	sbarrier.arrive $0xFFFF;
	(pc) =	sbr.rel @!p0 .LBB2_6-.Ltmp1, $4  }
0x25: {  	[hbm:s9], [sflag:s7] =	dma.local [spmem:s14], $0x3100  }
0x26: {  	_ =	swait.ge [sflag:s15], $0x3100  }
0x27: {  	[sflag:s15] =	ssyncset.done $0x0  }
0x28: {  	[sflag:s15] =	ssyncadd.s32 $0xFFFFCF00  }
.LBB2_1:
0x29: {  	s2 =	rddreg [dreg:$0x2]  }
0x2a: {  	[spmem:s14], [sflag:s7] =	dma.local [hbm:s2], $0x3100  }
.Ltmp2:
0x2b: {  	_ =	swait.ge [sflag:s15], $0x3100;
	(pc) =	sbr.rel .LBB2_2-.Ltmp2, $4  }
0x2c: {  	s24 =	simm.s32 $0x0;
	[sflag:s15] =	ssyncset.done $0x0  }
0x2d: {  	s31 =	smov.u32 s13;
	s12 =	smov.u32 s0;
	[sflag:s15] =	ssyncadd.s32 $0xFFFFCF00  }
0x2e: {  	s11 =	smov.u32 s1;
	s4 =	simm.s32 $0x0;
	[bflag:$0x0] =	sbarrier.arrive $0xFFFF  }
0x2f: {  	[tilespmem:s24], [sflag:$0x1] =	stream.linear.gather [hbm4b:s8+s24], $0x500, $0x38;
	[tilespmem:$0x1E700] =	vst v63  }
.LBB2_4:
0x30: {  	s4 =	sand.u32 $0x1, s4  }
0x31: {  	p0 =	seq.s32 s4, $0x1;
	s4 =	simm.s32 $0x2800  }
0x32: {  	s4 =	simm.s32 @!p0 $0x0  }
0x33: {  	s21 =	sadd.s32 $0xF00, s4  }
0x34: {  	[tilespmem:s21], [sflag:$0x2] =	stream.indirect.gather [hbm4b:s6+s17], $0x10, s2, s17, $0xb8;
	[tilespmem:$0x1E700] =	vst v63  }
0x35: {  	s24 =	sadd.s32 $0x100, s2;
	s22 =	sor.u32 $0x1700, s4  }
0x36: {  	[tilespmem:s22], [sflag:$0x2] =	stream.indirect.gather [hbm4b:s6+s17], $0x10, s24, s17, $0xb8;
	[tilespmem:$0x1E700] =	vst v63  }
0x37: {  	s23 =	sadd.s32 $0x200, s2;
	p0 =	sne.s32 s20, $0xA0;
	s24 =	sadd.s32 $0x1F00, s4  }
0x38: {  	[tilespmem:s24], [sflag:$0x2] =	stream.indirect.gather [hbm4b:s6+s17], $0x10, s23, s17, $0xb8;
	[tilespmem:$0x1E700] =	vst v63  }
.Ltmp3:
0x39: {  	s22 =	sadd.s32 $0x300, s2;
	s23 =	sadd.s32 $0x2700, s4;
	(pc) =	sbr.rel @!p0 .LBB2_5-.Ltmp3, $4  }
0x3a: {  	[tilespmem:s23], [sflag:$0x2] =	stream.indirect.gather [hbm4b:s6+s17], $0x10, s22, s17, $0xb8;
	[tilespmem:$0x1E700] =	vst v63  }
0x3b: {  	s11 =	sadd.s32 $0x500, s11;
	s24 =	sadd.s32 $0x400, s2;
	s4 =	sadd.s32 $0x2F00, s4  }
0x3c: {  	[tilespmem:s4], [sflag:$0x2] =	stream.indirect.gather [hbm4b:s6+s17], $0x10, s24, s17, $0xb8;
	[tilespmem:$0x1E700] =	vst v63  }
0x3d: {  	s12 =	sadd.s32 $0xA0, s12;
	s31 =	sadd.s32 $0x5, s31;
	s4 =	smov.u32 s20  }
.LBB2_2:
0x3e: {  	s2 =	smul.u32 $0xAB, s4;
	_ =	sdelay $0x1  }
0x3f: {  	s2 =	sshrl.u32 s2, $0x9  }
0x40: {  	s2 =	sand.u32 $0x7F, s2  }
0x41: {  	s2 =	smul.u32 $0x3, s2;
	_ =	sdelay $0x1  }
0x42: {  	s2 =	ssub.s32 s4, s2  }
0x43: {  	s2 =	sand.u32 $0xFF, s2  }
0x44: {  	_ =	swait.ge [sflag:s16], $0x500;
	s2 =	smul.u32 $0x1400, s2  }
0x45: {  	[sflag:s16] =	ssyncset.done $0x0  }
0x46: {  	[sflag:s16] =	ssyncadd.s32 $0xFFFFFB00;
	s2 =	sshrl.u32 s2, $0x2  }
0x47: {  	v1 =	vld [tilespmem:s2+$0x0]  }
0x48: {  	v2 =	vld [tilespmem:s2+$0x10]  }
0x49: {  	v3 =	vld [tilespmem:s2+$0x20]  }
0x4a: {  	v4 =	vld [tilespmem:s2+$0x30]  }
0x4b: {  	v5 =	vld [tilespmem:s2+$0x40]  }
0x4c: {  	v6 =	vld [tilespmem:s2+$0x50];
	v1 =	vadd.s32 v0, v1  }
0x4d: {  	[tilespmem:s2+$0x0] =	vst v1;
	v1 =	vadd.s32 v0, v2;
	v2 =	vld [tilespmem:s2+$0x60]  }
0x4e: {  	[tilespmem:s2+$0x10] =	vst v1;
	v1 =	vadd.s32 v0, v3;
	v3 =	vld [tilespmem:s2+$0x70]  }
0x4f: {  	v44 =	vld [tilespmem:s2+$0x100];
	[tilespmem:s2+$0x20] =	vst v1;
	v1 =	vadd.s32 v0, v4  }
0x50: {  	v45 =	vld [tilespmem:s2+$0x110];
	[tilespmem:s2+$0x30] =	vst v1;
	v1 =	vadd.s32 v0, v5  }
0x51: {  	v46 =	vld [tilespmem:s2+$0x120];
	[tilespmem:s2+$0x40] =	vst v1;
	v1 =	vadd.s32 v0, v6  }
0x52: {  	[tilespmem:s2+$0x50] =	vst v1;
	v1 =	vadd.s32 v0, v2;
	v2 =	vld [tilespmem:s2+$0x130]  }
0x53: {  	[tilespmem:s2+$0x60] =	vst v1;
	v1 =	vadd.s32 v0, v3;
	v3 =	vld [tilespmem:s2+$0x140]  }
0x54: {  	v47 =	vld [tilespmem:s2+$0x150];
	[tilespmem:s2+$0x70] =	vst v1;
	v1 =	vadd.s32 v0, v44  }
0x55: {  	v48 =	vld [tilespmem:s2+$0x160];
	[tilespmem:s2+$0x100] =	vst v1;
	v1 =	vadd.s32 v0, v45  }
0x56: {  	v49 =	vld [tilespmem:s2+$0x170];
	[tilespmem:s2+$0x110] =	vst v1;
	v1 =	vadd.s32 v0, v46  }
0x57: {  	[tilespmem:s2+$0x120] =	vst v1;
	v1 =	vadd.s32 v0, v2;
	v2 =	vld [tilespmem:s2+$0x200]  }
0x58: {  	[tilespmem:s2+$0x130] =	vst v1;
	v1 =	vadd.s32 v0, v3;
	v3 =	vld [tilespmem:s2+$0x210]  }
0x59: {  	v50 =	vld [tilespmem:s2+$0x220];
	[tilespmem:s2+$0x140] =	vst v1;
	v1 =	vadd.s32 v0, v47  }
0x5a: {  	v51 =	vld [tilespmem:s2+$0x230];
	[tilespmem:s2+$0x150] =	vst v1;
	v1 =	vadd.s32 v0, v48  }
0x5b: {  	v52 =	vld [tilespmem:s2+$0x240];
	[tilespmem:s2+$0x160] =	vst v1;
	v1 =	vadd.s32 v0, v49  }
0x5c: {  	[tilespmem:s2+$0x170] =	vst v1;
	v1 =	vadd.s32 v0, v2;
	v2 =	vld [tilespmem:s2+$0x250]  }
0x5d: {  	[tilespmem:s2+$0x200] =	vst v1;
	v1 =	vadd.s32 v0, v3;
	v3 =	vld [tilespmem:s2+$0x260]  }
0x5e: {  	v53 =	vld [tilespmem:s2+$0x270];
	[tilespmem:s2+$0x210] =	vst v1;
	v1 =	vadd.s32 v0, v50  }
0x5f: {  	v54 =	vld [tilespmem:s2+$0x300];
	[tilespmem:s2+$0x220] =	vst v1;
	v1 =	vadd.s32 v0, v51  }
0x60: {  	v55 =	vld [tilespmem:s2+$0x310];
	[tilespmem:s2+$0x230] =	vst v1;
	v1 =	vadd.s32 v0, v52  }
0x61: {  	[tilespmem:s2+$0x240] =	vst v1;
	v1 =	vadd.s32 v0, v2;
	v2 =	vld [tilespmem:s2+$0x320]  }
0x62: {  	[tilespmem:s2+$0x250] =	vst v1;
	v1 =	vadd.s32 v0, v3;
	v3 =	vld [tilespmem:s2+$0x330]  }
0x63: {  	v56 =	vld [tilespmem:s2+$0x340];
	[tilespmem:s2+$0x260] =	vst v1;
	v1 =	vadd.s32 v0, v53  }
0x64: {  	v57 =	vld [tilespmem:s2+$0x350];
	[tilespmem:s2+$0x270] =	vst v1;
	v1 =	vadd.s32 v0, v54  }
0x65: {  	v58 =	vld [tilespmem:s2+$0x360];
	[tilespmem:s2+$0x300] =	vst v1;
	v1 =	vadd.s32 v0, v55  }
0x66: {  	[tilespmem:s2+$0x310] =	vst v1;
	v1 =	vadd.s32 v0, v2;
	v2 =	vld [tilespmem:s2+$0x370]  }
0x67: {  	[tilespmem:s2+$0x320] =	vst v1;
	v1 =	vadd.s32 v0, v3;
	v3 =	vld [tilespmem:s2+$0x400]  }
0x68: {  	v59 =	vld [tilespmem:s2+$0x410];
	[tilespmem:s2+$0x330] =	vst v1;
	v1 =	vadd.s32 v0, v56  }
0x69: {  	v60 =	vld [tilespmem:s2+$0x420];
	[tilespmem:s2+$0x340] =	vst v1;
	v1 =	vadd.s32 v0, v57  }
0x6a: {  	v61 =	vld [tilespmem:s2+$0x430];
	[tilespmem:s2+$0x350] =	vst v1;
	v1 =	vadd.s32 v0, v58  }
0x6b: {  	[tilespmem:s2+$0x360] =	vst v1;
	v1 =	vadd.s32 v0, v2;
	v2 =	vld [tilespmem:s2+$0x440]  }
0x6c: {  	[tilespmem:s2+$0x370] =	vst v1;
	v1 =	vadd.s32 v0, v3;
	v3 =	vld [tilespmem:s2+$0x450]  }
0x6d: {  	v62 =	vld [tilespmem:s2+$0x460];
	[tilespmem:s2+$0x400] =	vst v1;
	v1 =	vadd.s32 v0, v59  }
0x6e: {  	v63 =	vld [tilespmem:s2+$0x470];
	[tilespmem:s2+$0x410] =	vst v1;
	v1 =	vadd.s32 v0, v60  }
0x6f: {  	[tilespmem:s2+$0x420] =	vst v1;
	v1 =	vadd.s32 v0, v61  }
0x70: {  	p0 =	slt.u32 s4, $0x2;
	[tilespmem:s2+$0x430] =	vst v1;
	v1 =	vadd.s32 v0, v2  }
0x71: {  	p1 =	seq.s32 @!p0 s4, $0x9F;
	[tilespmem:s2+$0x440] =	vst v1;
	v1 =	vadd.s32 v0, v3  }
0x72: {  	s20 =	sadd.s32 $0x1, s4;
	p1 =	por p0, !p1;
	[tilespmem:s2+$0x450] =	vst v1;
	v1 =	vadd.s32 v0, v62  }
0x73: {  	s21 =	sand.u32 @p1 $0xFF, s20;
	[tilespmem:s2+$0x460] =	vst v1;
	v1 =	vadd.s32 v0, v63  }
0x74: {  	s22 =	simm.s32 @!p0 $0x3;
	s21 =	smul.u32 @p1 $0xAB, s21;
	[tilespmem:s2+$0x470] =	vst v1  }
0x75: {  	_ =	swait.ge @!p0 [sflag:s22], $0x2800  }
0x76: {  	p2 =	slt.u32 @p1 s31, $0x30D4;
	s21 =	sshrl.u32 @p1 s21, $0x9;
	[sflag:s22] =	ssyncset.done @!p0 $0x0  }
0x77: {  	s23 =	sshrl.u32 @p1 s11, $0x3;
	s21 =	smul.u32 @p1 $0x3, s21;
	[sflag:s22] =	ssyncadd.s32 @!p0 $0xFFFFD800  }
0x78: {  	s22 =	sadd.s32 @p1 s5, s23;
	p0 =	por !p2, !p1;
	s23 =	smov.u32 s12  }
0x79: {  	s23 =	smov.u32 @p0 s22;
	p0 =	seq.s32 @p1 s4, $0x0  }
0x7a: {  	s21 =	ssub.s32 @p1 s20, s21;
	p0 =	por !p1, !p0  }
.Ltmp4:
0x7b: {  	s21 =	sand.u32 @p1 $0xFF, s21;
	(pc) =	sbr.rel @!p0 .LBB2_4-.Ltmp4, $3  }
0x7c: {  	s21 =	smul.u32 @p1 $0x1400, s21;
	_ =	sdelay $0x1  }
0x7d: {  	s21 =	sshrl.u32 @p1 s21, $0x2;
	s22 =	simm.s32 @p1 $0x0  }
0x7e: {  	[tilespmem:s21], [sflag:$0x1] =	stream.linear.gather @p1 [hbm4b:s23+s22], $0x500, $0x38;
	[tilespmem:$0x1E700] =	vst v63  }
0x7f: {  	s21 =	sadd.s32 $0x2, s4  }
0x80: {  	s22 =	sand.u32 $0xFF, s21  }
0x81: {  	s22 =	smul.u32 $0xAB, s22;
	_ =	sdelay $0x1  }
0x82: {  	s22 =	sshrl.u32 s22, $0x9  }
0x83: {  	s22 =	smul.u32 $0x3, s22;
	_ =	sdelay $0x1  }
0x84: {  	s21 =	ssub.s32 s21, s22  }
0x85: {  	s21 =	sand.u32 $0xFF, s21  }
0x86: {  	s24 =	sand.u32 $0x1, s20;
	s21 =	smul.u32 $0x1400, s21  }
0x87: {  	_ =	swait.ge [sflag:s19], $0x2800;
	p0 =	seq.s32 s24, $0x1;
	s22 =	simm.s32 $0x2800  }
0x88: {  	[sflag:s19] =	ssyncset.done $0x0;
	s22 =	simm.s32 @!p0 $0x0;
	s21 =	sshrl.u32 s21, $0x2  }
0x89: {  	[sflag:s19] =	ssyncadd.s32 $0xFFFFD800;
	s23 =	sadd.s32 $0xF00, s22;
	s24 =	sor.u32 $0x80, s21  }
0x8a: {  	[spmem:s3] =	stream.indirect.scatter.add.f32 [tilespmem:s23], [sflag:$0x3], $0x10, s24, s17, $0xb8;
	[tilespmem:$0x1E700] =	vst v63  }
0x8b: {  	s23 =	sor.u32 $0x1700, s22;
	s24 =	sadd.s32 $0x180, s21  }
0x8c: {  	[spmem:s3] =	stream.indirect.scatter.add.f32 [tilespmem:s23], [sflag:$0x3], $0x10, s24, s17, $0xb8;
	[tilespmem:$0x1E700] =	vst v63  }
0x8d: {  	s23 =	sadd.s32 $0x1F00, s22;
	s24 =	sadd.s32 $0x280, s21  }
0x8e: {  	[spmem:s3] =	stream.indirect.scatter.add.f32 [tilespmem:s23], [sflag:$0x3], $0x10, s24, s17, $0xb8;
	[tilespmem:$0x1E700] =	vst v63  }
.Ltmp5:
0x8f: {  	_ = 	snop;
	(pc) =	sbr.rel .LBB2_4-.Ltmp5, $4  }
0x90: {  	s23 =	sadd.s32 $0x2700, s22;
	s24 =	sadd.s32 $0x380, s21  }
0x91: {  	[spmem:s3] =	stream.indirect.scatter.add.f32 [tilespmem:s23], [sflag:$0x3], $0x10, s24, s17, $0xb8;
	[tilespmem:$0x1E700] =	vst v63  }
0x92: {  	s22 =	sadd.s32 $0x2F00, s22;
	s21 =	sadd.s32 $0x480, s21  }
0x93: {  	[spmem:s3] =	stream.indirect.scatter.add.f32 [tilespmem:s22], [sflag:$0x3], $0x10, s21, s17, $0xb8;
	[tilespmem:$0x1E700] =	vst v63  }
.LBB2_6:
0x94: {  	_ =	sfence.sel $0x180000  }
0x95: {  	[bflag:$0x0] =	sbarrier.arrive $0xFFFF  }
0x96: {  	_ =	strace $0x9000004A  }
0x97: {  	s0 =	stileid.u32;
	[bflag:$0x2] =	sbarrier.arrive $0xFFFF  }
0x98: {  	p0 =	sne.s32 s0, $0x0;
	s0 =	rddreg [dreg:$0x4]  }
0x99: {  	s0 =	sadd.s32 @!p0 $0x100000, s0  }
0x9a: {  	[sflag:s0] =	ssyncadd.tile.s32 @!p0 $0x1;
	_ =	shalt  }
.Lfunc_end2:
_tile_overlayer_lowered:
.L_overlay_start_2:
0x9b: {  	(tag) =	ssettag $0x2  }
0x9c: {  	s0 =	rddreg [dreg:$0x0];
	s2 =	stileid.u32  }
0x9d: {  	s1 =	rddreg [dreg:$0x1];
	p0 =	sne.s32 s2, $0x0  }
0x9e: {  	s3 =	rddreg [dreg:$0x2];
	[bflag:$0x3] =	sbarrier.arrive $0xFFFF;
	s2 =	simm.s32 @!p0 $0x1C04  }
0x9f: {  	[timem:s3], [sflag:s2] =	dma.local @!p0 [hbm:s0], s1  }
0xa0: {  	s0 =	simm.s32 @!p0 $0x4  }
0xa1: {  	_ =	swait.ge @!p0 [sflag:s0], s1  }
0xa2: {  	s1 =	ssub.s32 @!p0 $0x0, s1;
	[sflag:s0] =	ssyncset.done @!p0 $0x0  }
0xa3: {  	[sflag:s0] =	ssyncadd.s32 @!p0 s1  }
0xa4: {  	[bflag:$0x3] =	sbarrier.arrive $0xFFFF  }
0xa5: {  	_ =	shalt  }

// kernel: _run.14.cloned.1.call-start
scs
__scs_entry_jumppad:
0x0: {  	(pc) =	sbr.rel $0x88, $3  }
0x1: {  	(tag) =	ssettag $0x0;
	lr =	simm.s32 $0x1  }
0x2: {  	[smem:$0x3F9B] =	sst lr;
	_ =	strace $0xD0000000  }
0x3: {  	_ = 	snop  }
0x4: {  	_ = 	snop  }
0x5: {  	_ = 	snop  }
0x6: {  	_ = 	snop  }
0x7: {  	_ = 	snop  }
__scs_overlays_trampoline_lowered:
0x8: {  	[smem:$0x3FAA] =	sst s0  }
0x9: {  	[smem:$0x3FAB] =	sst s1  }
0xa: {  	[smem:$0x3FAC] =	sst s2  }
0xb: {  	[smem:$0x3FAD] =	sst s3  }
0xc: {  	[smem:$0x3FAE] =	sst s4  }
0xd: {  	[smem:$0x3FAF] =	sst s5  }
0xe: {  	[smem:$0x3FB0] =	sst s6  }
0xf: {  	[smem:$0x3FB1] =	sst s7  }
0x10: {  	[smem:$0x3FB2] =	sst s8  }
0x11: {  	[smem:$0x3FB3] =	sst s9;
	s0 =	simm.s32 @!p0 $0x0  }
0x12: {  	s1 =	sld [smem:$0x3F99];
	s0 =	simm.s32 @p0 $0x1  }
0x13: {  	[smem:$0x3FB4] =	sst s0;
	s0 =	simm.s32 @!p1 $0x0  }
0x14: {  	s2 =	sld [smem:$0x3F98];
	s0 =	simm.s32 @p1 $0x1  }
0x15: {  	[smem:$0x3FB5] =	sst s0;
	s0 =	simm.s32 @!p2 $0x0  }
0x16: {  	s3 =	sld [smem:$0x3FDB];
	s0 =	simm.s32 @p2 $0x1  }
0x17: {  	s4 =	simm.s32 $0x1BF5;
	[smem:$0x3FB7] =	sst s0  }
0x18: {  	s0 =	sld [smem:$0x3F9A];
	_ =	swait.ge [sflag:s4], $0x0  }
0x19: {  	s7 =	sld [smem:$0x3F9B]  }
0x1a: {  	s8 =	sadd.s32 $0xFFFFE003, lr  }
0x1b: {  	s9 =	sadd.s32 $0xFFFFFEF7, lr;
	s5 =	simm.s32 $0xFFFFFFFF;
	p2 =	slt.u32 s8, $0xFFFFF086  }
0x1c: {  	p1 =	slt.u32 s9, $0xF7A;
	s5 =	simm.s32 @!p2 $0x0  }
0x1d: {  	s5 =	simm.s32 @p1 $0x1;
	p0 =	seq.s32 s7, s2  }
0x1e: {  	s7 =	smul.u32 @!p0 $0xF7A, s2;
	p2 =	seq.s32 @!p0 s5, $0x0  }
0x1f: {  	s9 =	smul.u32 $0xF7A, s1;
	s8 =	simm.s32 @!p0 $0x1BF5;
	p2 =	por !p2, p0  }
0x20: {  	[sflag:s8] =	ssyncset.s32 @!p0 $0xFFFFF086;
	s6 =	sadd.s32 @!p0 s3, s7;
	s7 =	simm.s32 @!p0 $0x108  }
0x21: {  	s3 =	sadd.s32 s3, s9;
	s6 =	sadd.s32 @!p0 $0x88, s6;
	s7 =	simm.s32 @p2 $0x1082  }
0x22: {  	[simem:s7], [sflag:s8] =	dma.local @!p0 [hbm:s6], $0xF7A  }
0x23: {  	s9 =	sor.u32 $0xD0000000, s2;
	s6 =	simm.s32 $0x108;
	_ =	swait.ge @!p0 [sflag:s8], $0x0  }
0x24: {  	s3 =	sadd.s32 $0x88, s3;
	s6 =	simm.s32 @!p1 $0x1082;
	[sflag:s4] =	ssyncset.s32 $0xFFFFF086  }
0x25: {  	[simem:s6], [sflag:s4] =	dma.local [hbm:s3], $0xF7A  }
0x26: {  	[smem:$0x3F9B] =	sst s1;
	(tag) =	ssettag s2;
	_ =	strace s9  }
0x27: {  	s1 =	sld [smem:$0x3FAB]  }
0x28: {  	s2 =	sld [smem:$0x3FAC]  }
0x29: {  	s4 =	sld [smem:$0x3FAE]  }
0x2a: {  	p0 =	seq.s32 s5, $0x0;
	s5 =	sld [smem:$0x3FAF]  }
0x2b: {  	s6 =	sld [smem:$0x3FB0]  }
0x2c: {  	s7 =	sld [smem:$0x3FB1]  }
0x2d: {  	s3 =	simm.s32 $0x108;
	s8 =	sld [smem:$0x3FB2]  }
0x2e: {  	s3 =	simm.s32 @!p0 $0x1082;
	s9 =	sld [smem:$0x3FB3]  }
0x2f: {  	lr =	sadd.s32 s0, s3;
	s0 =	sld [smem:$0x3FAA]  }
0x30: {  	s3 =	sld [smem:$0x3FAD]  }
0x31: {  	[smem:$0x3FB6] =	sst s10  }
0x32: {  	s10 =	sld [smem:$0x3FB4];
	_ =	sdelay $0x3  }
0x33: {  	p0 =	seq.s32 s10, $0x1;
	s10 =	sld [smem:$0x3FB6];
	_ =	sdelay $0x3  }
0x34: {  	[smem:$0x3FB6] =	sst s10  }
0x35: {  	s10 =	sld [smem:$0x3FB5];
	_ =	sdelay $0x3  }
0x36: {  	p1 =	seq.s32 s10, $0x1;
	s10 =	sld [smem:$0x3FB6];
	_ =	sdelay $0x3  }
0x37: {  	[smem:$0x3FB6] =	sst s10  }
0x38: {  	s10 =	sld [smem:$0x3FB7]  }
0x39: {  	_ = 	snop;
	(pc) =	sbr.ind lr, $3  }
0x3a: {  	_ = 	snop  }
0x3b: {  	_ = 	snop  }
0x3c: {  	p2 =	seq.s32 s10, $0x1;
	s10 =	sld [smem:$0x3FB6]  }
0x3d: {  	_ =	shalt  }
0x3e: {  	_ =	shalt  }
0x3f: {  	_ =	shalt  }
0x40: {  	_ =	shalt  }
0x41: {  	_ =	shalt  }
0x42: {  	_ =	shalt  }
0x43: {  	_ =	shalt  }
0x44: {  	_ =	shalt  }
0x45: {  	_ =	shalt  }
0x46: {  	_ =	shalt  }
0x47: {  	_ =	shalt  }
0x48: {  	_ =	shalt  }
0x49: {  	_ =	shalt  }
0x4a: {  	_ =	shalt  }
0x4b: {  	_ =	shalt  }
0x4c: {  	_ =	shalt  }
0x4d: {  	_ =	shalt  }
0x4e: {  	_ =	shalt  }
0x4f: {  	_ =	shalt  }
0x50: {  	_ =	shalt  }
0x51: {  	_ =	shalt  }
0x52: {  	_ =	shalt  }
0x53: {  	_ =	shalt  }
0x54: {  	_ =	shalt  }
0x55: {  	_ =	shalt  }
0x56: {  	_ =	shalt  }
0x57: {  	_ =	shalt  }
0x58: {  	_ =	shalt  }
0x59: {  	_ =	shalt  }
0x5a: {  	_ =	shalt  }
0x5b: {  	_ =	shalt  }
0x5c: {  	_ =	shalt  }
0x5d: {  	_ =	shalt  }
0x5e: {  	_ =	shalt  }
0x5f: {  	_ =	shalt  }
0x60: {  	_ =	shalt  }
0x61: {  	_ =	shalt  }
0x62: {  	_ =	shalt  }
0x63: {  	_ =	shalt  }
0x64: {  	_ =	shalt  }
0x65: {  	_ =	shalt  }
0x66: {  	_ =	shalt  }
0x67: {  	_ =	shalt  }
0x68: {  	_ =	shalt  }
0x69: {  	_ =	shalt  }
0x6a: {  	_ =	shalt  }
0x6b: {  	_ =	shalt  }
0x6c: {  	_ =	shalt  }
0x6d: {  	_ =	shalt  }
0x6e: {  	_ =	shalt  }
0x6f: {  	_ =	shalt  }
0x70: {  	_ =	shalt  }
0x71: {  	_ =	shalt  }
0x72: {  	_ =	shalt  }
0x73: {  	_ =	shalt  }
0x74: {  	_ =	shalt  }
0x75: {  	_ =	shalt  }
0x76: {  	_ =	shalt  }
0x77: {  	_ =	shalt  }
0x78: {  	_ =	shalt  }
0x79: {  	_ =	shalt  }
0x7a: {  	_ =	shalt  }
0x7b: {  	_ =	shalt  }
0x7c: {  	_ =	shalt  }
0x7d: {  	_ =	shalt  }
0x7e: {  	_ =	shalt  }
0x7f: {  	_ =	shalt  }
0x80: {  	_ =	shalt  }
0x81: {  	_ =	shalt  }
0x82: {  	_ =	shalt  }
0x83: {  	_ =	shalt  }
0x84: {  	_ =	shalt  }
0x85: {  	_ =	shalt  }
0x86: {  	_ =	shalt  }
0x87: {  	_ =	shalt  }
.Lfunc_end0:
.L_simem_size_0:
called_computation.2_lowered:
.L_overlay_start_0:
0x88: {  	s2 =	sld [smem:$0x3FD9]  }
0x89: {  	s3 =	sld [smem:$0x3FFE];
	_ =	sdelay $0x1  }
0x8a: {  	s1 =	srdreg.scid  }
0x8b: {  	s0 =	sand.u32 $0x1, s1  }
0x8c: {  	s17 =	sshll.u32 s0, $0xA;
	s2 =	sadd.s32 s3, s2  }
0x8d: {  	s2 =	sadd.s32 s2, s17  }
0x8e: {  	[smem:$0x3FC2] =	sst s2  }
0x8f: {  	_ = 	snop  }
0x90: {  	s2 =	sld [smem:$0x3FC8]  }
0x91: {  	s18 =	sld [smem:$0x3FD0];
	(tm) =	ssettm $0x1  }
0x92: {  	s4 =	sld [smem:$0x3FFB];
	_ =	sdelay $0x3  }
0x93: {  	_ =	strace s4  }
0x94: {  	s4 =	sld [smem:$0x3FFC];
	_ =	sdelay $0x3  }
0x95: {  	_ =	strace s4  }
0x96: {  	s4 =	sld [smem:$0x3FFD];
	_ =	sdelay $0x3  }
0x97: {  	_ =	strace s4  }
0x98: {  	_ =	strace $0x8FFFFFFF  }
0x99: {  	s19 =	sld [smem:$0x3FDB];
	_ =	sdelay $0x1  }
0x9a: {  	s5 =	simm.s32 $_scs_section_size  }
0x9b: {  	s6 =	simm.s32 $_size__tile_overlayer_lowered;
	s7 =	simm.s32 $_tile_overlayer_lowered  }
0x9c: {  	s22 =	simm.s32 $0x1BFF;
	s21 =	sshll.u32 s7, $0x1;
	s4 =	sadd.s32 s5, s19  }
0x9d: {  	s8 =	simm.s32 $0x0;
	s20 =	sshll.u32 s6, $0x1;
	s6 =	sadd.s32 s21, s4  }
0x9e: {  	[timem:s8], [sflag:s22] =	dma.local [hbm:s6], s20  }
0x9f: {  	_ =	swait.ge [sflag:s22], s20  }
0xa0: {  	s5 =	ssub.s32 $0x0, s20;
	[sflag:s22] =	ssyncset.done $0x0  }
0xa1: {  	[sflag:s22] =	ssyncadd.s32 s5;
	_ =	sdelay $0x1  }
0xa2: {  	s23 =	simm.s32 $0x1B8B  }
0xa3: {  	_ =	swait.ge [sflag:s23], $0x1  }
0xa4: {  	[sflag:s23] =	ssyncset.done $0x0  }
0xa5: {  	s25 =	simm.s32 $0x1B8E;
	s24 =	sld [smem:$0x3FFE];
	[sflag:s23] =	ssyncadd.s32 $0xFFFFFFFF  }
0xa6: {  	s26 =	simm.s32 $execute0_lowered;
	[smem:$0x3FD2] =	sst s25  }
0xa7: {  	s6 =	sshll.u32 s26, $0x1;
	_ =	strace $0x8000004C;
	[dreg:$0x1] =	wrdreg $0xFFFFFFFF  }
0xa8: {  	s28 =	simm.s32 $_size_execute0_lowered;
	s4 =	sadd.s32 s4, s6;
	[dreg:$0x0] =	wrdreg $0x0  }
0xa9: {  	s6 =	sshll.u32 s28, $0x1;
	[dreg:$0x2] =	wrdreg s4  }
0xaa: {  	[dreg:$0x3] =	wrdreg s6  }
0xab: {  	[dreg:$0x4] =	wrdreg $0xC0  }
0xac: {  	_ =	task [dreg:s8], $0x5FFFF  }
0xad: {  	[dreg:$0x1] =	wrdreg $0xFFFFFFFF  }
0xae: {  	[dreg:$0x0] =	wrdreg $0x60  }
0xaf: {  	[dreg:$0x2] =	wrdreg s2  }
0xb0: {  	[dreg:$0x3] =	wrdreg s24  }
0xb1: {  	[dreg:$0x4] =	wrdreg s18  }
0xb2: {  	[dreg:$0x5] =	wrdreg $0x5F000  }
0xb3: {  	[dreg:$0x6] =	wrdreg $0x9  }
0xb4: {  	_ =	task.clear_ibuf [dreg:s8], $0x7FFFF;
	_ =	strace $0x9000004C  }
0xb5: {  	s29 =	simm.s32 $0x9;
	_ =	strace $0x8000004E  }
0xb6: {  	_ =	swait.ge [sflag:s29], $0x1  }
0xb7: {  	[sflag:s29] =	ssyncadd.s32 $0xFFFFFFFF  }
0xb8: {  	_ =	strace $0x9000004E  }
0xb9: {  	_ =	sfence  }
0xba: {  	s30 =	sld [smem:$0x0];
	_ =	sdelay $0x2  }
0xbb: {  	s31 =	sshll.u32 s1, $0xD;
	s1 =	sshrl.u32 s1, $0x2  }
0xbc: {  	s3 =	sand.u32 $0x4000, s31;
	s1 =	sadd.s32 s1, s30  }
0xbd: {  	s0 =	sor.u32 s3, s0;
	s1 =	sshll.u32 s1, $0x11  }
0xbe: {  	s0 =	sor.u32 s1, s0  }
0xbf: {  	s0 =	sadd.s32 $0x8F2B, s0  }
0xc0: {  	[sflag:s0] =	ssyncadd.remote.s32 $0x1  }
0xc1: {  	_ =	sfence.sel $0xFFFF  }
0xc2: {  	[dreg:$0x0] =	wrdreg $0xFFFFFFFF;
	(pc) =	sbr.abs _section_cstart, $3  }
0xc3: {  	[dreg:$0x1] =	wrdreg $0xFFFFFFFF  }
0xc4: {  	_ =	task.clear_ibuf [dreg:s8], $0x2FFFF;
	_ =	strace $0x9FFFFFFF  }
0xc5: {  	(tm) =	ssettm $0x7FFFFFFF  }
tec
execute0_lowered:
.L_overlay_start_1:
0x0: {  	(tag) =	ssettag $0x1  }
0x1: {  	s0 =	rddreg [dreg:$0x0]  }
0x2: {  	s1 =	rddreg [dreg:$0x1]  }
0x3: {  	s3 =	rddreg [dreg:$0x3];
	s4 =	simm.s32 $0x0  }
0x4: {  	s2 =	srdreg.scid;
	s15 =	stileid.u32;
	s16 =	simm.s32 $0x1  }
0x5: {  	s17 =	simm.s32 $0x80;
	s18 =	simm.s32 $0x3;
	s23 =	smul.u32 $0x18800, s15  }
0x6: {  	s19 =	simm.s32 $0x2;
	s28 =	simm.s32 $0x4F00;
	s10 =	smul.u32 $0x190, s15  }
0x7: {  	s29 =	simm.s32 $0x980;
	s30 =	simm.s32 $0x5700;
	s13 =	smul.u32 $0x19000, s15  }
0x8: {  	s31 =	simm.s32 $0x0;
	s2 =	sand.u32 $0x1, s2;
	s25 =	smul.u32 $0x3200, s15  }
0x9: {  	[smem:$0x7FF] =	sst s4;
	s5 =	sadd.s32 $0x2000, s1;
	s7 =	smul.u32 $0x188000, s2  }
0xa: {  	s6 =	sadd.s32 $0x4600, s1;
	s24 =	sshll.u32 s15, $0x6;
	s8 =	smul.u32 $0x1900, s2  }
0xb: {  	s15 =	simm.s32 $0x4;
	s9 =	ssub.s32 $0x2, s2;
	s12 =	smul.u32 $0x190000, s2  }
0xc: {  	_ =	strace $0x8000004D;
	s2 =	smul.u32 $0x32000, s2;
	s11 =	sshrl.u32 s9, $0x1  }
0xd: {  	s4 =	sadd.s32 s23, s3;
	s7 =	sadd.s32 s23, s7;
	s11 =	ssub.s32 s9, s11  }
0xe: {  	s14 =	sadd.s32 s10, s8;
	s26 =	sadd.s32 s13, s12;
	s7 =	sshrl.u32 s7, $0x3  }
.Ltmp0:
0xf: {  	s8 =	sshll.u32 s14, $0x5;
	s10 =	smax.u32 s11, $0x1;
	(pc) =	sbr.rel .LBB2_1-.Ltmp0, $4  }
0x10: {  	s1 =	sadd.s32 s7, s1;
	s8 =	sadd.s32 s0, s8;
	s0 =	sadd.s32 s2, s0  }
0x11: {  	s7 =	sor.u32 $0x1C04, s24;
	s9 =	sadd.s32 $0x35600, s1;
	s0 =	sadd.s32 s25, s0  }
0x12: {  	s1 =	sadd.s32 $0xFFCF3100, s26;
	s25 =	simm.s32 $0x4700;
	s26 =	simm.s32 $0x880  }
0x13: {  	s2 =	sadd.s32 $0xA0, s0;
	s0 =	sor.u32 $0x5, s14;
	s14 =	sshrl.u32 s4, $0x3  }
.LBB2_5:
0x14: {  	_ =	swait.ge [sflag:s18], $0x2800  }
0x15: {  	[sflag:s18] =	ssyncset.done $0x0  }
0x16: {  	[sflag:s18] =	ssyncadd.s32 $0xFFFFD800  }
0x17: {  	_ =	swait.ge [sflag:s19], $0x2800  }
0x18: {  	[sflag:s19] =	ssyncset.done $0x0  }
0x19: {  	s4 =	simm.s32 $0x580;
	s11 =	simm.s32 $0x3700;
	[sflag:s19] =	ssyncadd.s32 $0xFFFFD800  }
0x1a: {  	[spmem:s3] =	stream.indirect.scatter.add.f32 [tilespmem:s11], [sflag:$0x3], $0x10, s4, s17, $0xb8;
	[tilespmem:$0x1E700] =	vst v63  }
0x1b: {  	s22 =	simm.s32 $0x680;
	s23 =	simm.s32 $0x3F00  }
0x1c: {  	[spmem:s3] =	stream.indirect.scatter.add.f32 [tilespmem:s23], [sflag:$0x3], $0x10, s22, s17, $0xb8;
	[tilespmem:$0x1E700] =	vst v63  }
0x1d: {  	s24 =	simm.s32 $0x780  }
0x1e: {  	[spmem:s3] =	stream.indirect.scatter.add.f32 [tilespmem:s25], [sflag:$0x3], $0x10, s24, s17, $0xb8;
	[tilespmem:$0x1E700] =	vst v63  }
0x1f: {  	_ = 	snop  }
0x20: {  	[spmem:s3] =	stream.indirect.scatter.add.f32 [tilespmem:s28], [sflag:$0x3], $0x10, s26, s17, $0xb8;
	[tilespmem:$0x1E700] =	vst v63  }
0x21: {  	_ = 	snop  }
0x22: {  	[spmem:s3] =	stream.indirect.scatter.add.f32 [tilespmem:s30], [sflag:$0x3], $0x10, s29, s17, $0xb8;
	[tilespmem:$0x1E700] =	vst v63  }
0x23: {  	_ =	swait.ge [sflag:s18], $0x2800  }
0x24: {  	s31 =	sadd.s32 $0x1, s31;
	[sflag:s18] =	ssyncset.done $0x0  }
0x25: {  	p0 =	sne.s32 s31, s10;
	[sflag:s18] =	ssyncadd.s32 $0xFFFFD800  }
.Ltmp1:
0x26: {  	[bflag:$0x0] =	sbarrier.arrive $0xFFFF;
	(pc) =	sbr.rel @!p0 .LBB2_6-.Ltmp1, $4  }
0x27: {  	[hbm:s9], [sflag:s7] =	dma.local [spmem:s14], $0x3100  }
0x28: {  	_ =	swait.ge [sflag:s15], $0x3100  }
0x29: {  	[sflag:s15] =	ssyncset.done $0x0  }
0x2a: {  	[sflag:s15] =	ssyncadd.s32 $0xFFFFCF00  }
.LBB2_1:
0x2b: {  	s4 =	rddreg [dreg:$0x2]  }
0x2c: {  	[spmem:s14], [sflag:s7] =	dma.local [hbm:s4], $0x3100  }
.Ltmp2:
0x2d: {  	_ =	swait.ge [sflag:s15], $0x3100;
	(pc) =	sbr.rel .LBB2_2-.Ltmp2, $4  }
0x2e: {  	s24 =	simm.s32 $0x0;
	[sflag:s15] =	ssyncset.done $0x0  }
0x2f: {  	s13 =	smov.u32 s0;
	s12 =	smov.u32 s2;
	[sflag:s15] =	ssyncadd.s32 $0xFFFFCF00  }
0x30: {  	s11 =	smov.u32 s1;
	s4 =	simm.s32 $0x0;
	[bflag:$0x0] =	sbarrier.arrive $0xFFFF  }
0x31: {  	[tilespmem:s24], [sflag:$0x1] =	stream.linear.gather [hbm4b:s8+s24], $0x500, $0x38;
	[tilespmem:$0x1E700] =	vst v63  }
.LBB2_4:
0x32: {  	s21 =	smul.u32 $0xAB, s4;
	_ =	sdelay $0x1  }
0x33: {  	s21 =	sshrl.u32 s21, $0x9  }
0x34: {  	s21 =	sand.u32 $0x7F, s21  }
0x35: {  	s21 =	smul.u32 $0x3, s21;
	_ =	sdelay $0x1  }
0x36: {  	s21 =	ssub.s32 s4, s21  }
0x37: {  	s23 =	sand.u32 $0x1, s4;
	s21 =	sand.u32 $0xFF, s21  }
0x38: {  	p0 =	seq.s32 s23, $0x1;
	s4 =	simm.s32 $0x2800;
	s21 =	smul.u32 $0x1400, s21  }
0x39: {  	s4 =	simm.s32 @!p0 $0x0  }
0x3a: {  	s22 =	sadd.s32 $0xF00, s4;
	s21 =	sshrl.u32 s21, $0x2  }
0x3b: {  	[tilespmem:s22], [sflag:$0x2] =	stream.indirect.gather [hbm4b:s6+s17], $0x10, s21, s17, $0xb8;
	[tilespmem:$0x1E700] =	vst v63  }
0x3c: {  	s24 =	sor.u32 $0x1700, s4;
	s23 =	sadd.s32 $0x100, s21  }
0x3d: {  	[tilespmem:s24], [sflag:$0x2] =	stream.indirect.gather [hbm4b:s6+s17], $0x10, s23, s17, $0xb8;
	[tilespmem:$0x1E700] =	vst v63  }
0x3e: {  	p0 =	sne.s32 s20, $0x50;
	s23 =	sadd.s32 $0x1F00, s4;
	s24 =	sadd.s32 $0x200, s21  }
0x3f: {  	[tilespmem:s23], [sflag:$0x2] =	stream.indirect.gather [hbm4b:s6+s17], $0x10, s24, s17, $0xb8;
	[tilespmem:$0x1E700] =	vst v63  }
.Ltmp3:
0x40: {  	s23 =	sadd.s32 $0x2700, s4;
	s24 =	sadd.s32 $0x300, s21;
	(pc) =	sbr.rel @!p0 .LBB2_5-.Ltmp3, $4  }
0x41: {  	[tilespmem:s23], [sflag:$0x2] =	stream.indirect.gather [hbm4b:s6+s17], $0x10, s24, s17, $0xb8;
	[tilespmem:$0x1E700] =	vst v63  }
0x42: {  	s11 =	sadd.s32 $0x500, s11;
	s4 =	sadd.s32 $0x2F00, s4;
	s21 =	sadd.s32 $0x400, s21  }
0x43: {  	[tilespmem:s4], [sflag:$0x2] =	stream.indirect.gather [hbm4b:s6+s17], $0x10, s21, s17, $0xb8;
	[tilespmem:$0x1E700] =	vst v63  }
0x44: {  	s12 =	sadd.s32 $0xA0, s12;
	s13 =	sadd.s32 $0x5, s13;
	s4 =	smov.u32 s20  }
.LBB2_2:
0x45: {  	p1 =	slt.u32 s4, $0x2  }
0x46: {  	p0 =	seq.s32 @!p1 s4, $0x4F  }
0x47: {  	s20 =	sadd.s32 $0x1, s4;
	p0 =	por p1, !p0  }
0x48: {  	s21 =	smul.u32 @p0 $0xAB, s20;
	_ =	sdelay $0x1  }
0x49: {  	_ =	swait.ge [sflag:s16], $0x500;
	s21 =	sshrl.u32 @p0 s21, $0x9  }
0x4a: {  	[sflag:s16] =	ssyncset.done $0x0;
	s21 =	sand.u32 @p0 $0x7F, s21  }
0x4b: {  	s22 =	simm.s32 @!p1 $0x3;
	[sflag:s16] =	ssyncadd.s32 $0xFFFFFB00;
	s21 =	smul.u32 @p0 $0x3, s21  }
0x4c: {  	_ =	swait.ge @!p1 [sflag:s22], $0x2800;
	p2 =	slt.u32 @p0 s13, $0x30D4  }
0x4d: {  	s23 =	sshrl.u32 @p0 s11, $0x3;
	[sflag:s22] =	ssyncset.done @!p1 $0x0;
	s21 =	ssub.s32 @p0 s20, s21  }
0x4e: {  	[sflag:s22] =	ssyncadd.s32 @!p1 $0xFFFFD800;
	s22 =	sadd.s32 @p0 s5, s23;
	s21 =	sand.u32 @p0 $0xFF, s21  }
0x4f: {  	p1 =	por !p2, !p0;
	s23 =	smov.u32 s12;
	s21 =	smul.u32 @p0 $0x1400, s21  }
0x50: {  	s23 =	smov.u32 @p1 s22  }
0x51: {  	s22 =	simm.s32 @p0 $0x0;
	p1 =	seq.s32 @p0 s4, $0x0;
	s21 =	sshrl.u32 @p0 s21, $0x2  }
0x52: {  	[tilespmem:s21], [sflag:$0x1] =	stream.linear.gather @p0 [hbm4b:s23+s22], $0x500, $0x38;
	[tilespmem:$0x1E700] =	vst v63  }
0x53: {  	p0 =	por !p0, !p1  }
.Ltmp4:
0x54: {  	_ = 	snop;
	(pc) =	sbr.rel @!p0 .LBB2_4-.Ltmp4, $1  }
0x55: {  	_ =	sdelay $0x3  }
0x56: {  	s21 =	sadd.s32 $0x2, s4  }
0x57: {  	s22 =	sand.u32 $0xFF, s21  }
0x58: {  	s22 =	smul.u32 $0xAB, s22;
	_ =	sdelay $0x1  }
0x59: {  	s22 =	sshrl.u32 s22, $0x9  }
0x5a: {  	s22 =	smul.u32 $0x3, s22;
	_ =	sdelay $0x1  }
0x5b: {  	s21 =	ssub.s32 s21, s22  }
0x5c: {  	s21 =	sand.u32 $0xFF, s21  }
0x5d: {  	s24 =	sand.u32 $0x1, s20;
	s21 =	smul.u32 $0x1400, s21  }
0x5e: {  	_ =	swait.ge [sflag:s19], $0x2800;
	p0 =	seq.s32 s24, $0x1;
	s22 =	simm.s32 $0x2800  }
0x5f: {  	[sflag:s19] =	ssyncset.done $0x0;
	s22 =	simm.s32 @!p0 $0x0;
	s21 =	sshrl.u32 s21, $0x2  }
0x60: {  	[sflag:s19] =	ssyncadd.s32 $0xFFFFD800;
	s23 =	sadd.s32 $0xF00, s22;
	s24 =	sor.u32 $0x80, s21  }
0x61: {  	[spmem:s3] =	stream.indirect.scatter.add.f32 [tilespmem:s23], [sflag:$0x3], $0x10, s24, s17, $0xb8;
	[tilespmem:$0x1E700] =	vst v63  }
0x62: {  	s23 =	sor.u32 $0x1700, s22;
	s24 =	sadd.s32 $0x180, s21  }
0x63: {  	[spmem:s3] =	stream.indirect.scatter.add.f32 [tilespmem:s23], [sflag:$0x3], $0x10, s24, s17, $0xb8;
	[tilespmem:$0x1E700] =	vst v63  }
0x64: {  	s23 =	sadd.s32 $0x1F00, s22;
	s24 =	sadd.s32 $0x280, s21  }
0x65: {  	[spmem:s3] =	stream.indirect.scatter.add.f32 [tilespmem:s23], [sflag:$0x3], $0x10, s24, s17, $0xb8;
	[tilespmem:$0x1E700] =	vst v63  }
.Ltmp5:
0x66: {  	_ = 	snop;
	(pc) =	sbr.rel .LBB2_4-.Ltmp5, $4  }
0x67: {  	s23 =	sadd.s32 $0x2700, s22;
	s24 =	sadd.s32 $0x380, s21  }
0x68: {  	[spmem:s3] =	stream.indirect.scatter.add.f32 [tilespmem:s23], [sflag:$0x3], $0x10, s24, s17, $0xb8;
	[tilespmem:$0x1E700] =	vst v63  }
0x69: {  	s22 =	sadd.s32 $0x2F00, s22;
	s21 =	sadd.s32 $0x480, s21  }
0x6a: {  	[spmem:s3] =	stream.indirect.scatter.add.f32 [tilespmem:s22], [sflag:$0x3], $0x10, s21, s17, $0xb8;
	[tilespmem:$0x1E700] =	vst v63  }
.LBB2_6:
0x6b: {  	_ =	sfence.sel $0x180000  }
0x6c: {  	[bflag:$0x0] =	sbarrier.arrive $0xFFFF  }
0x6d: {  	_ =	strace $0x9000004D  }
0x6e: {  	s0 =	stileid.u32;
	[bflag:$0x2] =	sbarrier.arrive $0xFFFF  }
0x6f: {  	p0 =	sne.s32 s0, $0x0;
	s0 =	rddreg [dreg:$0x4]  }
0x70: {  	s0 =	sadd.s32 @!p0 $0x100000, s0  }
0x71: {  	[sflag:s0] =	ssyncadd.tile.s32 @!p0 $0x1;
	_ =	shalt  }
.Lfunc_end2:
_tile_overlayer_lowered:
.L_overlay_start_2:
0x72: {  	(tag) =	ssettag $0x2  }
0x73: {  	s0 =	rddreg [dreg:$0x0];
	s2 =	stileid.u32  }
0x74: {  	s1 =	rddreg [dreg:$0x1];
	p0 =	sne.s32 s2, $0x0  }
0x75: {  	s3 =	rddreg [dreg:$0x2];
	[bflag:$0x3] =	sbarrier.arrive $0xFFFF;
	s2 =	simm.s32 @!p0 $0x1C04  }
0x76: {  	[timem:s3], [sflag:s2] =	dma.local @!p0 [hbm:s0], s1  }
0x77: {  	s0 =	simm.s32 @!p0 $0x4  }
0x78: {  	_ =	swait.ge @!p0 [sflag:s0], s1  }
0x79: {  	s1 =	ssub.s32 @!p0 $0x0, s1;
	[sflag:s0] =	ssyncset.done @!p0 $0x0  }
0x7a: {  	[sflag:s0] =	ssyncadd.s32 @!p0 s1  }
0x7b: {  	[bflag:$0x3] =	sbarrier.arrive $0xFFFF  }
0x7c: {  	_ =	shalt  }

// kernel: _run.8.cloned.1.call-start
scs
__scs_entry_jumppad:
0x0: {  	(pc) =	sbr.rel $0x88, $3  }
0x1: {  	(tag) =	ssettag $0x0;
	lr =	simm.s32 $0x1  }
0x2: {  	[smem:$0x3F9B] =	sst lr;
	_ =	strace $0xD0000000  }
0x3: {  	_ = 	snop  }
0x4: {  	_ = 	snop  }
0x5: {  	_ = 	snop  }
0x6: {  	_ = 	snop  }
0x7: {  	_ = 	snop  }
__scs_overlays_trampoline_lowered:
0x8: {  	[smem:$0x3FAA] =	sst s0  }
0x9: {  	[smem:$0x3FAB] =	sst s1  }
0xa: {  	[smem:$0x3FAC] =	sst s2  }
0xb: {  	[smem:$0x3FAD] =	sst s3  }
0xc: {  	[smem:$0x3FAE] =	sst s4  }
0xd: {  	[smem:$0x3FAF] =	sst s5  }
0xe: {  	[smem:$0x3FB0] =	sst s6  }
0xf: {  	[smem:$0x3FB1] =	sst s7  }
0x10: {  	[smem:$0x3FB2] =	sst s8  }
0x11: {  	[smem:$0x3FB3] =	sst s9;
	s0 =	simm.s32 @!p0 $0x0  }
0x12: {  	s1 =	sld [smem:$0x3F99];
	s0 =	simm.s32 @p0 $0x1  }
0x13: {  	[smem:$0x3FB4] =	sst s0;
	s0 =	simm.s32 @!p1 $0x0  }
0x14: {  	s2 =	sld [smem:$0x3F98];
	s0 =	simm.s32 @p1 $0x1  }
0x15: {  	[smem:$0x3FB5] =	sst s0;
	s0 =	simm.s32 @!p2 $0x0  }
0x16: {  	s3 =	sld [smem:$0x3FDB];
	s0 =	simm.s32 @p2 $0x1  }
0x17: {  	s4 =	simm.s32 $0x1BF5;
	[smem:$0x3FB7] =	sst s0  }
0x18: {  	s0 =	sld [smem:$0x3F9A];
	_ =	swait.ge [sflag:s4], $0x0  }
0x19: {  	s7 =	sld [smem:$0x3F9B]  }
0x1a: {  	s8 =	sadd.s32 $0xFFFFE003, lr  }
0x1b: {  	s9 =	sadd.s32 $0xFFFFFEF7, lr;
	s5 =	simm.s32 $0xFFFFFFFF;
	p2 =	slt.u32 s8, $0xFFFFF086  }
0x1c: {  	p1 =	slt.u32 s9, $0xF7A;
	s5 =	simm.s32 @!p2 $0x0  }
0x1d: {  	s5 =	simm.s32 @p1 $0x1;
	p0 =	seq.s32 s7, s2  }
0x1e: {  	s7 =	smul.u32 @!p0 $0xF7A, s2;
	p2 =	seq.s32 @!p0 s5, $0x0  }
0x1f: {  	s9 =	smul.u32 $0xF7A, s1;
	s8 =	simm.s32 @!p0 $0x1BF5;
	p2 =	por !p2, p0  }
0x20: {  	[sflag:s8] =	ssyncset.s32 @!p0 $0xFFFFF086;
	s6 =	sadd.s32 @!p0 s3, s7;
	s7 =	simm.s32 @!p0 $0x108  }
0x21: {  	s3 =	sadd.s32 s3, s9;
	s6 =	sadd.s32 @!p0 $0x88, s6;
	s7 =	simm.s32 @p2 $0x1082  }
0x22: {  	[simem:s7], [sflag:s8] =	dma.local @!p0 [hbm:s6], $0xF7A  }
0x23: {  	s9 =	sor.u32 $0xD0000000, s2;
	s6 =	simm.s32 $0x108;
	_ =	swait.ge @!p0 [sflag:s8], $0x0  }
0x24: {  	s3 =	sadd.s32 $0x88, s3;
	s6 =	simm.s32 @!p1 $0x1082;
	[sflag:s4] =	ssyncset.s32 $0xFFFFF086  }
0x25: {  	[simem:s6], [sflag:s4] =	dma.local [hbm:s3], $0xF7A  }
0x26: {  	[smem:$0x3F9B] =	sst s1;
	(tag) =	ssettag s2;
	_ =	strace s9  }
0x27: {  	s1 =	sld [smem:$0x3FAB]  }
0x28: {  	s2 =	sld [smem:$0x3FAC]  }
0x29: {  	s4 =	sld [smem:$0x3FAE]  }
0x2a: {  	p0 =	seq.s32 s5, $0x0;
	s5 =	sld [smem:$0x3FAF]  }
0x2b: {  	s6 =	sld [smem:$0x3FB0]  }
0x2c: {  	s7 =	sld [smem:$0x3FB1]  }
0x2d: {  	s3 =	simm.s32 $0x108;
	s8 =	sld [smem:$0x3FB2]  }
0x2e: {  	s3 =	simm.s32 @!p0 $0x1082;
	s9 =	sld [smem:$0x3FB3]  }
0x2f: {  	lr =	sadd.s32 s0, s3;
	s0 =	sld [smem:$0x3FAA]  }
0x30: {  	s3 =	sld [smem:$0x3FAD]  }
0x31: {  	[smem:$0x3FB6] =	sst s10  }
0x32: {  	s10 =	sld [smem:$0x3FB4];
	_ =	sdelay $0x3  }
0x33: {  	p0 =	seq.s32 s10, $0x1;
	s10 =	sld [smem:$0x3FB6];
	_ =	sdelay $0x3  }
0x34: {  	[smem:$0x3FB6] =	sst s10  }
0x35: {  	s10 =	sld [smem:$0x3FB5];
	_ =	sdelay $0x3  }
0x36: {  	p1 =	seq.s32 s10, $0x1;
	s10 =	sld [smem:$0x3FB6];
	_ =	sdelay $0x3  }
0x37: {  	[smem:$0x3FB6] =	sst s10  }
0x38: {  	s10 =	sld [smem:$0x3FB7]  }
0x39: {  	_ = 	snop;
	(pc) =	sbr.ind lr, $3  }
0x3a: {  	_ = 	snop  }
0x3b: {  	_ = 	snop  }
0x3c: {  	p2 =	seq.s32 s10, $0x1;
	s10 =	sld [smem:$0x3FB6]  }
0x3d: {  	_ =	shalt  }
0x3e: {  	_ =	shalt  }
0x3f: {  	_ =	shalt  }
0x40: {  	_ =	shalt  }
0x41: {  	_ =	shalt  }
0x42: {  	_ =	shalt  }
0x43: {  	_ =	shalt  }
0x44: {  	_ =	shalt  }
0x45: {  	_ =	shalt  }
0x46: {  	_ =	shalt  }
0x47: {  	_ =	shalt  }
0x48: {  	_ =	shalt  }
0x49: {  	_ =	shalt  }
0x4a: {  	_ =	shalt  }
0x4b: {  	_ =	shalt  }
0x4c: {  	_ =	shalt  }
0x4d: {  	_ =	shalt  }
0x4e: {  	_ =	shalt  }
0x4f: {  	_ =	shalt  }
0x50: {  	_ =	shalt  }
0x51: {  	_ =	shalt  }
0x52: {  	_ =	shalt  }
0x53: {  	_ =	shalt  }
0x54: {  	_ =	shalt  }
0x55: {  	_ =	shalt  }
0x56: {  	_ =	shalt  }
0x57: {  	_ =	shalt  }
0x58: {  	_ =	shalt  }
0x59: {  	_ =	shalt  }
0x5a: {  	_ =	shalt  }
0x5b: {  	_ =	shalt  }
0x5c: {  	_ =	shalt  }
0x5d: {  	_ =	shalt  }
0x5e: {  	_ =	shalt  }
0x5f: {  	_ =	shalt  }
0x60: {  	_ =	shalt  }
0x61: {  	_ =	shalt  }
0x62: {  	_ =	shalt  }
0x63: {  	_ =	shalt  }
0x64: {  	_ =	shalt  }
0x65: {  	_ =	shalt  }
0x66: {  	_ =	shalt  }
0x67: {  	_ =	shalt  }
0x68: {  	_ =	shalt  }
0x69: {  	_ =	shalt  }
0x6a: {  	_ =	shalt  }
0x6b: {  	_ =	shalt  }
0x6c: {  	_ =	shalt  }
0x6d: {  	_ =	shalt  }
0x6e: {  	_ =	shalt  }
0x6f: {  	_ =	shalt  }
0x70: {  	_ =	shalt  }
0x71: {  	_ =	shalt  }
0x72: {  	_ =	shalt  }
0x73: {  	_ =	shalt  }
0x74: {  	_ =	shalt  }
0x75: {  	_ =	shalt  }
0x76: {  	_ =	shalt  }
0x77: {  	_ =	shalt  }
0x78: {  	_ =	shalt  }
0x79: {  	_ =	shalt  }
0x7a: {  	_ =	shalt  }
0x7b: {  	_ =	shalt  }
0x7c: {  	_ =	shalt  }
0x7d: {  	_ =	shalt  }
0x7e: {  	_ =	shalt  }
0x7f: {  	_ =	shalt  }
0x80: {  	_ =	shalt  }
0x81: {  	_ =	shalt  }
0x82: {  	_ =	shalt  }
0x83: {  	_ =	shalt  }
0x84: {  	_ =	shalt  }
0x85: {  	_ =	shalt  }
0x86: {  	_ =	shalt  }
0x87: {  	_ =	shalt  }
.Lfunc_end0:
.L_simem_size_0:
called_computation_lowered:
.L_overlay_start_0:
0x88: {  	s2 =	sld [smem:$0x3FD9]  }
0x89: {  	s3 =	sld [smem:$0x3FFE];
	_ =	sdelay $0x1  }
0x8a: {  	s1 =	srdreg.scid  }
0x8b: {  	s0 =	sand.u32 $0x1, s1  }
0x8c: {  	s17 =	sshll.u32 s0, $0xA;
	s2 =	sadd.s32 s3, s2  }
0x8d: {  	s2 =	sadd.s32 s2, s17  }
0x8e: {  	[smem:$0x3FC2] =	sst s2  }
0x8f: {  	_ = 	snop  }
0x90: {  	s2 =	sld [smem:$0x3FC8]  }
0x91: {  	s18 =	sld [smem:$0x3FD0];
	(tm) =	ssettm $0x1  }
0x92: {  	s4 =	sld [smem:$0x3FFB];
	_ =	sdelay $0x3  }
0x93: {  	_ =	strace s4  }
0x94: {  	s4 =	sld [smem:$0x3FFC];
	_ =	sdelay $0x3  }
0x95: {  	_ =	strace s4  }
0x96: {  	s4 =	sld [smem:$0x3FFD];
	_ =	sdelay $0x3  }
0x97: {  	_ =	strace s4  }
0x98: {  	_ =	strace $0x8FFFFFFF  }
0x99: {  	s19 =	sld [smem:$0x3FDB];
	_ =	sdelay $0x1  }
0x9a: {  	s5 =	simm.s32 $_scs_section_size  }
0x9b: {  	s6 =	simm.s32 $_size__tile_overlayer_lowered;
	s7 =	simm.s32 $_tile_overlayer_lowered  }
0x9c: {  	s22 =	simm.s32 $0x1BFF;
	s21 =	sshll.u32 s7, $0x1;
	s4 =	sadd.s32 s5, s19  }
0x9d: {  	s8 =	simm.s32 $0x0;
	s20 =	sshll.u32 s6, $0x1;
	s6 =	sadd.s32 s21, s4  }
0x9e: {  	[timem:s8], [sflag:s22] =	dma.local [hbm:s6], s20  }
0x9f: {  	_ =	swait.ge [sflag:s22], s20  }
0xa0: {  	s5 =	ssub.s32 $0x0, s20;
	[sflag:s22] =	ssyncset.done $0x0  }
0xa1: {  	[sflag:s22] =	ssyncadd.s32 s5;
	_ =	sdelay $0x1  }
0xa2: {  	s23 =	simm.s32 $0x1B8B  }
0xa3: {  	_ =	swait.ge [sflag:s23], $0x1  }
0xa4: {  	[sflag:s23] =	ssyncset.done $0x0  }
0xa5: {  	s25 =	simm.s32 $0x1B8E;
	s24 =	sld [smem:$0x3FFE];
	[sflag:s23] =	ssyncadd.s32 $0xFFFFFFFF  }
0xa6: {  	s26 =	simm.s32 $execute0_lowered;
	[smem:$0x3FD2] =	sst s25  }
0xa7: {  	s6 =	sshll.u32 s26, $0x1;
	_ =	strace $0x80000046;
	[dreg:$0x1] =	wrdreg $0xFFFFFFFF  }
0xa8: {  	s28 =	simm.s32 $_size_execute0_lowered;
	s4 =	sadd.s32 s4, s6;
	[dreg:$0x0] =	wrdreg $0x0  }
0xa9: {  	s6 =	sshll.u32 s28, $0x1;
	[dreg:$0x2] =	wrdreg s4  }
0xaa: {  	[dreg:$0x3] =	wrdreg s6  }
0xab: {  	[dreg:$0x4] =	wrdreg $0xC0  }
0xac: {  	_ =	task [dreg:s8], $0x5FFFF  }
0xad: {  	[dreg:$0x1] =	wrdreg $0xFFFFFFFF  }
0xae: {  	[dreg:$0x0] =	wrdreg $0x60  }
0xaf: {  	[dreg:$0x2] =	wrdreg s2  }
0xb0: {  	[dreg:$0x3] =	wrdreg s24  }
0xb1: {  	[dreg:$0x4] =	wrdreg s18  }
0xb2: {  	[dreg:$0x5] =	wrdreg $0x1BF000  }
0xb3: {  	[dreg:$0x6] =	wrdreg $0x9  }
0xb4: {  	_ =	task.clear_ibuf [dreg:s8], $0x7FFFF;
	_ =	strace $0x90000046  }
0xb5: {  	s29 =	simm.s32 $0x9;
	_ =	strace $0x80000048  }
0xb6: {  	_ =	swait.ge [sflag:s29], $0x1  }
0xb7: {  	[sflag:s29] =	ssyncadd.s32 $0xFFFFFFFF  }
0xb8: {  	_ =	strace $0x90000048  }
0xb9: {  	_ =	sfence  }
0xba: {  	s30 =	sld [smem:$0x0];
	_ =	sdelay $0x2  }
0xbb: {  	s31 =	sshll.u32 s1, $0xD;
	s1 =	sshrl.u32 s1, $0x2  }
0xbc: {  	s3 =	sand.u32 $0x4000, s31;
	s1 =	sadd.s32 s1, s30  }
0xbd: {  	s0 =	sor.u32 s3, s0;
	s1 =	sshll.u32 s1, $0x11  }
0xbe: {  	s0 =	sor.u32 s1, s0  }
0xbf: {  	s0 =	sadd.s32 $0x8F2B, s0  }
0xc0: {  	[sflag:s0] =	ssyncadd.remote.s32 $0x1  }
0xc1: {  	_ =	sfence.sel $0xFFFF  }
0xc2: {  	[dreg:$0x0] =	wrdreg $0xFFFFFFFF;
	(pc) =	sbr.abs _section_cstart, $3  }
0xc3: {  	[dreg:$0x1] =	wrdreg $0xFFFFFFFF  }
0xc4: {  	_ =	task.clear_ibuf [dreg:s8], $0x2FFFF;
	_ =	strace $0x9FFFFFFF  }
0xc5: {  	(tm) =	ssettm $0x7FFFFFFF  }
tec
execute0_lowered:
.L_overlay_start_1:
0x0: {  	(tag) =	ssettag $0x1  }
0x1: {  	s1 =	rddreg [dreg:$0x0]  }
0x2: {  	s7 =	rddreg [dreg:$0x1]  }
0x3: {  	s2 =	rddreg [dreg:$0x2]  }
0x4: {  	s3 =	rddreg [dreg:$0x3];
	s4 =	srdreg.scid  }
0x5: {  	s0 =	rddreg [dreg:$0x4];
	s5 =	simm.s32 $0x0;
	s15 =	simm.s32 $0x1  }
0x6: {  	s16 =	simm.s32 $0x80;
	s17 =	simm.s32 $0x1E00;
	s6 =	sand.u32 $0x1, s4  }
0x7: {  	s18 =	simm.s32 $0x2;
	s4 =	stileid.u32;
	s8 =	smul.u32 $0x188000, s6  }
0x8: {  	s19 =	simm.s32 $0x1E80;
	s20 =	simm.s32 $0x3700;
	s9 =	smul.u32 $0x18800, s4  }
0x9: {  	s21 =	simm.s32 $0x0;
	[smem:$0x7FF] =	sst s5;
	s10 =	smul.u32 $0x6200, s4  }
0xa: {  	_ =	strace $0x80000047;
	s28 =	ssub.s32 $0x2, s6;
	s11 =	smul.u32 $0x1900, s6  }
0xb: {  	s13 =	smul.u32 $0x190, s4;
	s6 =	sadd.s32 $0x2000, s7;
	s12 =	sshrl.u32 s28, $0x1  }
0xc: {  	s30 =	sshll.u32 s4, $0x6;
	s8 =	sadd.s32 s9, s8;
	s12 =	ssub.s32 s28, s12  }
0xd: {  	s29 =	sshrl.u32 s10, $0x2;
	s9 =	sor.u32 $0x1C03, s30;
	s8 =	sshrl.u32 s8, $0x3  }
0xe: {  	s12 =	smax.u32 s12, $0x1;
	s14 =	sadd.s32 s8, s7;
	s7 =	sadd.s32 s13, s11  }
0xf: {  	s8 =	sadd.s32 s29, s3;
	s31 =	sshll.u32 s7, $0x5;
	s11 =	sadd.s32 $0x4600, s14  }
0x10: {  	v0 =	vimm.f32 $1.000000000e+00;
	s13 =	sshrl.u32 s8, $0x3;
	s14 =	simm.s32 $0x3;
	s10 =	sadd.s32 s1, s31  }
.LBB2_1:
0x11: {  	[tilespmem:$0x1E00] =	vst v0  }
0x12: {  	[tilespmem:$0x1E10] =	vst v0  }
0x13: {  	[tilespmem:$0x1E20] =	vst v0  }
0x14: {  	[tilespmem:$0x1E30] =	vst v0  }
0x15: {  	[tilespmem:$0x1E40] =	vst v0  }
0x16: {  	[tilespmem:$0x1E50] =	vst v0  }
0x17: {  	[tilespmem:$0x1E60] =	vst v0  }
0x18: {  	[tilespmem:$0x1E70] =	vst v0  }
0x19: {  	[spmem:s13], [sflag:s9] =	dma.local [hbm:s2], $0x310  }
.Ltmp0:
0x1a: {  	_ =	swait.ge [sflag:s14], $0x310;
	(pc) =	sbr.rel .LBB2_2-.Ltmp0, $4  }
0x1b: {  	[sflag:s14] =	ssyncset.done $0x0  }
0x1c: {  	[sflag:s14] =	ssyncadd.s32 $0xFFFFFCF0  }
0x1d: {  	s23 =	simm.s32 $0x0;
	[bflag:$0x0] =	sbarrier.arrive $0xFFFF  }
0x1e: {  	[tilespmem:s5], [sflag:$0x1] =	stream.linear.gather [hbm4b:s10+s5], $0xA00, $0x38;
	[tilespmem:$0x1D780] =	vst v63  }
.LBB2_4:
0x1f: {  	s24 =	smul.u32 $0xAB, s23;
	_ =	sdelay $0x1  }
0x20: {  	s24 =	sshrl.u32 s24, $0x9  }
0x21: {  	s24 =	sand.u32 $0x7F, s24  }
0x22: {  	s24 =	smul.u32 $0x3, s24;
	_ =	sdelay $0x1  }
0x23: {  	s28 =	ssub.s32 s23, s24  }
0x24: {  	s23 =	sand.u32 $0xFF, s28  }
0x25: {  	s23 =	smul.u32 $0x2800, s23;
	_ =	sdelay $0x1  }
0x26: {  	s23 =	sshrl.u32 s23, $0x2  }
0x27: {  	s29 =	sor.u32 $0x80, s23  }
0x28: {  	[spmem:s3] =	stream.indirect.scatter.add.f32 [tilespmem:s17], [sflag:$0x2], $0x1, s29, s16, $0xb8;
	[tilespmem:$0x1D780] =	vst v63  }
0x29: {  	s30 =	sor.u32 $0x180, s23  }
0x2a: {  	[spmem:s3] =	stream.indirect.scatter.add.f32 [tilespmem:s17], [sflag:$0x2], $0x1, s30, s16, $0xb8;
	[tilespmem:$0x1D780] =	vst v63  }
0x2b: {  	s31 =	sadd.s32 $0x280, s23  }
0x2c: {  	[spmem:s3] =	stream.indirect.scatter.add.f32 [tilespmem:s17], [sflag:$0x2], $0x1, s31, s16, $0xb8;
	[tilespmem:$0x1D780] =	vst v63  }
0x2d: {  	s25 =	sadd.s32 $0x380, s23  }
0x2e: {  	[spmem:s3] =	stream.indirect.scatter.add.f32 [tilespmem:s17], [sflag:$0x2], $0x1, s25, s16, $0xb8;
	[tilespmem:$0x1D780] =	vst v63  }
0x2f: {  	s26 =	sadd.s32 $0x480, s23  }
0x30: {  	[spmem:s3] =	stream.indirect.scatter.add.f32 [tilespmem:s17], [sflag:$0x2], $0x1, s26, s16, $0xb8;
	[tilespmem:$0x1D780] =	vst v63  }
0x31: {  	s28 =	sadd.s32 $0x580, s23  }
0x32: {  	[spmem:s3] =	stream.indirect.scatter.add.f32 [tilespmem:s17], [sflag:$0x2], $0x1, s28, s16, $0xb8;
	[tilespmem:$0x1D780] =	vst v63  }
0x33: {  	s29 =	sadd.s32 $0x680, s23  }
0x34: {  	[spmem:s3] =	stream.indirect.scatter.add.f32 [tilespmem:s17], [sflag:$0x2], $0x1, s29, s16, $0xb8;
	[tilespmem:$0x1D780] =	vst v63  }
0x35: {  	p0 =	slt.u32 s22, $0x28;
	s30 =	sadd.s32 $0x780, s23  }
0x36: {  	[spmem:s3] =	stream.indirect.scatter.add.f32 [tilespmem:s17], [sflag:$0x2], $0x1, s30, s16, $0xb8;
	[tilespmem:$0x1D780] =	vst v63  }
.Ltmp1:
0x37: {  	s31 =	sadd.s32 $0x880, s23;
	(pc) =	sbr.rel @!p0 .LBB2_5-.Ltmp1, $4  }
0x38: {  	[spmem:s3] =	stream.indirect.scatter.add.f32 [tilespmem:s17], [sflag:$0x2], $0x1, s31, s16, $0xb8;
	[tilespmem:$0x1D780] =	vst v63  }
0x39: {  	s23 =	sadd.s32 $0x980, s23  }
0x3a: {  	[spmem:s3] =	stream.indirect.scatter.add.f32 [tilespmem:s17], [sflag:$0x2], $0x1, s23, s16, $0xb8;
	[tilespmem:$0x1D780] =	vst v63  }
0x3b: {  	s23 =	smov.u32 s22  }
.LBB2_2:
0x3c: {  	p0 =	slt.u32 s23, $0x2  }
0x3d: {  	p1 =	seq.s32 @!p0 s23, $0x27  }
0x3e: {  	_ =	swait.ge [sflag:s15], $0xA00;
	p1 =	por p0, !p1  }
.Ltmp2:
0x3f: {  	[sflag:s15] =	ssyncset.done $0x0;
	(pc) =	sbr.rel @!p1 .LBB2_4-.Ltmp2, $4  }
0x40: {  	s22 =	simm.s32 @!p0 $0x2;
	[sflag:s15] =	ssyncadd.s32 $0xFFFFF600  }
0x41: {  	_ =	swait.ge @!p0 [sflag:s22], $0x500  }
0x42: {  	[sflag:s22] =	ssyncset.done @!p0 $0x0  }
0x43: {  	[sflag:s22] =	ssyncadd.s32 @!p0 $0xFFFFFB00;
	s22 =	simm.s32 @!p0 $0x28  }
0x44: {  	s22 =	sadd.s32 $0x1, s23  }
0x45: {  	s24 =	smul.u32 $0xAB, s22;
	_ =	sdelay $0x1  }
0x46: {  	s25 =	smul.u32 $0xA, s22;
	s24 =	sshrl.u32 s24, $0x9  }
0x47: {  	s24 =	sand.u32 $0x7F, s24  }
0x48: {  	s25 =	sadd.s32 s7, s25;
	s24 =	smul.u32 $0x3, s24  }
0x49: {  	p0 =	sgt.u32 s25, $0x30D3  }
0x4a: {  	s26 =	sshll.u32 @p0 s25, $0x8;
	s24 =	ssub.s32 s22, s24  }
.Ltmp3:
0x4b: {  	s26 =	sadd.s32 @p0 $0xFFCF2C00, s26;
	s24 =	sand.u32 $0xFF, s24;
	(pc) =	sbr.rel .LBB2_4-.Ltmp3, $4  }
0x4c: {  	s25 =	sshll.u32 @!p0 s25, $0x5;
	s26 =	sshrl.u32 @p0 s26, $0x3;
	s24 =	smul.u32 $0x2800, s24  }
0x4d: {  	s25 =	sadd.s32 @!p0 s1, s25;
	s26 =	sadd.s32 @p0 s6, s26  }
0x4e: {  	s25 =	smov.u32 @p0 s26;
	s24 =	sshrl.u32 s24, $0x2  }
0x4f: {  	[tilespmem:s24], [sflag:$0x1] =	stream.linear.gather [hbm4b:s25+s5], $0xA00, $0x38;
	[tilespmem:$0x1D780] =	vst v63  }
.LBB2_5:
0x50: {  	_ =	swait.ge [sflag:s18], $0x500  }
0x51: {  	[sflag:s18] =	ssyncset.done $0x0  }
0x52: {  	[sflag:s18] =	ssyncadd.s32 $0xFFFFFB00  }
0x53: {  	_ =	swait.ge [sflag:s18], $0x500  }
0x54: {  	[sflag:s18] =	ssyncset.done $0x0  }
0x55: {  	s22 =	simm.s32 $0x0;
	[sflag:s18] =	ssyncadd.s32 $0xFFFFFB00  }
0x56: {  	v1 =	vmov s22;
	[bflag:$0x0] =	sbarrier.arrive $0xFFFF  }
0x57: {  	[tilespmem:s19], [sflag:$0x3] =	stream.linear.gather [spmem:s8], $0x1880, $0x38;
	[tilespmem:$0x1D780] =	vst v63  }
0x58: {  	_ =	swait.ge [sflag:s14], $0x1880  }
0x59: {  	[sflag:s14] =	ssyncset.done $0x0  }
0x5a: {  	[sflag:s14] =	ssyncadd.s32 $0xFFFFE780  }
0x5b: {  	s31 =	simm.s32 $0x1;
	v1 =	vld.idx.msk [tilespmem:v1+s19+$0x0], $0xffff  }
0x5c: {  	v2 =	vmov s31;
	_ =	sdelay $0x2  }
0x5d: {  	s22 =	simm.s32 $0x3700  }
0x5e: {  	[tilespmem:s22+$0x0] =	vst v1  }
0x5f: {  	s23 =	simm.s32 $0x2;
	v1 =	vld.idx.msk [tilespmem:v2+s19+$0x0], $0xffff  }
0x60: {  	v2 =	vmov s23;
	s23 =	simm.s32 $0x3  }
.LBB2_6:
0x61: {  	p0 =	sne.s32 s23, $0x187F;
	_ =	sdelay $0x1  }
.Ltmp4:
0x62: {  	s22 =	sadd.s32 $0x10, s22;
	(pc) =	sbr.rel @p0 .LBB2_6-.Ltmp4, $3  }
0x63: {  	[tilespmem:s22+$0x0] =	vst v1  }
0x64: {  	v1 =	vld.idx.msk [tilespmem:v2+s19+$0x0], $0xffff;
	_ =	sdelay $0x1  }
0x65: {  	v2 =	vmov s23;
	s23 =	sadd.s32 $0x1, s23  }
0x66: {  	_ =	sdelay $0x1  }
0x67: {  	s22 =	sadd.s32 $0x10, s22  }
0x68: {  	[tilespmem:s22+$0x0] =	vst v1  }
0x69: {  	v1 =	vld.idx.msk [tilespmem:v2+s19+$0x0], $0xffff;
	_ =	sdelay $0x2  }
0x6a: {  	s21 =	sadd.s32 $0x1, s21  }
0x6b: {  	p0 =	sne.s32 s21, s12;
	s22 =	sadd.s32 $0x10, s22  }
.Ltmp5:
0x6c: {  	[tilespmem:s22+$0x0] =	vst v1;
	(pc) =	sbr.rel @p0 .LBB2_1-.Ltmp5, $4  }
0x6d: {  	[hbm4b:s11+s5] =	stream.linear.scatter [tilespmem:s20], [sflag:$0x3], $0x18800, $0x38;
	[tilespmem:$0x1D780] =	vst v63  }
0x6e: {  	_ =	swait.ge [sflag:s14], $0x18800  }
0x6f: {  	[sflag:s14] =	ssyncset.done $0x0  }
0x70: {  	[sflag:s14] =	ssyncadd.s32 $0xFFFE7800  }
0x71: {  	_ =	sfence.sel $0x180000  }
0x72: {  	[bflag:$0x0] =	sbarrier.arrive $0xFFFF  }
0x73: {  	p0 =	sne.s32 s4, $0x0;
	_ =	strace $0x90000047  }
0x74: {  	s0 =	sadd.s32 @!p0 $0x100000, s0;
	[bflag:$0x2] =	sbarrier.arrive $0xFFFF  }
0x75: {  	[sflag:s0] =	ssyncadd.tile.s32 @!p0 $0x1;
	_ =	shalt  }
.Lfunc_end2:
_tile_overlayer_lowered:
.L_overlay_start_2:
0x76: {  	(tag) =	ssettag $0x2  }
0x77: {  	s0 =	rddreg [dreg:$0x0];
	s2 =	stileid.u32  }
0x78: {  	s1 =	rddreg [dreg:$0x1];
	p0 =	sne.s32 s2, $0x0  }
0x79: {  	s3 =	rddreg [dreg:$0x2];
	[bflag:$0x3] =	sbarrier.arrive $0xFFFF;
	s2 =	simm.s32 @!p0 $0x1C03  }
0x7a: {  	[timem:s3], [sflag:s2] =	dma.local @!p0 [hbm:s0], s1  }
0x7b: {  	s0 =	simm.s32 @!p0 $0x3  }
0x7c: {  	_ =	swait.ge @!p0 [sflag:s0], s1  }
0x7d: {  	s1 =	ssub.s32 @!p0 $0x0, s1;
	[sflag:s0] =	ssyncset.done @!p0 $0x0  }
0x7e: {  	[sflag:s0] =	ssyncadd.s32 @!p0 s1  }
0x7f: {  	[bflag:$0x3] =	sbarrier.arrive $0xFFFF  }
0x80: {  	_ =	shalt  }

</sc_bundles>
